<compile_context>
chip_gen: v7x
topology: tpu7x:2x2x1
jax: 0.10.2.dev20260603
libtpu: 0.0.44.dev20260713+nightly
codegen_flags: <defaults>
</compile_context>

<pallas_src>
import functools

import jax
import jax.numpy as jnp
from jax import lax
from jax.experimental import pallas as pl
from jax.experimental.pallas import tpu as pltpu
from jax.experimental.pallas import tpu_sc as plsc

_OUT_DIM = 64
_PAD_DIM = 128
_TAB_ROWS = 5128

_NC = 2
_NS = 16
_NW = _NC * _NS

_CHUNK = 200


def _table_body(pos_emb_ref, w_ref, b_ref, t_ref):
    t = lax.dot_general(
        pos_emb_ref[...], w_ref[...],
        dimension_numbers=(((1,), (1,)), ((), ())),
        preferred_element_type=jnp.float32,
    ) + b_ref[...]
    t_ref[...] = jnp.pad(t, ((0, _TAB_ROWS - t.shape[0]), (0, _PAD_DIM - t.shape[1])))


def _make_table(pos_emb, W, b):
    return pl.pallas_call(
        _table_body,
        out_shape=jax.ShapeDtypeStruct((_TAB_ROWS, _PAD_DIM), jnp.float32),
    )(pos_emb, W, b.reshape(1, _OUT_DIM))


def _gather_body(n_per_w, n_chunks, hist, table_hbm, idx_hbm, out_hbm,
                 idx_all, g0, g1, c0, c1, sg0, sg1, sw0, sw1):
    cid = lax.axis_index("c")
    sid = lax.axis_index("s")
    wid = sid * _NC + cid
    base = wid * n_per_w

    pltpu.sync_copy(idx_hbm.at[pl.ds(base, n_per_w)], idx_all)

    def gather_pair(i, g):
        idx_s = idx_all.at[pl.ds(i * _CHUNK, _CHUNK)]
        return table_hbm.at[idx_s], g

    def start_gather(i, g, sem):
        src, dst = gather_pair(i, g)
        pltpu.async_copy(src, dst, sem)

    def wait_gather(i, g, sem):
        src, dst = gather_pair(i, g)
        pltpu.make_async_copy(src, dst, sem).wait()

    def bridge(g, c):
        def row(r, carry):
            for half in range(2):
                for cc in range(_OUT_DIM // 16):
                    c[r, pl.ds(half * _OUT_DIM + cc * 16, 16)] = (
                        g[2 * r + half, pl.ds(cc * 16, 16)])
            return carry
        lax.fori_loop(0, _CHUNK // 2, row, 0, unroll=10)

    def out_slice(i):
        return out_hbm.at[(base + i * _CHUNK) // hist]

    start_gather(0, g0, sg0)
    start_gather(1, g1, sg1)

    def pair(j, carry):
        i0 = j * 2

        @pl.when(j > 0)
        def _():
            pltpu.make_async_copy(c0, out_slice(0), sw0).wait()

        wait_gather(i0, g0, sg0)
        bridge(g0, c0)
        pltpu.async_copy(c0, out_slice(i0), sw0)

        @pl.when(j < n_chunks // 2 - 1)
        def _():
            start_gather(i0 + 2, g0, sg0)

        @pl.when(j > 0)
        def _():
            pltpu.make_async_copy(c1, out_slice(1), sw1).wait()

        wait_gather(i0 + 1, g1, sg1)
        bridge(g1, c1)
        pltpu.async_copy(c1, out_slice(i0 + 1), sw1)

        @pl.when(j < n_chunks // 2 - 1)
        def _():
            start_gather(i0 + 3, g1, sg1)

        return carry

    lax.fori_loop(0, n_chunks // 2, pair, 0)

    pltpu.make_async_copy(c0, out_slice(0), sw0).wait()
    pltpu.make_async_copy(c1, out_slice(1), sw1).wait()


def _make_gather(batch, hist):
    n_total = batch * hist
    n_per_w = n_total // _NW
    n_chunks = n_per_w // _CHUNK
    assert n_chunks % 2 == 0 and _CHUNK == hist
    mesh = plsc.VectorSubcoreMesh(core_axis_name="c", subcore_axis_name="s")
    return functools.partial(
        pl.kernel,
        mesh=mesh,
        out_type=jax.ShapeDtypeStruct((batch, hist // 2, _PAD_DIM), jnp.float32),
        scratch_types=[
            pltpu.VMEM((n_per_w,), jnp.int32),
            pltpu.VMEM((_CHUNK, _PAD_DIM), jnp.float32),
            pltpu.VMEM((_CHUNK, _PAD_DIM), jnp.float32),
            pltpu.VMEM((_CHUNK // 2, _PAD_DIM), jnp.float32),
            pltpu.VMEM((_CHUNK // 2, _PAD_DIM), jnp.float32),
            pltpu.SemaphoreType.DMA,
            pltpu.SemaphoreType.DMA,
            pltpu.SemaphoreType.DMA,
            pltpu.SemaphoreType.DMA,
        ],
    )(functools.partial(_gather_body, n_per_w, n_chunks, hist))


def kernel(positions, pos_emb, W, b):
    batch, hist = positions.shape
    n_total = batch * hist
    table = _make_table(pos_emb, W, b)
    idx = positions.reshape(n_total).astype(jnp.int32)
    out2 = _make_gather(batch, hist)(table, idx)
    return out2.reshape(batch, hist, _OUT_DIM)

# --- scband reference (transcript-rebuilt; emitter-appended) ---
"""Pipeline reference for scband-position-embedding-15229954032167 (READ-ONLY COPY).

The authoritative reference and input builder live on the scoring server;
editing this copy changes nothing except your own understanding.
"""

import jax, jax.numpy as jnp
import numpy as np

MAX_POS = 5120
OUT_DIM = 64
BATCH = 4096
HIST = 200


def _make_pos_emb():
    in_dim = MAX_POS + 1
    positions = jnp.arange(0, in_dim, dtype=jnp.float32)
    inv_freq = 1.0 / (10000.0 ** (jnp.arange(0.0, OUT_DIM, 2.0, dtype=jnp.float32) / OUT_DIM))
    sinusoid = jnp.outer(positions, inv_freq)
    evens = np.arange(0, OUT_DIM, 2)
    odds = evens + 1
    pos_emb = jnp.zeros((in_dim, OUT_DIM), dtype=jnp.float32)
    pos_emb = pos_emb.at[:, odds].set(jnp.sin(sinusoid))
    pos_emb = pos_emb.at[:, evens].set(jnp.cos(sinusoid))
    return pos_emb


def setup_inputs(seed: int = 0) -> dict:
    key = jax.random.key(seed)
    k1, k2, k3 = jax.random.split(key, 3)
    positions = jax.random.randint(k1, (BATCH, HIST), 0, MAX_POS)
    pos_emb = _make_pos_emb()
    # nn.Linear(out_dim, out_dim): weight [out, in], bias [out]
    bound = 1.0 / np.sqrt(OUT_DIM)
    W = jax.random.uniform(k2, (OUT_DIM, OUT_DIM), dtype=jnp.float32, minval=-bound, maxval=bound)
    b = jax.random.uniform(k3, (OUT_DIM,), dtype=jnp.float32, minval=-bound, maxval=bound)
    return {"positions": positions, "pos_emb": pos_emb, "W": W, "b": b}


def reference(positions, pos_emb, W, b):
    # embeds = stack([pos_emb[p] for p in positions]) == pos_emb[positions] (gather)
    embeds = jnp.take(pos_emb, positions, axis=0)  # [B, L, out_dim]
    # nn.Linear: x @ W.T + b
    x = jnp.einsum('bld,od->blo', embeds, W) + b
    return x

if __name__ == "__main__":
    import jax
    _d = setup_inputs()
    print(jax.jit(kernel)(*tuple(_d.values())))

</pallas_src>

<mosaic_0001>
#map = affine_map<(d0, d1) -> (0, 0)>
#map1 = affine_map<(d0, d1) -> (0)>
#map2 = affine_map<(d0, d1) -> (0, 0, 0)>
module attributes {stable_mosaic.version = 14 : i64} {
  func.func @_gather_body(%arg0: i32, %arg1: i32, %arg2: memref<5128x128xf32, #tpu.memory_space<hbm>>, %arg3: memref<819200xi32, #tpu.memory_space<hbm>>, %arg4: memref<4096x100x128xf32, #tpu.memory_space<hbm>>, %arg5: memref<25600xi32, #tpu.memory_space<vmem>>, %arg6: memref<200x128xf32, #tpu.memory_space<vmem>>, %arg7: memref<200x128xf32, #tpu.memory_space<vmem>>, %arg8: memref<100x128xf32, #tpu.memory_space<vmem>>, %arg9: memref<100x128xf32, #tpu.memory_space<vmem>>, %arg10: memref<!tpu.dma_semaphore, #tpu.memory_space<semaphore_mem>>, %arg11: memref<!tpu.dma_semaphore, #tpu.memory_space<semaphore_mem>>, %arg12: memref<!tpu.dma_semaphore, #tpu.memory_space<semaphore_mem>>, %arg13: memref<!tpu.dma_semaphore, #tpu.memory_space<semaphore_mem>>) attributes {dimension_semantics = [#tpu.dimension_semantics<core_parallel>, #tpu.dimension_semantics<subcore_parallel>], iteration_bounds = array<i64: 2, 16>, scalar_prefetch = 0 : i64, scratch_operands = 9 : i64, tpu.core_type = #tpu.core_type<sc_vector_subcore>, window_params = [{transform_indices = #map}, {transform_indices = #map1}, {transform_indices = #map2}]} {
    %mul3A = arith.constant 2 : i32
    %mul3A_0 = arith.muli %arg1, %mul3A : i32
    %add3A = arith.addi %mul3A_0, %arg0 : i32
    %mul3A_1 = arith.constant 25600 : i32
    %mul3A_2 = arith.muli %add3A, %mul3A_1 : i32
    "tpu.region"() ({
      %run_scoped3A = tpu.sem_alloc : memref<!tpu.dma_semaphore, #tpu.memory_space<semaphore_mem>>
      %dma_start3A_76 = tpu.memref_slice %arg3[%mul3A_2] : memref<819200xi32, #tpu.memory_space<hbm>> -> memref<25600xi32, #tpu.memory_space<hbm>>
      %dma_start3A_77 = tpu.memref_slice %arg3[%mul3A_2] : memref<819200xi32, #tpu.memory_space<hbm>> -> memref<25600xi32, #tpu.memory_space<hbm>>
      tpu.enqueue_dma source(%dma_start3A_77 : memref<25600xi32, #tpu.memory_space<hbm>>) target(%arg5 : memref<25600xi32, #tpu.memory_space<vmem>>) target_semaphore(%run_scoped3A : memref<!tpu.dma_semaphore, #tpu.memory_space<semaphore_mem>>)
      %dma_wait3A_78 = tpu.memref_slice %arg3[%mul3A_2] : memref<819200xi32, #tpu.memory_space<hbm>> -> memref<25600xi32, #tpu.memory_space<hbm>>
      %dma_wait3A_79 = tpu.memref_slice %arg3[%mul3A_2] : memref<819200xi32, #tpu.memory_space<hbm>> -> memref<25600xi32, #tpu.memory_space<hbm>>
      tpu.wait_dma2 semaphore(%run_scoped3A : memref<!tpu.dma_semaphore, #tpu.memory_space<semaphore_mem>>) src(%dma_wait3A_79 : memref<25600xi32, #tpu.memory_space<hbm>>) dst(%arg5 : memref<25600xi32, #tpu.memory_space<vmem>>)
      tpu.yield
    }) : () -> ()
    %dma_start3A = arith.constant 0 : i32
    %dma_start3A_3 = tpu.memref_slice %arg5[%dma_start3A] : memref<25600xi32, #tpu.memory_space<vmem>> -> memref<200xi32, #tpu.memory_space<vmem>>
    %dma_start3A_4 = arith.constant 0 : i32
    %dma_start3A_5 = arith.constant 0 : i32
    %dma_start3A_6 = tpu.memref_slice %arg2[%dma_start3A_4, %dma_start3A_5] : memref<5128x128xf32, #tpu.memory_space<hbm>> -> memref<5128x128xf32, #tpu.memory_space<hbm>>
    tpu.enqueue_indirect_dma source(%dma_start3A_6 : memref<5128x128xf32, #tpu.memory_space<hbm>>) target(%arg6 : memref<200x128xf32, #tpu.memory_space<vmem>>) offsets(%dma_start3A_3 : memref<200xi32, #tpu.memory_space<vmem>>) semaphore(%arg10 : memref<!tpu.dma_semaphore, #tpu.memory_space<semaphore_mem>>)
    %dma_start3A_7 = arith.constant 200 : i32
    %dma_start3A_8 = tpu.memref_slice %arg5[%dma_start3A_7] : memref<25600xi32, #tpu.memory_space<vmem>> -> memref<200xi32, #tpu.memory_space<vmem>>
    %dma_start3A_9 = arith.constant 0 : i32
    %dma_start3A_10 = arith.constant 0 : i32
    %dma_start3A_11 = tpu.memref_slice %arg2[%dma_start3A_9, %dma_start3A_10] : memref<5128x128xf32, #tpu.memory_space<hbm>> -> memref<5128x128xf32, #tpu.memory_space<hbm>>
    tpu.enqueue_indirect_dma source(%dma_start3A_11 : memref<5128x128xf32, #tpu.memory_space<hbm>>) target(%arg7 : memref<200x128xf32, #tpu.memory_space<vmem>>) offsets(%dma_start3A_8 : memref<200xi32, #tpu.memory_space<vmem>>) semaphore(%arg11 : memref<!tpu.dma_semaphore, #tpu.memory_space<semaphore_mem>>)
    %scan3A = arith.constant 0 : i32
    %scan3A_12 = arith.constant 0 : i32
    %scan3A_13 = arith.constant 64 : i32
    %scan3A_14 = arith.addi %scan3A_12, %scan3A_13 : i32
    %scan3A_15 = arith.constant 1 : i32
    scf.for %scan3A_76 = %scan3A_12 to %scan3A_14 step %scan3A_15  : i32 {
      %mul3A_77 = arith.constant 2 : i32
      %mul3A_78 = arith.muli %scan3A_76, %mul3A_77 : i32
      %gt3A = arith.constant 0 : i32
      %gt3A_79 = arith.cmpi sgt, %scan3A_76, %gt3A : i32
      %convert_element_type3A = arith.extui %gt3A_79 : i1 to i32
      %cond3A = arith.constant 0 : i32
      %cond3A_80 = arith.cmpi ne, %convert_element_type3A, %cond3A : i32
      scf.if %cond3A_80 {
        %add3A_193 = arith.constant 0 : i32
        %add3A_194 = arith.addi %mul3A_2, %add3A_193 : i32
        %jit3A_195 = arith.constant 200 : i32
        %div3A_196 = arith.divsi %add3A_194, %jit3A_195 : i32
        %sign3A_197 = arith.constant 0 : i32
        %sign3A_198 = arith.cmpi sgt, %add3A_194, %sign3A_197 : i32
        %sign3A_199 = arith.extui %sign3A_198 : i1 to i32
        %sign3A_200 = arith.constant 0 : i32
        %sign3A_201 = arith.cmpi slt, %add3A_194, %sign3A_200 : i32
        %sign3A_202 = arith.extui %sign3A_201 : i1 to i32
        %sign3A_203 = arith.subi %sign3A_199, %sign3A_202 : i32
        %sign3A_204 = arith.constant 0 : i32
        %sign3A_205 = arith.cmpi sgt, %jit3A_195, %sign3A_204 : i32
        %sign3A_206 = arith.extui %sign3A_205 : i1 to i32
        %sign3A_207 = arith.constant 0 : i32
        %sign3A_208 = arith.cmpi slt, %jit3A_195, %sign3A_207 : i32
        %sign3A_209 = arith.extui %sign3A_208 : i1 to i32
        %sign3A_210 = arith.subi %sign3A_206, %sign3A_209 : i32
        %ne3A_211 = arith.cmpi ne, %sign3A_203, %sign3A_210 : i32
        %rem3A_212 = arith.remsi %add3A_194, %jit3A_195 : i32
        %ne3A_213 = arith.constant 0 : i32
        %ne3A_214 = arith.cmpi ne, %rem3A_212, %ne3A_213 : i32
        %and3A_215 = arith.andi %ne3A_211, %ne3A_214 : i1
        %sub3A_216 = arith.constant 1 : i32
        %sub3A_217 = arith.subi %div3A_196, %sub3A_216 : i32
        %select_n3A_218 = arith.select %and3A_215, %sub3A_217, %div3A_196 : i32
        %dma_wait3A_219 = arith.constant 0 : i32
        %dma_wait3A_220 = arith.constant 0 : i32
        %dma_wait3A_221 = tpu.memref_slice %arg4[%select_n3A_218, %dma_wait3A_219, %dma_wait3A_220] : memref<4096x100x128xf32, #tpu.memory_space<hbm>> -> memref<1x100x128xf32, #tpu.memory_space<hbm>>
        %dma_wait3A_222 = tpu.memref_squeeze %dma_wait3A_221 : memref<1x100x128xf32, #tpu.memory_space<hbm>> -> memref<100x128xf32, #tpu.memory_space<hbm>>
        %dma_wait3A_223 = arith.constant 0 : i32
        %dma_wait3A_224 = arith.constant 0 : i32
        %dma_wait3A_225 = tpu.memref_slice %arg4[%select_n3A_218, %dma_wait3A_223, %dma_wait3A_224] : memref<4096x100x128xf32, #tpu.memory_space<hbm>> -> memref<1x100x128xf32, #tpu.memory_space<hbm>>
        %dma_wait3A_226 = tpu.memref_squeeze %dma_wait3A_225 : memref<1x100x128xf32, #tpu.memory_space<hbm>> -> memref<100x128xf32, #tpu.memory_space<hbm>>
        tpu.wait_dma2 semaphore(%arg12 : memref<!tpu.dma_semaphore, #tpu.memory_space<semaphore_mem>>) src(%arg8 : memref<100x128xf32, #tpu.memory_space<vmem>>) dst(%dma_wait3A_226 : memref<100x128xf32, #tpu.memory_space<hbm>>)
      } else {
      }
      %mul3A_81 = arith.constant 200 : i32
      %mul3A_82 = arith.muli %mul3A_78, %mul3A_81 : i32
      %dma_wait3A_83 = tpu.memref_slice %arg5[%mul3A_82] : memref<25600xi32, #tpu.memory_space<vmem>> -> memref<200xi32, #tpu.memory_space<vmem>>
      %dma_wait3A_84 = arith.constant 0 : i32
      %dma_wait3A_85 = arith.constant 0 : i32
      %dma_wait3A_86 = tpu.memref_slice %arg2[%dma_wait3A_84, %dma_wait3A_85] : memref<5128x128xf32, #tpu.memory_space<hbm>> -> memref<5128x128xf32, #tpu.memory_space<hbm>>
      tpu.wait_indirect_dma semaphore(%arg10 : memref<!tpu.dma_semaphore, #tpu.memory_space<semaphore_mem>>) src(%dma_wait3A_86 : memref<5128x128xf32, #tpu.memory_space<hbm>>) dst(%arg6 : memref<200x128xf32, #tpu.memory_space<vmem>>)
      %scan3A_87 = arith.constant 0 : i32
      %scan3A_88 = arith.constant 0 : i32
      %scan3A_89 = arith.constant 100 : i32
      %scan3A_90 = arith.addi %scan3A_88, %scan3A_89 : i32
      %scan3A_91 = arith.constant 10 : i32
      scf.for %scan3A_193 = %scan3A_88 to %scan3A_90 step %scan3A_91  : i32 {
        %mul3A_194 = arith.constant 2 : i32
        %mul3A_195 = arith.muli %mul3A_194, %scan3A_193 : i32
        %add3A_196 = arith.constant 0 : i32
        %add3A_197 = arith.addi %mul3A_195, %add3A_196 : i32
        %get3A = arith.index_cast %add3A_197 : i32 to index
        %get3A_198 = arith.constant 0 : index
        %get3A_199 = tpu.vector_load %arg6[%get3A, %get3A_198] {strides = array<i32>} : memref<200x128xf32, #tpu.memory_space<vmem>>, vector<1x16xf32>,
        %get3A_200 = vector.shape_cast %get3A_199 : vector<1x16xf32> to vector<16xf32>
        %swap3A = arith.index_cast %scan3A_193 : i32 to index
        %swap3A_201 = arith.constant 0 : index
        %swap3A_202 = tpu.vector_load %arg8[%swap3A, %swap3A_201] {strides = array<i32>} : memref<100x128xf32, #tpu.memory_space<vmem>>, vector<1x16xf32>,
        %swap3A_203 = vector.shape_cast %swap3A_202 : vector<1x16xf32> to vector<16xf32>
        %swap3A_204 = vector.shape_cast %get3A_200 : vector<16xf32> to vector<1x16xf32>
        tpu.vector_store %arg8[%swap3A, %swap3A_201], %swap3A_204 {strides = array<i32>} : memref<100x128xf32, #tpu.memory_space<vmem>>, vector<1x16xf32>,
        %mul3A_205 = arith.constant 2 : i32
        %mul3A_206 = arith.muli %mul3A_205, %scan3A_193 : i32
        %add3A_207 = arith.constant 0 : i32
        %add3A_208 = arith.addi %mul3A_206, %add3A_207 : i32
        %get3A_209 = arith.index_cast %add3A_208 : i32 to index
        %get3A_210 = arith.constant 16 : index
        %get3A_211 = tpu.vector_load %arg6[%get3A_209, %get3A_210] {strides = array<i32>} : memref<200x128xf32, #tpu.memory_space<vmem>>, vector<1x16xf32>,
        %get3A_212 = vector.shape_cast %get3A_211 : vector<1x16xf32> to vector<16xf32>
        %swap3A_213 = arith.index_cast %scan3A_193 : i32 to index
        %swap3A_214 = arith.constant 16 : index
        %swap3A_215 = tpu.vector_load %arg8[%swap3A_213, %swap3A_214] {strides = array<i32>} : memref<100x128xf32, #tpu.memory_space<vmem>>, vector<1x16xf32>,
        %swap3A_216 = vector.shape_cast %swap3A_215 : vector<1x16xf32> to vector<16xf32>
        %swap3A_217 = vector.shape_cast %get3A_212 : vector<16xf32> to vector<1x16xf32>
        tpu.vector_store %arg8[%swap3A_213, %swap3A_214], %swap3A_217 {strides = array<i32>} : memref<100x128xf32, #tpu.memory_space<vmem>>, vector<1x16xf32>,
        %mul3A_218 = arith.constant 2 : i32
        %mul3A_219 = arith.muli %mul3A_218, %scan3A_193 : i32
        %add3A_220 = arith.constant 0 : i32
        %add3A_221 = arith.addi %mul3A_219, %add3A_220 : i32
        %get3A_222 = arith.index_cast %add3A_221 : i32 to index
        %get3A_223 = arith.constant 32 : index
        %get3A_224 = tpu.vector_load %arg6[%get3A_222, %get3A_223] {strides = array<i32>} : memref<200x128xf32, #tpu.memory_space<vmem>>, vector<1x16xf32>,
        %get3A_225 = vector.shape_cast %get3A_224 : vector<1x16xf32> to vector<16xf32>
        %swap3A_226 = arith.index_cast %scan3A_193 : i32 to index
        %swap3A_227 = arith.constant 32 : index
        %swap3A_228 = tpu.vector_load %arg8[%swap3A_226, %swap3A_227] {strides = array<i32>} : memref<100x128xf32, #tpu.memory_space<vmem>>, vector<1x16xf32>,
        %swap3A_229 = vector.shape_cast %swap3A_228 : vector<1x16xf32> to vector<16xf32>
        %swap3A_230 = vector.shape_cast %get3A_225 : vector<16xf32> to vector<1x16xf32>
        tpu.vector_store %arg8[%swap3A_226, %swap3A_227], %swap3A_230 {strides = array<i32>} : memref<100x128xf32, #tpu.memory_space<vmem>>, vector<1x16xf32>,
        %mul3A_231 = arith.constant 2 : i32
        %mul3A_232 = arith.muli %mul3A_231, %scan3A_193 : i32
        %add3A_233 = arith.constant 0 : i32
        %add3A_234 = arith.addi %mul3A_232, %add3A_233 : i32
        %get3A_235 = arith.index_cast %add3A_234 : i32 to index
        %get3A_236 = arith.constant 48 : index
        %get3A_237 = tpu.vector_load %arg6[%get3A_235, %get3A_236] {strides = array<i32>} : memref<200x128xf32, #tpu.memory_space<vmem>>, vector<1x16xf32>,
        %get3A_238 = vector.shape_cast %get3A_237 : vector<1x16xf32> to vector<16xf32>
        %swap3A_239 = arith.index_cast %scan3A_193 : i32 to index
        %swap3A_240 = arith.constant 48 : index
        %swap3A_241 = tpu.vector_load %arg8[%swap3A_239, %swap3A_240] {strides = array<i32>} : memref<100x128xf32, #tpu.memory_space<vmem>>, vector<1x16xf32>,
        %swap3A_242 = vector.shape_cast %swap3A_241 : vector<1x16xf32> to vector<16xf32>
        %swap3A_243 = vector.shape_cast %get3A_238 : vector<16xf32> to vector<1x16xf32>
        tpu.vector_store %arg8[%swap3A_239, %swap3A_240], %swap3A_243 {strides = array<i32>} : memref<100x128xf32, #tpu.memory_space<vmem>>, vector<1x16xf32>,
        %mul3A_244 = arith.constant 2 : i32
        %mul3A_245 = arith.muli %mul3A_244, %scan3A_193 : i32
        %add3A_246 = arith.constant 1 : i32
        %add3A_247 = arith.addi %mul3A_245, %add3A_246 : i32
        %get3A_248 = arith.index_cast %add3A_247 : i32 to index
        %get3A_249 = arith.constant 0 : index
        %get3A_250 = tpu.vector_load %arg6[%get3A_248, %get3A_249] {strides = array<i32>} : memref<200x128xf32, #tpu.memory_space<vmem>>, vector<1x16xf32>,
        %get3A_251 = vector.shape_cast %get3A_250 : vector<1x16xf32> to vector<16xf32>
        %swap3A_252 = arith.index_cast %scan3A_193 : i32 to index
        %swap3A_253 = arith.constant 64 : index
        %swap3A_254 = tpu.vector_load %arg8[%swap3A_252, %swap3A_253] {strides = array<i32>} : memref<100x128xf32, #tpu.memory_space<vmem>>, vector<1x16xf32>,
        %swap3A_255 = vector.shape_cast %swap3A_254 : vector<1x16xf32> to vector<16xf32>
        %swap3A_256 = vector.shape_cast %get3A_251 : vector<16xf32> to vector<1x16xf32>
        tpu.vector_store %arg8[%swap3A_252, %swap3A_253], %swap3A_256 {strides = array<i32>} : memref<100x128xf32, #tpu.memory_space<vmem>>, vector<1x16xf32>,
        %mul3A_257 = arith.constant 2 : i32
        %mul3A_258 = arith.muli %mul3A_257, %scan3A_193 : i32
        %add3A_259 = arith.constant 1 : i32
        %add3A_260 = arith.addi %mul3A_258, %add3A_259 : i32
        %get3A_261 = arith.index_cast %add3A_260 : i32 to index
        %get3A_262 = arith.constant 16 : index
        %get3A_263 = tpu.vector_load %arg6[%get3A_261, %get3A_262] {strides = array<i32>} : memref<200x128xf32, #tpu.memory_space<vmem>>, vector<1x16xf32>,
        %get3A_264 = vector.shape_cast %get3A_263 : vector<1x16xf32> to vector<16xf32>
        %swap3A_265 = arith.index_cast %scan3A_193 : i32 to index
        %swap3A_266 = arith.constant 80 : index
        %swap3A_267 = tpu.vector_load %arg8[%swap3A_265, %swap3A_266] {strides = array<i32>} : memref<100x128xf32, #tpu.memory_space<vmem>>, vector<1x16xf32>,
        %swap3A_268 = vector.shape_cast %swap3A_267 : vector<1x16xf32> to vector<16xf32>
        %swap3A_269 = vector.shape_cast %get3A_264 : vector<16xf32> to vector<1x16xf32>
        tpu.vector_store %arg8[%swap3A_265, %swap3A_266], %swap3A_269 {strides = array<i32>} : memref<100x128xf32, #tpu.memory_space<vmem>>, vector<1x16xf32>,
        %mul3A_270 = arith.constant 2 : i32
        %mul3A_271 = arith.muli %mul3A_270, %scan3A_193 : i32
        %add3A_272 = arith.constant 1 : i32
        %add3A_273 = arith.addi %mul3A_271, %add3A_272 : i32
        %get3A_274 = arith.index_cast %add3A_273 : i32 to index
        %get3A_275 = arith.constant 32 : index
        %get3A_276 = tpu.vector_load %arg6[%get3A_274, %get3A_275] {strides = array<i32>} : memref<200x128xf32, #tpu.memory_space<vmem>>, vector<1x16xf32>,
        %get3A_277 = vector.shape_cast %get3A_276 : vector<1x16xf32> to vector<16xf32>
        %swap3A_278 = arith.index_cast %scan3A_193 : i32 to index
        %swap3A_279 = arith.constant 96 : index
        %swap3A_280 = tpu.vector_load %arg8[%swap3A_278, %swap3A_279] {strides = array<i32>} : memref<100x128xf32, #tpu.memory_space<vmem>>, vector<1x16xf32>,
        %swap3A_281 = vector.shape_cast %swap3A_280 : vector<1x16xf32> to vector<16xf32>
        %swap3A_282 = vector.shape_cast %get3A_277 : vector<16xf32> to vector<1x16xf32>
        tpu.vector_store %arg8[%swap3A_278, %swap3A_279], %swap3A_282 {strides = array<i32>} : memref<100x128xf32, #tpu.memory_space<vmem>>, vector<1x16xf32>,
        %mul3A_283 = arith.constant 2 : i32
        %mul3A_284 = arith.muli %mul3A_283, %scan3A_193 : i32
        %add3A_285 = arith.constant 1 : i32
        %add3A_286 = arith.addi %mul3A_284, %add3A_285 : i32
        %get3A_287 = arith.index_cast %add3A_286 : i32 to index
        %get3A_288 = arith.constant 48 : index
        %get3A_289 = tpu.vector_load %arg6[%get3A_287, %get3A_288] {strides = array<i32>} : memref<200x128xf32, #tpu.memory_space<vmem>>, vector<1x16xf32>,
        %get3A_290 = vector.shape_cast %get3A_289 : vector<1x16xf32> to vector<16xf32>
        %swap3A_291 = arith.index_cast %scan3A_193 : i32 to index
        %swap3A_292 = arith.constant 112 : index
        %swap3A_293 = tpu.vector_load %arg8[%swap3A_291, %swap3A_292] {strides = array<i32>} : memref<100x128xf32, #tpu.memory_space<vmem>>, vector<1x16xf32>,
        %swap3A_294 = vector.shape_cast %swap3A_293 : vector<1x16xf32> to vector<16xf32>
        %swap3A_295 = vector.shape_cast %get3A_290 : vector<16xf32> to vector<1x16xf32>
        tpu.vector_store %arg8[%swap3A_291, %swap3A_292], %swap3A_295 {strides = array<i32>} : memref<100x128xf32, #tpu.memory_space<vmem>>, vector<1x16xf32>,
        %scan3A_296 = arith.constant 1 : i32
        %scan3A_297 = arith.addi %scan3A_193, %scan3A_296 : i32
        %mul3A_298 = arith.constant 2 : i32
        %mul3A_299 = arith.muli %mul3A_298, %scan3A_297 : i32
        %add3A_300 = arith.constant 0 : i32
        %add3A_301 = arith.addi %mul3A_299, %add3A_300 : i32
        %get3A_302 = arith.index_cast %add3A_301 : i32 to index
        %get3A_303 = arith.constant 0 : index
        %get3A_304 = tpu.vector_load %arg6[%get3A_302, %get3A_303] {strides = array<i32>} : memref<200x128xf32, #tpu.memory_space<vmem>>, vector<1x16xf32>,
        %get3A_305 = vector.shape_cast %get3A_304 : vector<1x16xf32> to vector<16xf32>
        %swap3A_306 = arith.index_cast %scan3A_297 : i32 to index
        %swap3A_307 = arith.constant 0 : index
        %swap3A_308 = tpu.vector_load %arg8[%swap3A_306, %swap3A_307] {strides = array<i32>} : memref<100x128xf32, #tpu.memory_space<vmem>>, vector<1x16xf32>,
        %swap3A_309 = vector.shape_cast %swap3A_308 : vector<1x16xf32> to vector<16xf32>
        %swap3A_310 = vector.shape_cast %get3A_305 : vector<16xf32> to vector<1x16xf32>
        tpu.vector_store %arg8[%swap3A_306, %swap3A_307], %swap3A_310 {strides = array<i32>} : memref<100x128xf32, #tpu.memory_space<vmem>>, vector<1x16xf32>,
        %mul3A_311 = arith.constant 2 : i32
        %mul3A_312 = arith.muli %mul3A_311, %scan3A_297 : i32
        %add3A_313 = arith.constant 0 : i32
        %add3A_314 = arith.addi %mul3A_312, %add3A_313 : i32
        %get3A_315 = arith.index_cast %add3A_314 : i32 to index
        %get3A_316 = arith.constant 16 : index
        %get3A_317 = tpu.vector_load %arg6[%get3A_315, %get3A_316] {strides = array<i32>} : memref<200x128xf32, #tpu.memory_space<vmem>>, vector<1x16xf32>,
        %get3A_318 = vector.shape_cast %get3A_317 : vector<1x16xf32> to vector<16xf32>
        %swap3A_319 = arith.index_cast %scan3A_297 : i32 to index
        %swap3A_320 = arith.constant 16 : index
        %swap3A_321 = tpu.vector_load %arg8[%swap3A_319, %swap3A_320] {strides = array<i32>} : memref<100x128xf32, #tpu.memory_space<vmem>>, vector<1x16xf32>,
        %swap3A_322 = vector.shape_cast %swap3A_321 : vector<1x16xf32> to vector<16xf32>
        %swap3A_323 = vector.shape_cast %get3A_318 : vector<16xf32> to vector<1x16xf32>
        tpu.vector_store %arg8[%swap3A_319, %swap3A_320], %swap3A_323 {strides = array<i32>} : memref<100x128xf32, #tpu.memory_space<vmem>>, vector<1x16xf32>,
        %mul3A_324 = arith.constant 2 : i32
        %mul3A_325 = arith.muli %mul3A_324, %scan3A_297 : i32
        %add3A_326 = arith.constant 0 : i32
        %add3A_327 = arith.addi %mul3A_325, %add3A_326 : i32
        %get3A_328 = arith.index_cast %add3A_327 : i32 to index
        %get3A_329 = arith.constant 32 : index
        %get3A_330 = tpu.vector_load %arg6[%get3A_328, %get3A_329] {strides = array<i32>} : memref<200x128xf32, #tpu.memory_space<vmem>>, vector<1x16xf32>,
        %get3A_331 = vector.shape_cast %get3A_330 : vector<1x16xf32> to vector<16xf32>
        %swap3A_332 = arith.index_cast %scan3A_297 : i32 to index
        %swap3A_333 = arith.constant 32 : index
        %swap3A_334 = tpu.vector_load %arg8[%swap3A_332, %swap3A_333] {strides = array<i32>} : memref<100x128xf32, #tpu.memory_space<vmem>>, vector<1x16xf32>,
        %swap3A_335 = vector.shape_cast %swap3A_334 : vector<1x16xf32> to vector<16xf32>
        %swap3A_336 = vector.shape_cast %get3A_331 : vector<16xf32> to vector<1x16xf32>
        tpu.vector_store %arg8[%swap3A_332, %swap3A_333], %swap3A_336 {strides = array<i32>} : memref<100x128xf32, #tpu.memory_space<vmem>>, vector<1x16xf32>,
        %mul3A_337 = arith.constant 2 : i32
        %mul3A_338 = arith.muli %mul3A_337, %scan3A_297 : i32
        %add3A_339 = arith.constant 0 : i32
        %add3A_340 = arith.addi %mul3A_338, %add3A_339 : i32
        %get3A_341 = arith.index_cast %add3A_340 : i32 to index
        %get3A_342 = arith.constant 48 : index
        %get3A_343 = tpu.vector_load %arg6[%get3A_341, %get3A_342] {strides = array<i32>} : memref<200x128xf32, #tpu.memory_space<vmem>>, vector<1x16xf32>,
        %get3A_344 = vector.shape_cast %get3A_343 : vector<1x16xf32> to vector<16xf32>
        %swap3A_345 = arith.index_cast %scan3A_297 : i32 to index
        %swap3A_346 = arith.constant 48 : index
        %swap3A_347 = tpu.vector_load %arg8[%swap3A_345, %swap3A_346] {strides = array<i32>} : memref<100x128xf32, #tpu.memory_space<vmem>>, vector<1x16xf32>,
        %swap3A_348 = vector.shape_cast %swap3A_347 : vector<1x16xf32> to vector<16xf32>
        %swap3A_349 = vector.shape_cast %get3A_344 : vector<16xf32> to vector<1x16xf32>
        tpu.vector_store %arg8[%swap3A_345, %swap3A_346], %swap3A_349 {strides = array<i32>} : memref<100x128xf32, #tpu.memory_space<vmem>>, vector<1x16xf32>,
        %mul3A_350 = arith.constant 2 : i32
        %mul3A_351 = arith.muli %mul3A_350, %scan3A_297 : i32
        %add3A_352 = arith.constant 1 : i32
        %add3A_353 = arith.addi %mul3A_351, %add3A_352 : i32
        %get3A_354 = arith.index_cast %add3A_353 : i32 to index
        %get3A_355 = arith.constant 0 : index
        %get3A_356 = tpu.vector_load %arg6[%get3A_354, %get3A_355] {strides = array<i32>} : memref<200x128xf32, #tpu.memory_space<vmem>>, vector<1x16xf32>,
        %get3A_357 = vector.shape_cast %get3A_356 : vector<1x16xf32> to vector<16xf32>
        %swap3A_358 = arith.index_cast %scan3A_297 : i32 to index
        %swap3A_359 = arith.constant 64 : index
        %swap3A_360 = tpu.vector_load %arg8[%swap3A_358, %swap3A_359] {strides = array<i32>} : memref<100x128xf32, #tpu.memory_space<vmem>>, vector<1x16xf32>,
        %swap3A_361 = vector.shape_cast %swap3A_360 : vector<1x16xf32> to vector<16xf32>
        %swap3A_362 = vector.shape_cast %get3A_357 : vector<16xf32> to vector<1x16xf32>
        tpu.vector_store %arg8[%swap3A_358, %swap3A_359], %swap3A_362 {strides = array<i32>} : memref<100x128xf32, #tpu.memory_space<vmem>>, vector<1x16xf32>,
        %mul3A_363 = arith.constant 2 : i32
        %mul3A_364 = arith.muli %mul3A_363, %scan3A_297 : i32
        %add3A_365 = arith.constant 1 : i32
        %add3A_366 = arith.addi %mul3A_364, %add3A_365 : i32
        %get3A_367 = arith.index_cast %add3A_366 : i32 to index
        %get3A_368 = arith.constant 16 : index
        %get3A_369 = tpu.vector_load %arg6[%get3A_367, %get3A_368] {strides = array<i32>} : memref<200x128xf32, #tpu.memory_space<vmem>>, vector<1x16xf32>,
        %get3A_370 = vector.shape_cast %get3A_369 : vector<1x16xf32> to vector<16xf32>
        %swap3A_371 = arith.index_cast %scan3A_297 : i32 to index
        %swap3A_372 = arith.constant 80 : index
        %swap3A_373 = tpu.vector_load %arg8[%swap3A_371, %swap3A_372] {strides = array<i32>} : memref<100x128xf32, #tpu.memory_space<vmem>>, vector<1x16xf32>,
        %swap3A_374 = vector.shape_cast %swap3A_373 : vector<1x16xf32> to vector<16xf32>
        %swap3A_375 = vector.shape_cast %get3A_370 : vector<16xf32> to vector<1x16xf32>
        tpu.vector_store %arg8[%swap3A_371, %swap3A_372], %swap3A_375 {strides = array<i32>} : memref<100x128xf32, #tpu.memory_space<vmem>>, vector<1x16xf32>,
        %mul3A_376 = arith.constant 2 : i32
        %mul3A_377 = arith.muli %mul3A_376, %scan3A_297 : i32
        %add3A_378 = arith.constant 1 : i32
        %add3A_379 = arith.addi %mul3A_377, %add3A_378 : i32
        %get3A_380 = arith.index_cast %add3A_379 : i32 to index
        %get3A_381 = arith.constant 32 : index
        %get3A_382 = tpu.vector_load %arg6[%get3A_380, %get3A_381] {strides = array<i32>} : memref<200x128xf32, #tpu.memory_space<vmem>>, vector<1x16xf32>,
        %get3A_383 = vector.shape_cast %get3A_382 : vector<1x16xf32> to vector<16xf32>
        %swap3A_384 = arith.index_cast %scan3A_297 : i32 to index
        %swap3A_385 = arith.constant 96 : index
        %swap3A_386 = tpu.vector_load %arg8[%swap3A_384, %swap3A_385] {strides = array<i32>} : memref<100x128xf32, #tpu.memory_space<vmem>>, vector<1x16xf32>,
        %swap3A_387 = vector.shape_cast %swap3A_386 : vector<1x16xf32> to vector<16xf32>
        %swap3A_388 = vector.shape_cast %get3A_383 : vector<16xf32> to vector<1x16xf32>
        tpu.vector_store %arg8[%swap3A_384, %swap3A_385], %swap3A_388 {strides = array<i32>} : memref<100x128xf32, #tpu.memory_space<vmem>>, vector<1x16xf32>,
        %mul3A_389 = arith.constant 2 : i32
        %mul3A_390 = arith.muli %mul3A_389, %scan3A_297 : i32
        %add3A_391 = arith.constant 1 : i32
        %add3A_392 = arith.addi %mul3A_390, %add3A_391 : i32
        %get3A_393 = arith.index_cast %add3A_392 : i32 to index
        %get3A_394 = arith.constant 48 : index
        %get3A_395 = tpu.vector_load %arg6[%get3A_393, %get3A_394] {strides = array<i32>} : memref<200x128xf32, #tpu.memory_space<vmem>>, vector<1x16xf32>,
        %get3A_396 = vector.shape_cast %get3A_395 : vector<1x16xf32> to vector<16xf32>
        %swap3A_397 = arith.index_cast %scan3A_297 : i32 to index
        %swap3A_398 = arith.constant 112 : index
        %swap3A_399 = tpu.vector_load %arg8[%swap3A_397, %swap3A_398] {strides = array<i32>} : memref<100x128xf32, #tpu.memory_space<vmem>>, vector<1x16xf32>,
        %swap3A_400 = vector.shape_cast %swap3A_399 : vector<1x16xf32> to vector<16xf32>
        %swap3A_401 = vector.shape_cast %get3A_396 : vector<16xf32> to vector<1x16xf32>
        tpu.vector_store %arg8[%swap3A_397, %swap3A_398], %swap3A_401 {strides = array<i32>} : memref<100x128xf32, #tpu.memory_space<vmem>>, vector<1x16xf32>,
        %scan3A_402 = arith.constant 2 : i32
        %scan3A_403 = arith.addi %scan3A_193, %scan3A_402 : i32
        %mul3A_404 = arith.constant 2 : i32
        %mul3A_405 = arith.muli %mul3A_404, %scan3A_403 : i32
        %add3A_406 = arith.constant 0 : i32
        %add3A_407 = arith.addi %mul3A_405, %add3A_406 : i32
        %get3A_408 = arith.index_cast %add3A_407 : i32 to index
        %get3A_409 = arith.constant 0 : index
        %get3A_410 = tpu.vector_load %arg6[%get3A_408, %get3A_409] {strides = array<i32>} : memref<200x128xf32, #tpu.memory_space<vmem>>, vector<1x16xf32>,
        %get3A_411 = vector.shape_cast %get3A_410 : vector<1x16xf32> to vector<16xf32>
        %swap3A_412 = arith.index_cast %scan3A_403 : i32 to index
        %swap3A_413 = arith.constant 0 : index
        %swap3A_414 = tpu.vector_load %arg8[%swap3A_412, %swap3A_413] {strides = array<i32>} : memref<100x128xf32, #tpu.memory_space<vmem>>, vector<1x16xf32>,
        %swap3A_415 = vector.shape_cast %swap3A_414 : vector<1x16xf32> to vector<16xf32>
        %swap3A_416 = vector.shape_cast %get3A_411 : vector<16xf32> to vector<1x16xf32>
        tpu.vector_store %arg8[%swap3A_412, %swap3A_413], %swap3A_416 {strides = array<i32>} : memref<100x128xf32, #tpu.memory_space<vmem>>, vector<1x16xf32>,
        %mul3A_417 = arith.constant 2 : i32
        %mul3A_418 = arith.muli %mul3A_417, %scan3A_403 : i32
        %add3A_419 = arith.constant 0 : i32
        %add3A_420 = arith.addi %mul3A_418, %add3A_419 : i32
        %get3A_421 = arith.index_cast %add3A_420 : i32 to index
        %get3A_422 = arith.constant 16 : index
        %get3A_423 = tpu.vector_load %arg6[%get3A_421, %get3A_422] {strides = array<i32>} : memref<200x128xf32, #tpu.memory_space<vmem>>, vector<1x16xf32>,
        %get3A_424 = vector.shape_cast %get3A_423 : vector<1x16xf32> to vector<16xf32>
        %swap3A_425 = arith.index_cast %scan3A_403 : i32 to index
        %swap3A_426 = arith.constant 16 : index
        %swap3A_427 = tpu.vector_load %arg8[%swap3A_425, %swap3A_426] {strides = array<i32>} : memref<100x128xf32, #tpu.memory_space<vmem>>, vector<1x16xf32>,
        %swap3A_428 = vector.shape_cast %swap3A_427 : vector<1x16xf32> to vector<16xf32>
        %swap3A_429 = vector.shape_cast %get3A_424 : vector<16xf32> to vector<1x16xf32>
        tpu.vector_store %arg8[%swap3A_425, %swap3A_426], %swap3A_429 {strides = array<i32>} : memref<100x128xf32, #tpu.memory_space<vmem>>, vector<1x16xf32>,
        %mul3A_430 = arith.constant 2 : i32
        %mul3A_431 = arith.muli %mul3A_430, %scan3A_403 : i32
        %add3A_432 = arith.constant 0 : i32
        %add3A_433 = arith.addi %mul3A_431, %add3A_432 : i32
        %get3A_434 = arith.index_cast %add3A_433 : i32 to index
        %get3A_435 = arith.constant 32 : index
        %get3A_436 = tpu.vector_load %arg6[%get3A_434, %get3A_435] {strides = array<i32>} : memref<200x128xf32, #tpu.memory_space<vmem>>, vector<1x16xf32>,
        %get3A_437 = vector.shape_cast %get3A_436 : vector<1x16xf32> to vector<16xf32>
        %swap3A_438 = arith.index_cast %scan3A_403 : i32 to index
        %swap3A_439 = arith.constant 32 : index
        %swap3A_440 = tpu.vector_load %arg8[%swap3A_438, %swap3A_439] {strides = array<i32>} : memref<100x128xf32, #tpu.memory_space<vmem>>, vector<1x16xf32>,
        %swap3A_441 = vector.shape_cast %swap3A_440 : vector<1x16xf32> to vector<16xf32>
        %swap3A_442 = vector.shape_cast %get3A_437 : vector<16xf32> to vector<1x16xf32>
        tpu.vector_store %arg8[%swap3A_438, %swap3A_439], %swap3A_442 {strides = array<i32>} : memref<100x128xf32, #tpu.memory_space<vmem>>, vector<1x16xf32>,
        %mul3A_443 = arith.constant 2 : i32
        %mul3A_444 = arith.muli %mul3A_443, %scan3A_403 : i32
        %add3A_445 = arith.constant 0 : i32
        %add3A_446 = arith.addi %mul3A_444, %add3A_445 : i32
        %get3A_447 = arith.index_cast %add3A_446 : i32 to index
        %get3A_448 = arith.constant 48 : index
        %get3A_449 = tpu.vector_load %arg6[%get3A_447, %get3A_448] {strides = array<i32>} : memref<200x128xf32, #tpu.memory_space<vmem>>, vector<1x16xf32>,
        %get3A_450 = vector.shape_cast %get3A_449 : vector<1x16xf32> to vector<16xf32>
        %swap3A_451 = arith.index_cast %scan3A_403 : i32 to index
        %swap3A_452 = arith.constant 48 : index
        %swap3A_453 = tpu.vector_load %arg8[%swap3A_451, %swap3A_452] {strides = array<i32>} : memref<100x128xf32, #tpu.memory_space<vmem>>, vector<1x16xf32>,
        %swap3A_454 = vector.shape_cast %swap3A_453 : vector<1x16xf32> to vector<16xf32>
        %swap3A_455 = vector.shape_cast %get3A_450 : vector<16xf32> to vector<1x16xf32>
        tpu.vector_store %arg8[%swap3A_451, %swap3A_452], %swap3A_455 {strides = array<i32>} : memref<100x128xf32, #tpu.memory_space<vmem>>, vector<1x16xf32>,
        %mul3A_456 = arith.constant 2 : i32
        %mul3A_457 = arith.muli %mul3A_456, %scan3A_403 : i32
        %add3A_458 = arith.constant 1 : i32
        %add3A_459 = arith.addi %mul3A_457, %add3A_458 : i32
        %get3A_460 = arith.index_cast %add3A_459 : i32 to index
        %get3A_461 = arith.constant 0 : index
        %get3A_462 = tpu.vector_load %arg6[%get3A_460, %get3A_461] {strides = array<i32>} : memref<200x128xf32, #tpu.memory_space<vmem>>, vector<1x16xf32>,
        %get3A_463 = vector.shape_cast %get3A_462 : vector<1x16xf32> to vector<16xf32>
        %swap3A_464 = arith.index_cast %scan3A_403 : i32 to index
        %swap3A_465 = arith.constant 64 : index
        %swap3A_466 = tpu.vector_load %arg8[%swap3A_464, %swap3A_465] {strides = array<i32>} : memref<100x128xf32, #tpu.memory_space<vmem>>, vector<1x16xf32>,
        %swap3A_467 = vector.shape_cast %swap3A_466 : vector<1x16xf32> to vector<16xf32>
        %swap3A_468 = vector.shape_cast %get3A_463 : vector<16xf32> to vector<1x16xf32>
        tpu.vector_store %arg8[%swap3A_464, %swap3A_465], %swap3A_468 {strides = array<i32>} : memref<100x128xf32, #tpu.memory_space<vmem>>, vector<1x16xf32>,
        %mul3A_469 = arith.constant 2 : i32
        %mul3A_470 = arith.muli %mul3A_469, %scan3A_403 : i32
        %add3A_471 = arith.constant 1 : i32
        %add3A_472 = arith.addi %mul3A_470, %add3A_471 : i32
        %get3A_473 = arith.index_cast %add3A_472 : i32 to index
        %get3A_474 = arith.constant 16 : index
        %get3A_475 = tpu.vector_load %arg6[%get3A_473, %get3A_474] {strides = array<i32>} : memref<200x128xf32, #tpu.memory_space<vmem>>, vector<1x16xf32>,
        %get3A_476 = vector.shape_cast %get3A_475 : vector<1x16xf32> to vector<16xf32>
        %swap3A_477 = arith.index_cast %scan3A_403 : i32 to index
        %swap3A_478 = arith.constant 80 : index
        %swap3A_479 = tpu.vector_load %arg8[%swap3A_477, %swap3A_478] {strides = array<i32>} : memref<100x128xf32, #tpu.memory_space<vmem>>, vector<1x16xf32>,
        %swap3A_480 = vector.shape_cast %swap3A_479 : vector<1x16xf32> to vector<16xf32>
        %swap3A_481 = vector.shape_cast %get3A_476 : vector<16xf32> to vector<1x16xf32>
        tpu.vector_store %arg8[%swap3A_477, %swap3A_478], %swap3A_481 {strides = array<i32>} : memref<100x128xf32, #tpu.memory_space<vmem>>, vector<1x16xf32>,
        %mul3A_482 = arith.constant 2 : i32
        %mul3A_483 = arith.muli %mul3A_482, %scan3A_403 : i32
        %add3A_484 = arith.constant 1 : i32
        %add3A_485 = arith.addi %mul3A_483, %add3A_484 : i32
        %get3A_486 = arith.index_cast %add3A_485 : i32 to index
        %get3A_487 = arith.constant 32 : index
        %get3A_488 = tpu.vector_load %arg6[%get3A_486, %get3A_487] {strides = array<i32>} : memref<200x128xf32, #tpu.memory_space<vmem>>, vector<1x16xf32>,
        %get3A_489 = vector.shape_cast %get3A_488 : vector<1x16xf32> to vector<16xf32>
        %swap3A_490 = arith.index_cast %scan3A_403 : i32 to index
        %swap3A_491 = arith.constant 96 : index
        %swap3A_492 = tpu.vector_load %arg8[%swap3A_490, %swap3A_491] {strides = array<i32>} : memref<100x128xf32, #tpu.memory_space<vmem>>, vector<1x16xf32>,
        %swap3A_493 = vector.shape_cast %swap3A_492 : vector<1x16xf32> to vector<16xf32>
        %swap3A_494 = vector.shape_cast %get3A_489 : vector<16xf32> to vector<1x16xf32>
        tpu.vector_store %arg8[%swap3A_490, %swap3A_491], %swap3A_494 {strides = array<i32>} : memref<100x128xf32, #tpu.memory_space<vmem>>, vector<1x16xf32>,
        %mul3A_495 = arith.constant 2 : i32
        %mul3A_496 = arith.muli %mul3A_495, %scan3A_403 : i32
        %add3A_497 = arith.constant 1 : i32
        %add3A_498 = arith.addi %mul3A_496, %add3A_497 : i32
        %get3A_499 = arith.index_cast %add3A_498 : i32 to index
        %get3A_500 = arith.constant 48 : index
        %get3A_501 = tpu.vector_load %arg6[%get3A_499, %get3A_500] {strides = array<i32>} : memref<200x128xf32, #tpu.memory_space<vmem>>, vector<1x16xf32>,
        %get3A_502 = vector.shape_cast %get3A_501 : vector<1x16xf32> to vector<16xf32>
        %swap3A_503 = arith.index_cast %scan3A_403 : i32 to index
        %swap3A_504 = arith.constant 112 : index
        %swap3A_505 = tpu.vector_load %arg8[%swap3A_503, %swap3A_504] {strides = array<i32>} : memref<100x128xf32, #tpu.memory_space<vmem>>, vector<1x16xf32>,
        %swap3A_506 = vector.shape_cast %swap3A_505 : vector<1x16xf32> to vector<16xf32>
        %swap3A_507 = vector.shape_cast %get3A_502 : vector<16xf32> to vector<1x16xf32>
        tpu.vector_store %arg8[%swap3A_503, %swap3A_504], %swap3A_507 {strides = array<i32>} : memref<100x128xf32, #tpu.memory_space<vmem>>, vector<1x16xf32>,
        %scan3A_508 = arith.constant 3 : i32
        %scan3A_509 = arith.addi %scan3A_193, %scan3A_508 : i32
        %mul3A_510 = arith.constant 2 : i32
        %mul3A_511 = arith.muli %mul3A_510, %scan3A_509 : i32
        %add3A_512 = arith.constant 0 : i32
        %add3A_513 = arith.addi %mul3A_511, %add3A_512 : i32
        %get3A_514 = arith.index_cast %add3A_513 : i32 to index
        %get3A_515 = arith.constant 0 : index
        %get3A_516 = tpu.vector_load %arg6[%get3A_514, %get3A_515] {strides = array<i32>} : memref<200x128xf32, #tpu.memory_space<vmem>>, vector<1x16xf32>,
        %get3A_517 = vector.shape_cast %get3A_516 : vector<1x16xf32> to vector<16xf32>
        %swap3A_518 = arith.index_cast %scan3A_509 : i32 to index
        %swap3A_519 = arith.constant 0 : index
        %swap3A_520 = tpu.vector_load %arg8[%swap3A_518, %swap3A_519] {strides = array<i32>} : memref<100x128xf32, #tpu.memory_space<vmem>>, vector<1x16xf32>,
        %swap3A_521 = vector.shape_cast %swap3A_520 : vector<1x16xf32> to vector<16xf32>
        %swap3A_522 = vector.shape_cast %get3A_517 : vector<16xf32> to vector<1x16xf32>
        tpu.vector_store %arg8[%swap3A_518, %swap3A_519], %swap3A_522 {strides = array<i32>} : memref<100x128xf32, #tpu.memory_space<vmem>>, vector<1x16xf32>,
        %mul3A_523 = arith.constant 2 : i32
        %mul3A_524 = arith.muli %mul3A_523, %scan3A_509 : i32
        %add3A_525 = arith.constant 0 : i32
        %add3A_526 = arith.addi %mul3A_524, %add3A_525 : i32
        %get3A_527 = arith.index_cast %add3A_526 : i32 to index
        %get3A_528 = arith.constant 16 : index
        %get3A_529 = tpu.vector_load %arg6[%get3A_527, %get3A_528] {strides = array<i32>} : memref<200x128xf32, #tpu.memory_space<vmem>>, vector<1x16xf32>,
        %get3A_530 = vector.shape_cast %get3A_529 : vector<1x16xf32> to vector<16xf32>
        %swap3A_531 = arith.index_cast %scan3A_509 : i32 to index
        %swap3A_532 = arith.constant 16 : index
        %swap3A_533 = tpu.vector_load %arg8[%swap3A_531, %swap3A_532] {strides = array<i32>} : memref<100x128xf32, #tpu.memory_space<vmem>>, vector<1x16xf32>,
        %swap3A_534 = vector.shape_cast %swap3A_533 : vector<1x16xf32> to vector<16xf32>
        %swap3A_535 = vector.shape_cast %get3A_530 : vector<16xf32> to vector<1x16xf32>
        tpu.vector_store %arg8[%swap3A_531, %swap3A_532], %swap3A_535 {strides = array<i32>} : memref<100x128xf32, #tpu.memory_space<vmem>>, vector<1x16xf32>,
        %mul3A_536 = arith.constant 2 : i32
        %mul3A_537 = arith.muli %mul3A_536, %scan3A_509 : i32
        %add3A_538 = arith.constant 0 : i32
        %add3A_539 = arith.addi %mul3A_537, %add3A_538 : i32
        %get3A_540 = arith.index_cast %add3A_539 : i32 to index
        %get3A_541 = arith.constant 32 : index
        %get3A_542 = tpu.vector_load %arg6[%get3A_540, %get3A_541] {strides = array<i32>} : memref<200x128xf32, #tpu.memory_space<vmem>>, vector<1x16xf32>,
        %get3A_543 = vector.shape_cast %get3A_542 : vector<1x16xf32> to vector<16xf32>
        %swap3A_544 = arith.index_cast %scan3A_509 : i32 to index
        %swap3A_545 = arith.constant 32 : index
        %swap3A_546 = tpu.vector_load %arg8[%swap3A_544, %swap3A_545] {strides = array<i32>} : memref<100x128xf32, #tpu.memory_space<vmem>>, vector<1x16xf32>,
        %swap3A_547 = vector.shape_cast %swap3A_546 : vector<1x16xf32> to vector<16xf32>
        %swap3A_548 = vector.shape_cast %get3A_543 : vector<16xf32> to vector<1x16xf32>
        tpu.vector_store %arg8[%swap3A_544, %swap3A_545], %swap3A_548 {strides = array<i32>} : memref<100x128xf32, #tpu.memory_space<vmem>>, vector<1x16xf32>,
        %mul3A_549 = arith.constant 2 : i32
        %mul3A_550 = arith.muli %mul3A_549, %scan3A_509 : i32
        %add3A_551 = arith.constant 0 : i32
        %add3A_552 = arith.addi %mul3A_550, %add3A_551 : i32
        %get3A_553 = arith.index_cast %add3A_552 : i32 to index
        %get3A_554 = arith.constant 48 : index
        %get3A_555 = tpu.vector_load %arg6[%get3A_553, %get3A_554] {strides = array<i32>} : memref<200x128xf32, #tpu.memory_space<vmem>>, vector<1x16xf32>,
        %get3A_556 = vector.shape_cast %get3A_555 : vector<1x16xf32> to vector<16xf32>
        %swap3A_557 = arith.index_cast %scan3A_509 : i32 to index
        %swap3A_558 = arith.constant 48 : index
        %swap3A_559 = tpu.vector_load %arg8[%swap3A_557, %swap3A_558] {strides = array<i32>} : memref<100x128xf32, #tpu.memory_space<vmem>>, vector<1x16xf32>,
        %swap3A_560 = vector.shape_cast %swap3A_559 : vector<1x16xf32> to vector<16xf32>
        %swap3A_561 = vector.shape_cast %get3A_556 : vector<16xf32> to vector<1x16xf32>
        tpu.vector_store %arg8[%swap3A_557, %swap3A_558], %swap3A_561 {strides = array<i32>} : memref<100x128xf32, #tpu.memory_space<vmem>>, vector<1x16xf32>,
        %mul3A_562 = arith.constant 2 : i32
        %mul3A_563 = arith.muli %mul3A_562, %scan3A_509 : i32
        %add3A_564 = arith.constant 1 : i32
        %add3A_565 = arith.addi %mul3A_563, %add3A_564 : i32
        %get3A_566 = arith.index_cast %add3A_565 : i32 to index
        %get3A_567 = arith.constant 0 : index
        %get3A_568 = tpu.vector_load %arg6[%get3A_566, %get3A_567] {strides = array<i32>} : memref<200x128xf32, #tpu.memory_space<vmem>>, vector<1x16xf32>,
        %get3A_569 = vector.shape_cast %get3A_568 : vector<1x16xf32> to vector<16xf32>
        %swap3A_570 = arith.index_cast %scan3A_509 : i32 to index
        %swap3A_571 = arith.constant 64 : index
        %swap3A_572 = tpu.vector_load %arg8[%swap3A_570, %swap3A_571] {strides = array<i32>} : memref<100x128xf32, #tpu.memory_space<vmem>>, vector<1x16xf32>,
        %swap3A_573 = vector.shape_cast %swap3A_572 : vector<1x16xf32> to vector<16xf32>
        %swap3A_574 = vector.shape_cast %get3A_569 : vector<16xf32> to vector<1x16xf32>
        tpu.vector_store %arg8[%swap3A_570, %swap3A_571], %swap3A_574 {strides = array<i32>} : memref<100x128xf32, #tpu.memory_space<vmem>>, vector<1x16xf32>,
        %mul3A_575 = arith.constant 2 : i32
        %mul3A_576 = arith.muli %mul3A_575, %scan3A_509 : i32
        %add3A_577 = arith.constant 1 : i32
        %add3A_578 = arith.addi %mul3A_576, %add3A_577 : i32
        %get3A_579 = arith.index_cast %add3A_578 : i32 to index
        %get3A_580 = arith.constant 16 : index
        %get3A_581 = tpu.vector_load %arg6[%get3A_579, %get3A_580] {strides = array<i32>} : memref<200x128xf32, #tpu.memory_space<vmem>>, vector<1x16xf32>,
        %get3A_582 = vector.shape_cast %get3A_581 : vector<1x16xf32> to vector<16xf32>
        %swap3A_583 = arith.index_cast %scan3A_509 : i32 to index
        %swap3A_584 = arith.constant 80 : index
        %swap3A_585 = tpu.vector_load %arg8[%swap3A_583, %swap3A_584] {strides = array<i32>} : memref<100x128xf32, #tpu.memory_space<vmem>>, vector<1x16xf32>,
        %swap3A_586 = vector.shape_cast %swap3A_585 : vector<1x16xf32> to vector<16xf32>
        %swap3A_587 = vector.shape_cast %get3A_582 : vector<16xf32> to vector<1x16xf32>
        tpu.vector_store %arg8[%swap3A_583, %swap3A_584], %swap3A_587 {strides = array<i32>} : memref<100x128xf32, #tpu.memory_space<vmem>>, vector<1x16xf32>,
        %mul3A_588 = arith.constant 2 : i32
        %mul3A_589 = arith.muli %mul3A_588, %scan3A_509 : i32
        %add3A_590 = arith.constant 1 : i32
        %add3A_591 = arith.addi %mul3A_589, %add3A_590 : i32
        %get3A_592 = arith.index_cast %add3A_591 : i32 to index
        %get3A_593 = arith.constant 32 : index
        %get3A_594 = tpu.vector_load %arg6[%get3A_592, %get3A_593] {strides = array<i32>} : memref<200x128xf32, #tpu.memory_space<vmem>>, vector<1x16xf32>,
        %get3A_595 = vector.shape_cast %get3A_594 : vector<1x16xf32> to vector<16xf32>
        %swap3A_596 = arith.index_cast %scan3A_509 : i32 to index
        %swap3A_597 = arith.constant 96 : index
        %swap3A_598 = tpu.vector_load %arg8[%swap3A_596, %swap3A_597] {strides = array<i32>} : memref<100x128xf32, #tpu.memory_space<vmem>>, vector<1x16xf32>,
        %swap3A_599 = vector.shape_cast %swap3A_598 : vector<1x16xf32> to vector<16xf32>
        %swap3A_600 = vector.shape_cast %get3A_595 : vector<16xf32> to vector<1x16xf32>
        tpu.vector_store %arg8[%swap3A_596, %swap3A_597], %swap3A_600 {strides = array<i32>} : memref<100x128xf32, #tpu.memory_space<vmem>>, vector<1x16xf32>,
        %mul3A_601 = arith.constant 2 : i32
        %mul3A_602 = arith.muli %mul3A_601, %scan3A_509 : i32
        %add3A_603 = arith.constant 1 : i32
        %add3A_604 = arith.addi %mul3A_602, %add3A_603 : i32
        %get3A_605 = arith.index_cast %add3A_604 : i32 to index
        %get3A_606 = arith.constant 48 : index
        %get3A_607 = tpu.vector_load %arg6[%get3A_605, %get3A_606] {strides = array<i32>} : memref<200x128xf32, #tpu.memory_space<vmem>>, vector<1x16xf32>,
        %get3A_608 = vector.shape_cast %get3A_607 : vector<1x16xf32> to vector<16xf32>
        %swap3A_609 = arith.index_cast %scan3A_509 : i32 to index
        %swap3A_610 = arith.constant 112 : index
        %swap3A_611 = tpu.vector_load %arg8[%swap3A_609, %swap3A_610] {strides = array<i32>} : memref<100x128xf32, #tpu.memory_space<vmem>>, vector<1x16xf32>,
        %swap3A_612 = vector.shape_cast %swap3A_611 : vector<1x16xf32> to vector<16xf32>
        %swap3A_613 = vector.shape_cast %get3A_608 : vector<16xf32> to vector<1x16xf32>
        tpu.vector_store %arg8[%swap3A_609, %swap3A_610], %swap3A_613 {strides = array<i32>} : memref<100x128xf32, #tpu.memory_space<vmem>>, vector<1x16xf32>,
        %scan3A_614 = arith.constant 4 : i32
        %scan3A_615 = arith.addi %scan3A_193, %scan3A_614 : i32
        %mul3A_616 = arith.constant 2 : i32
        %mul3A_617 = arith.muli %mul3A_616, %scan3A_615 : i32
        %add3A_618 = arith.constant 0 : i32
        %add3A_619 = arith.addi %mul3A_617, %add3A_618 : i32
        %get3A_620 = arith.index_cast %add3A_619 : i32 to index
        %get3A_621 = arith.constant 0 : index
        %get3A_622 = tpu.vector_load %arg6[%get3A_620, %get3A_621] {strides = array<i32>} : memref<200x128xf32, #tpu.memory_space<vmem>>, vector<1x16xf32>,
        %get3A_623 = vector.shape_cast %get3A_622 : vector<1x16xf32> to vector<16xf32>
        %swap3A_624 = arith.index_cast %scan3A_615 : i32 to index
        %swap3A_625 = arith.constant 0 : index
        %swap3A_626 = tpu.vector_load %arg8[%swap3A_624, %swap3A_625] {strides = array<i32>} : memref<100x128xf32, #tpu.memory_space<vmem>>, vector<1x16xf32>,
        %swap3A_627 = vector.shape_cast %swap3A_626 : vector<1x16xf32> to vector<16xf32>
        %swap3A_628 = vector.shape_cast %get3A_623 : vector<16xf32> to vector<1x16xf32>
        tpu.vector_store %arg8[%swap3A_624, %swap3A_625], %swap3A_628 {strides = array<i32>} : memref<100x128xf32, #tpu.memory_space<vmem>>, vector<1x16xf32>,
        %mul3A_629 = arith.constant 2 : i32
        %mul3A_630 = arith.muli %mul3A_629, %scan3A_615 : i32
        %add3A_631 = arith.constant 0 : i32
        %add3A_632 = arith.addi %mul3A_630, %add3A_631 : i32
        %get3A_633 = arith.index_cast %add3A_632 : i32 to index
        %get3A_634 = arith.constant 16 : index
        %get3A_635 = tpu.vector_load %arg6[%get3A_633, %get3A_634] {strides = array<i32>} : memref<200x128xf32, #tpu.memory_space<vmem>>, vector<1x16xf32>,
        %get3A_636 = vector.shape_cast %get3A_635 : vector<1x16xf32> to vector<16xf32>
        %swap3A_637 = arith.index_cast %scan3A_615 : i32 to index
        %swap3A_638 = arith.constant 16 : index
        %swap3A_639 = tpu.vector_load %arg8[%swap3A_637, %swap3A_638] {strides = array<i32>} : memref<100x128xf32, #tpu.memory_space<vmem>>, vector<1x16xf32>,
        %swap3A_640 = vector.shape_cast %swap3A_639 : vector<1x16xf32> to vector<16xf32>
        %swap3A_641 = vector.shape_cast %get3A_636 : vector<16xf32> to vector<1x16xf32>
        tpu.vector_store %arg8[%swap3A_637, %swap3A_638], %swap3A_641 {strides = array<i32>} : memref<100x128xf32, #tpu.memory_space<vmem>>, vector<1x16xf32>,
        %mul3A_642 = arith.constant 2 : i32
        %mul3A_643 = arith.muli %mul3A_642, %scan3A_615 : i32
        %add3A_644 = arith.constant 0 : i32
        %add3A_645 = arith.addi %mul3A_643, %add3A_644 : i32
        %get3A_646 = arith.index_cast %add3A_645 : i32 to index
        %get3A_647 = arith.constant 32 : index
        %get3A_648 = tpu.vector_load %arg6[%get3A_646, %get3A_647] {strides = array<i32>} : memref<200x128xf32, #tpu.memory_space<vmem>>, vector<1x16xf32>,
        %get3A_649 = vector.shape_cast %get3A_648 : vector<1x16xf32> to vector<16xf32>
        %swap3A_650 = arith.index_cast %scan3A_615 : i32 to index
        %swap3A_651 = arith.constant 32 : index
        %swap3A_652 = tpu.vector_load %arg8[%swap3A_650, %swap3A_651] {strides = array<i32>} : memref<100x128xf32, #tpu.memory_space<vmem>>, vector<1x16xf32>,
        %swap3A_653 = vector.shape_cast %swap3A_652 : vector<1x16xf32> to vector<16xf32>
        %swap3A_654 = vector.shape_cast %get3A_649 : vector<16xf32> to vector<1x16xf32>
        tpu.vector_store %arg8[%swap3A_650, %swap3A_651], %swap3A_654 {strides = array<i32>} : memref<100x128xf32, #tpu.memory_space<vmem>>, vector<1x16xf32>,
        %mul3A_655 = arith.constant 2 : i32
        %mul3A_656 = arith.muli %mul3A_655, %scan3A_615 : i32
        %add3A_657 = arith.constant 0 : i32
        %add3A_658 = arith.addi %mul3A_656, %add3A_657 : i32
        %get3A_659 = arith.index_cast %add3A_658 : i32 to index
        %get3A_660 = arith.constant 48 : index
        %get3A_661 = tpu.vector_load %arg6[%get3A_659, %get3A_660] {strides = array<i32>} : memref<200x128xf32, #tpu.memory_space<vmem>>, vector<1x16xf32>,
        %get3A_662 = vector.shape_cast %get3A_661 : vector<1x16xf32> to vector<16xf32>
        %swap3A_663 = arith.index_cast %scan3A_615 : i32 to index
        %swap3A_664 = arith.constant 48 : index
        %swap3A_665 = tpu.vector_load %arg8[%swap3A_663, %swap3A_664] {strides = array<i32>} : memref<100x128xf32, #tpu.memory_space<vmem>>, vector<1x16xf32>,
        %swap3A_666 = vector.shape_cast %swap3A_665 : vector<1x16xf32> to vector<16xf32>
        %swap3A_667 = vector.shape_cast %get3A_662 : vector<16xf32> to vector<1x16xf32>
        tpu.vector_store %arg8[%swap3A_663, %swap3A_664], %swap3A_667 {strides = array<i32>} : memref<100x128xf32, #tpu.memory_space<vmem>>, vector<1x16xf32>,
        %mul3A_668 = arith.constant 2 : i32
        %mul3A_669 = arith.muli %mul3A_668, %scan3A_615 : i32
        %add3A_670 = arith.constant 1 : i32
        %add3A_671 = arith.addi %mul3A_669, %add3A_670 : i32
        %get3A_672 = arith.index_cast %add3A_671 : i32 to index
        %get3A_673 = arith.constant 0 : index
        %get3A_674 = tpu.vector_load %arg6[%get3A_672, %get3A_673] {strides = array<i32>} : memref<200x128xf32, #tpu.memory_space<vmem>>, vector<1x16xf32>,
        %get3A_675 = vector.shape_cast %get3A_674 : vector<1x16xf32> to vector<16xf32>
        %swap3A_676 = arith.index_cast %scan3A_615 : i32 to index
        %swap3A_677 = arith.constant 64 : index
        %swap3A_678 = tpu.vector_load %arg8[%swap3A_676, %swap3A_677] {strides = array<i32>} : memref<100x128xf32, #tpu.memory_space<vmem>>, vector<1x16xf32>,
        %swap3A_679 = vector.shape_cast %swap3A_678 : vector<1x16xf32> to vector<16xf32>
        %swap3A_680 = vector.shape_cast %get3A_675 : vector<16xf32> to vector<1x16xf32>
        tpu.vector_store %arg8[%swap3A_676, %swap3A_677], %swap3A_680 {strides = array<i32>} : memref<100x128xf32, #tpu.memory_space<vmem>>, vector<1x16xf32>,
        %mul3A_681 = arith.constant 2 : i32
        %mul3A_682 = arith.muli %mul3A_681, %scan3A_615 : i32
        %add3A_683 = arith.constant 1 : i32
        %add3A_684 = arith.addi %mul3A_682, %add3A_683 : i32
        %get3A_685 = arith.index_cast %add3A_684 : i32 to index
        %get3A_686 = arith.constant 16 : index
        %get3A_687 = tpu.vector_load %arg6[%get3A_685, %get3A_686] {strides = array<i32>} : memref<200x128xf32, #tpu.memory_space<vmem>>, vector<1x16xf32>,
        %get3A_688 = vector.shape_cast %get3A_687 : vector<1x16xf32> to vector<16xf32>
        %swap3A_689 = arith.index_cast %scan3A_615 : i32 to index
        %swap3A_690 = arith.constant 80 : index
        %swap3A_691 = tpu.vector_load %arg8[%swap3A_689, %swap3A_690] {strides = array<i32>} : memref<100x128xf32, #tpu.memory_space<vmem>>, vector<1x16xf32>,
        %swap3A_692 = vector.shape_cast %swap3A_691 : vector<1x16xf32> to vector<16xf32>
        %swap3A_693 = vector.shape_cast %get3A_688 : vector<16xf32> to vector<1x16xf32>
        tpu.vector_store %arg8[%swap3A_689, %swap3A_690], %swap3A_693 {strides = array<i32>} : memref<100x128xf32, #tpu.memory_space<vmem>>, vector<1x16xf32>,
        %mul3A_694 = arith.constant 2 : i32
        %mul3A_695 = arith.muli %mul3A_694, %scan3A_615 : i32
        %add3A_696 = arith.constant 1 : i32
        %add3A_697 = arith.addi %mul3A_695, %add3A_696 : i32
        %get3A_698 = arith.index_cast %add3A_697 : i32 to index
        %get3A_699 = arith.constant 32 : index
        %get3A_700 = tpu.vector_load %arg6[%get3A_698, %get3A_699] {strides = array<i32>} : memref<200x128xf32, #tpu.memory_space<vmem>>, vector<1x16xf32>,
        %get3A_701 = vector.shape_cast %get3A_700 : vector<1x16xf32> to vector<16xf32>
        %swap3A_702 = arith.index_cast %scan3A_615 : i32 to index
        %swap3A_703 = arith.constant 96 : index
        %swap3A_704 = tpu.vector_load %arg8[%swap3A_702, %swap3A_703] {strides = array<i32>} : memref<100x128xf32, #tpu.memory_space<vmem>>, vector<1x16xf32>,
        %swap3A_705 = vector.shape_cast %swap3A_704 : vector<1x16xf32> to vector<16xf32>
        %swap3A_706 = vector.shape_cast %get3A_701 : vector<16xf32> to vector<1x16xf32>
        tpu.vector_store %arg8[%swap3A_702, %swap3A_703], %swap3A_706 {strides = array<i32>} : memref<100x128xf32, #tpu.memory_space<vmem>>, vector<1x16xf32>,
        %mul3A_707 = arith.constant 2 : i32
        %mul3A_708 = arith.muli %mul3A_707, %scan3A_615 : i32
        %add3A_709 = arith.constant 1 : i32
        %add3A_710 = arith.addi %mul3A_708, %add3A_709 : i32
        %get3A_711 = arith.index_cast %add3A_710 : i32 to index
        %get3A_712 = arith.constant 48 : index
        %get3A_713 = tpu.vector_load %arg6[%get3A_711, %get3A_712] {strides = array<i32>} : memref<200x128xf32, #tpu.memory_space<vmem>>, vector<1x16xf32>,
        %get3A_714 = vector.shape_cast %get3A_713 : vector<1x16xf32> to vector<16xf32>
        %swap3A_715 = arith.index_cast %scan3A_615 : i32 to index
        %swap3A_716 = arith.constant 112 : index
        %swap3A_717 = tpu.vector_load %arg8[%swap3A_715, %swap3A_716] {strides = array<i32>} : memref<100x128xf32, #tpu.memory_space<vmem>>, vector<1x16xf32>,
        %swap3A_718 = vector.shape_cast %swap3A_717 : vector<1x16xf32> to vector<16xf32>
        %swap3A_719 = vector.shape_cast %get3A_714 : vector<16xf32> to vector<1x16xf32>
        tpu.vector_store %arg8[%swap3A_715, %swap3A_716], %swap3A_719 {strides = array<i32>} : memref<100x128xf32, #tpu.memory_space<vmem>>, vector<1x16xf32>,
        %scan3A_720 = arith.constant 5 : i32
        %scan3A_721 = arith.addi %scan3A_193, %scan3A_720 : i32
        %mul3A_722 = arith.constant 2 : i32
        %mul3A_723 = arith.muli %mul3A_722, %scan3A_721 : i32
        %add3A_724 = arith.constant 0 : i32
        %add3A_725 = arith.addi %mul3A_723, %add3A_724 : i32
        %get3A_726 = arith.index_cast %add3A_725 : i32 to index
        %get3A_727 = arith.constant 0 : index
        %get3A_728 = tpu.vector_load %arg6[%get3A_726, %get3A_727] {strides = array<i32>} : memref<200x128xf32, #tpu.memory_space<vmem>>, vector<1x16xf32>,
        %get3A_729 = vector.shape_cast %get3A_728 : vector<1x16xf32> to vector<16xf32>
        %swap3A_730 = arith.index_cast %scan3A_721 : i32 to index
        %swap3A_731 = arith.constant 0 : index
        %swap3A_732 = tpu.vector_load %arg8[%swap3A_730, %swap3A_731] {strides = array<i32>} : memref<100x128xf32, #tpu.memory_space<vmem>>, vector<1x16xf32>,
        %swap3A_733 = vector.shape_cast %swap3A_732 : vector<1x16xf32> to vector<16xf32>
        %swap3A_734 = vector.shape_cast %get3A_729 : vector<16xf32> to vector<1x16xf32>
        tpu.vector_store %arg8[%swap3A_730, %swap3A_731], %swap3A_734 {strides = array<i32>} : memref<100x128xf32, #tpu.memory_space<vmem>>, vector<1x16xf32>,
        %mul3A_735 = arith.constant 2 : i32
        %mul3A_736 = arith.muli %mul3A_735, %scan3A_721 : i32
        %add3A_737 = arith.constant 0 : i32
        %add3A_738 = arith.addi %mul3A_736, %add3A_737 : i32
        %get3A_739 = arith.index_cast %add3A_738 : i32 to index
        %get3A_740 = arith.constant 16 : index
        %get3A_741 = tpu.vector_load %arg6[%get3A_739, %get3A_740] {strides = array<i32>} : memref<200x128xf32, #tpu.memory_space<vmem>>, vector<1x16xf32>,
        %get3A_742 = vector.shape_cast %get3A_741 : vector<1x16xf32> to vector<16xf32>
        %swap3A_743 = arith.index_cast %scan3A_721 : i32 to index
        %swap3A_744 = arith.constant 16 : index
        %swap3A_745 = tpu.vector_load %arg8[%swap3A_743, %swap3A_744] {strides = array<i32>} : memref<100x128xf32, #tpu.memory_space<vmem>>, vector<1x16xf32>,
        %swap3A_746 = vector.shape_cast %swap3A_745 : vector<1x16xf32> to vector<16xf32>
        %swap3A_747 = vector.shape_cast %get3A_742 : vector<16xf32> to vector<1x16xf32>
        tpu.vector_store %arg8[%swap3A_743, %swap3A_744], %swap3A_747 {strides = array<i32>} : memref<100x128xf32, #tpu.memory_space<vmem>>, vector<1x16xf32>,
        %mul3A_748 = arith.constant 2 : i32
        %mul3A_749 = arith.muli %mul3A_748, %scan3A_721 : i32
        %add3A_750 = arith.constant 0 : i32
        %add3A_751 = arith.addi %mul3A_749, %add3A_750 : i32
        %get3A_752 = arith.index_cast %add3A_751 : i32 to index
        %get3A_753 = arith.constant 32 : index
        %get3A_754 = tpu.vector_load %arg6[%get3A_752, %get3A_753] {strides = array<i32>} : memref<200x128xf32, #tpu.memory_space<vmem>>, vector<1x16xf32>,
        %get3A_755 = vector.shape_cast %get3A_754 : vector<1x16xf32> to vector<16xf32>
        %swap3A_756 = arith.index_cast %scan3A_721 : i32 to index
        %swap3A_757 = arith.constant 32 : index
        %swap3A_758 = tpu.vector_load %arg8[%swap3A_756, %swap3A_757] {strides = array<i32>} : memref<100x128xf32, #tpu.memory_space<vmem>>, vector<1x16xf32>,
        %swap3A_759 = vector.shape_cast %swap3A_758 : vector<1x16xf32> to vector<16xf32>
        %swap3A_760 = vector.shape_cast %get3A_755 : vector<16xf32> to vector<1x16xf32>
        tpu.vector_store %arg8[%swap3A_756, %swap3A_757], %swap3A_760 {strides = array<i32>} : memref<100x128xf32, #tpu.memory_space<vmem>>, vector<1x16xf32>,
        %mul3A_761 = arith.constant 2 : i32
        %mul3A_762 = arith.muli %mul3A_761, %scan3A_721 : i32
        %add3A_763 = arith.constant 0 : i32
        %add3A_764 = arith.addi %mul3A_762, %add3A_763 : i32
        %get3A_765 = arith.index_cast %add3A_764 : i32 to index
        %get3A_766 = arith.constant 48 : index
        %get3A_767 = tpu.vector_load %arg6[%get3A_765, %get3A_766] {strides = array<i32>} : memref<200x128xf32, #tpu.memory_space<vmem>>, vector<1x16xf32>,
        %get3A_768 = vector.shape_cast %get3A_767 : vector<1x16xf32> to vector<16xf32>
        %swap3A_769 = arith.index_cast %scan3A_721 : i32 to index
        %swap3A_770 = arith.constant 48 : index
        %swap3A_771 = tpu.vector_load %arg8[%swap3A_769, %swap3A_770] {strides = array<i32>} : memref<100x128xf32, #tpu.memory_space<vmem>>, vector<1x16xf32>,
        %swap3A_772 = vector.shape_cast %swap3A_771 : vector<1x16xf32> to vector<16xf32>
        %swap3A_773 = vector.shape_cast %get3A_768 : vector<16xf32> to vector<1x16xf32>
        tpu.vector_store %arg8[%swap3A_769, %swap3A_770], %swap3A_773 {strides = array<i32>} : memref<100x128xf32, #tpu.memory_space<vmem>>, vector<1x16xf32>,
        %mul3A_774 = arith.constant 2 : i32
        %mul3A_775 = arith.muli %mul3A_774, %scan3A_721 : i32
        %add3A_776 = arith.constant 1 : i32
        %add3A_777 = arith.addi %mul3A_775, %add3A_776 : i32
        %get3A_778 = arith.index_cast %add3A_777 : i32 to index
        %get3A_779 = arith.constant 0 : index
        %get3A_780 = tpu.vector_load %arg6[%get3A_778, %get3A_779] {strides = array<i32>} : memref<200x128xf32, #tpu.memory_space<vmem>>, vector<1x16xf32>,
        %get3A_781 = vector.shape_cast %get3A_780 : vector<1x16xf32> to vector<16xf32>
        %swap3A_782 = arith.index_cast %scan3A_721 : i32 to index
        %swap3A_783 = arith.constant 64 : index
        %swap3A_784 = tpu.vector_load %arg8[%swap3A_782, %swap3A_783] {strides = array<i32>} : memref<100x128xf32, #tpu.memory_space<vmem>>, vector<1x16xf32>,
        %swap3A_785 = vector.shape_cast %swap3A_784 : vector<1x16xf32> to vector<16xf32>
        %swap3A_786 = vector.shape_cast %get3A_781 : vector<16xf32> to vector<1x16xf32>
        tpu.vector_store %arg8[%swap3A_782, %swap3A_783], %swap3A_786 {strides = array<i32>} : memref<100x128xf32, #tpu.memory_space<vmem>>, vector<1x16xf32>,
        %mul3A_787 = arith.constant 2 : i32
        %mul3A_788 = arith.muli %mul3A_787, %scan3A_721 : i32
        %add3A_789 = arith.constant 1 : i32
        %add3A_790 = arith.addi %mul3A_788, %add3A_789 : i32
        %get3A_791 = arith.index_cast %add3A_790 : i32 to index
        %get3A_792 = arith.constant 16 : index
        %get3A_793 = tpu.vector_load %arg6[%get3A_791, %get3A_792] {strides = array<i32>} : memref<200x128xf32, #tpu.memory_space<vmem>>, vector<1x16xf32>,
        %get3A_794 = vector.shape_cast %get3A_793 : vector<1x16xf32> to vector<16xf32>
        %swap3A_795 = arith.index_cast %scan3A_721 : i32 to index
        %swap3A_796 = arith.constant 80 : index
        %swap3A_797 = tpu.vector_load %arg8[%swap3A_795, %swap3A_796] {strides = array<i32>} : memref<100x128xf32, #tpu.memory_space<vmem>>, vector<1x16xf32>,
        %swap3A_798 = vector.shape_cast %swap3A_797 : vector<1x16xf32> to vector<16xf32>
        %swap3A_799 = vector.shape_cast %get3A_794 : vector<16xf32> to vector<1x16xf32>
        tpu.vector_store %arg8[%swap3A_795, %swap3A_796], %swap3A_799 {strides = array<i32>} : memref<100x128xf32, #tpu.memory_space<vmem>>, vector<1x16xf32>,
        %mul3A_800 = arith.constant 2 : i32
        %mul3A_801 = arith.muli %mul3A_800, %scan3A_721 : i32
        %add3A_802 = arith.constant 1 : i32
        %add3A_803 = arith.addi %mul3A_801, %add3A_802 : i32
        %get3A_804 = arith.index_cast %add3A_803 : i32 to index
        %get3A_805 = arith.constant 32 : index
        %get3A_806 = tpu.vector_load %arg6[%get3A_804, %get3A_805] {strides = array<i32>} : memref<200x128xf32, #tpu.memory_space<vmem>>, vector<1x16xf32>,
        %get3A_807 = vector.shape_cast %get3A_806 : vector<1x16xf32> to vector<16xf32>
        %swap3A_808 = arith.index_cast %scan3A_721 : i32 to index
        %swap3A_809 = arith.constant 96 : index
        %swap3A_810 = tpu.vector_load %arg8[%swap3A_808, %swap3A_809] {strides = array<i32>} : memref<100x128xf32, #tpu.memory_space<vmem>>, vector<1x16xf32>,
        %swap3A_811 = vector.shape_cast %swap3A_810 : vector<1x16xf32> to vector<16xf32>
        %swap3A_812 = vector.shape_cast %get3A_807 : vector<16xf32> to vector<1x16xf32>
        tpu.vector_store %arg8[%swap3A_808, %swap3A_809], %swap3A_812 {strides = array<i32>} : memref<100x128xf32, #tpu.memory_space<vmem>>, vector<1x16xf32>,
        %mul3A_813 = arith.constant 2 : i32
        %mul3A_814 = arith.muli %mul3A_813, %scan3A_721 : i32
        %add3A_815 = arith.constant 1 : i32
        %add3A_816 = arith.addi %mul3A_814, %add3A_815 : i32
        %get3A_817 = arith.index_cast %add3A_816 : i32 to index
        %get3A_818 = arith.constant 48 : index
        %get3A_819 = tpu.vector_load %arg6[%get3A_817, %get3A_818] {strides = array<i32>} : memref<200x128xf32, #tpu.memory_space<vmem>>, vector<1x16xf32>,
        %get3A_820 = vector.shape_cast %get3A_819 : vector<1x16xf32> to vector<16xf32>
        %swap3A_821 = arith.index_cast %scan3A_721 : i32 to index
        %swap3A_822 = arith.constant 112 : index
        %swap3A_823 = tpu.vector_load %arg8[%swap3A_821, %swap3A_822] {strides = array<i32>} : memref<100x128xf32, #tpu.memory_space<vmem>>, vector<1x16xf32>,
        %swap3A_824 = vector.shape_cast %swap3A_823 : vector<1x16xf32> to vector<16xf32>
        %swap3A_825 = vector.shape_cast %get3A_820 : vector<16xf32> to vector<1x16xf32>
        tpu.vector_store %arg8[%swap3A_821, %swap3A_822], %swap3A_825 {strides = array<i32>} : memref<100x128xf32, #tpu.memory_space<vmem>>, vector<1x16xf32>,
        %scan3A_826 = arith.constant 6 : i32
        %scan3A_827 = arith.addi %scan3A_193, %scan3A_826 : i32
        %mul3A_828 = arith.constant 2 : i32
        %mul3A_829 = arith.muli %mul3A_828, %scan3A_827 : i32
        %add3A_830 = arith.constant 0 : i32
        %add3A_831 = arith.addi %mul3A_829, %add3A_830 : i32
        %get3A_832 = arith.index_cast %add3A_831 : i32 to index
        %get3A_833 = arith.constant 0 : index
        %get3A_834 = tpu.vector_load %arg6[%get3A_832, %get3A_833] {strides = array<i32>} : memref<200x128xf32, #tpu.memory_space<vmem>>, vector<1x16xf32>,
        %get3A_835 = vector.shape_cast %get3A_834 : vector<1x16xf32> to vector<16xf32>
        %swap3A_836 = arith.index_cast %scan3A_827 : i32 to index
        %swap3A_837 = arith.constant 0 : index
        %swap3A_838 = tpu.vector_load %arg8[%swap3A_836, %swap3A_837] {strides = array<i32>} : memref<100x128xf32, #tpu.memory_space<vmem>>, vector<1x16xf32>,
        %swap3A_839 = vector.shape_cast %swap3A_838 : vector<1x16xf32> to vector<16xf32>
        %swap3A_840 = vector.shape_cast %get3A_835 : vector<16xf32> to vector<1x16xf32>
        tpu.vector_store %arg8[%swap3A_836, %swap3A_837], %swap3A_840 {strides = array<i32>} : memref<100x128xf32, #tpu.memory_space<vmem>>, vector<1x16xf32>,
        %mul3A_841 = arith.constant 2 : i32
        %mul3A_842 = arith.muli %mul3A_841, %scan3A_827 : i32
        %add3A_843 = arith.constant 0 : i32
        %add3A_844 = arith.addi %mul3A_842, %add3A_843 : i32
        %get3A_845 = arith.index_cast %add3A_844 : i32 to index
        %get3A_846 = arith.constant 16 : index
        %get3A_847 = tpu.vector_load %arg6[%get3A_845, %get3A_846] {strides = array<i32>} : memref<200x128xf32, #tpu.memory_space<vmem>>, vector<1x16xf32>,
        %get3A_848 = vector.shape_cast %get3A_847 : vector<1x16xf32> to vector<16xf32>
        %swap3A_849 = arith.index_cast %scan3A_827 : i32 to index
        %swap3A_850 = arith.constant 16 : index
        %swap3A_851 = tpu.vector_load %arg8[%swap3A_849, %swap3A_850] {strides = array<i32>} : memref<100x128xf32, #tpu.memory_space<vmem>>, vector<1x16xf32>,
        %swap3A_852 = vector.shape_cast %swap3A_851 : vector<1x16xf32> to vector<16xf32>
        %swap3A_853 = vector.shape_cast %get3A_848 : vector<16xf32> to vector<1x16xf32>
        tpu.vector_store %arg8[%swap3A_849, %swap3A_850], %swap3A_853 {strides = array<i32>} : memref<100x128xf32, #tpu.memory_space<vmem>>, vector<1x16xf32>,
        %mul3A_854 = arith.constant 2 : i32
        %mul3A_855 = arith.muli %mul3A_854, %scan3A_827 : i32
        %add3A_856 = arith.constant 0 : i32
        %add3A_857 = arith.addi %mul3A_855, %add3A_856 : i32
        %get3A_858 = arith.index_cast %add3A_857 : i32 to index
        %get3A_859 = arith.constant 32 : index
        %get3A_860 = tpu.vector_load %arg6[%get3A_858, %get3A_859] {strides = array<i32>} : memref<200x128xf32, #tpu.memory_space<vmem>>, vector<1x16xf32>,
        %get3A_861 = vector.shape_cast %get3A_860 : vector<1x16xf32> to vector<16xf32>
        %swap3A_862 = arith.index_cast %scan3A_827 : i32 to index
        %swap3A_863 = arith.constant 32 : index
        %swap3A_864 = tpu.vector_load %arg8[%swap3A_862, %swap3A_863] {strides = array<i32>} : memref<100x128xf32, #tpu.memory_space<vmem>>, vector<1x16xf32>,
        %swap3A_865 = vector.shape_cast %swap3A_864 : vector<1x16xf32> to vector<16xf32>
        %swap3A_866 = vector.shape_cast %get3A_861 : vector<16xf32> to vector<1x16xf32>
        tpu.vector_store %arg8[%swap3A_862, %swap3A_863], %swap3A_866 {strides = array<i32>} : memref<100x128xf32, #tpu.memory_space<vmem>>, vector<1x16xf32>,
        %mul3A_867 = arith.constant 2 : i32
        %mul3A_868 = arith.muli %mul3A_867, %scan3A_827 : i32
        %add3A_869 = arith.constant 0 : i32
        %add3A_870 = arith.addi %mul3A_868, %add3A_869 : i32
        %get3A_871 = arith.index_cast %add3A_870 : i32 to index
        %get3A_872 = arith.constant 48 : index
        %get3A_873 = tpu.vector_load %arg6[%get3A_871, %get3A_872] {strides = array<i32>} : memref<200x128xf32, #tpu.memory_space<vmem>>, vector<1x16xf32>,
        %get3A_874 = vector.shape_cast %get3A_873 : vector<1x16xf32> to vector<16xf32>
        %swap3A_875 = arith.index_cast %scan3A_827 : i32 to index
        %swap3A_876 = arith.constant 48 : index
        %swap3A_877 = tpu.vector_load %arg8[%swap3A_875, %swap3A_876] {strides = array<i32>} : memref<100x128xf32, #tpu.memory_space<vmem>>, vector<1x16xf32>,
        %swap3A_878 = vector.shape_cast %swap3A_877 : vector<1x16xf32> to vector<16xf32>
        %swap3A_879 = vector.shape_cast %get3A_874 : vector<16xf32> to vector<1x16xf32>
        tpu.vector_store %arg8[%swap3A_875, %swap3A_876], %swap3A_879 {strides = array<i32>} : memref<100x128xf32, #tpu.memory_space<vmem>>, vector<1x16xf32>,
        %mul3A_880 = arith.constant 2 : i32
        %mul3A_881 = arith.muli %mul3A_880, %scan3A_827 : i32
        %add3A_882 = arith.constant 1 : i32
        %add3A_883 = arith.addi %mul3A_881, %add3A_882 : i32
        %get3A_884 = arith.index_cast %add3A_883 : i32 to index
        %get3A_885 = arith.constant 0 : index
        %get3A_886 = tpu.vector_load %arg6[%get3A_884, %get3A_885] {strides = array<i32>} : memref<200x128xf32, #tpu.memory_space<vmem>>, vector<1x16xf32>,
        %get3A_887 = vector.shape_cast %get3A_886 : vector<1x16xf32> to vector<16xf32>
        %swap3A_888 = arith.index_cast %scan3A_827 : i32 to index
        %swap3A_889 = arith.constant 64 : index
        %swap3A_890 = tpu.vector_load %arg8[%swap3A_888, %swap3A_889] {strides = array<i32>} : memref<100x128xf32, #tpu.memory_space<vmem>>, vector<1x16xf32>,
        %swap3A_891 = vector.shape_cast %swap3A_890 : vector<1x16xf32> to vector<16xf32>
        %swap3A_892 = vector.shape_cast %get3A_887 : vector<16xf32> to vector<1x16xf32>
        tpu.vector_store %arg8[%swap3A_888, %swap3A_889], %swap3A_892 {strides = array<i32>} : memref<100x128xf32, #tpu.memory_space<vmem>>, vector<1x16xf32>,
        %mul3A_893 = arith.constant 2 : i32
        %mul3A_894 = arith.muli %mul3A_893, %scan3A_827 : i32
        %add3A_895 = arith.constant 1 : i32
        %add3A_896 = arith.addi %mul3A_894, %add3A_895 : i32
        %get3A_897 = arith.index_cast %add3A_896 : i32 to index
        %get3A_898 = arith.constant 16 : index
        %get3A_899 = tpu.vector_load %arg6[%get3A_897, %get3A_898] {strides = array<i32>} : memref<200x128xf32, #tpu.memory_space<vmem>>, vector<1x16xf32>,
        %get3A_900 = vector.shape_cast %get3A_899 : vector<1x16xf32> to vector<16xf32>
        %swap3A_901 = arith.index_cast %scan3A_827 : i32 to index
        %swap3A_902 = arith.constant 80 : index
        %swap3A_903 = tpu.vector_load %arg8[%swap3A_901, %swap3A_902] {strides = array<i32>} : memref<100x128xf32, #tpu.memory_space<vmem>>, vector<1x16xf32>,
        %swap3A_904 = vector.shape_cast %swap3A_903 : vector<1x16xf32> to vector<16xf32>
        %swap3A_905 = vector.shape_cast %get3A_900 : vector<16xf32> to vector<1x16xf32>
        tpu.vector_store %arg8[%swap3A_901, %swap3A_902], %swap3A_905 {strides = array<i32>} : memref<100x128xf32, #tpu.memory_space<vmem>>, vector<1x16xf32>,
        %mul3A_906 = arith.constant 2 : i32
        %mul3A_907 = arith.muli %mul3A_906, %scan3A_827 : i32
        %add3A_908 = arith.constant 1 : i32
        %add3A_909 = arith.addi %mul3A_907, %add3A_908 : i32
        %get3A_910 = arith.index_cast %add3A_909 : i32 to index
        %get3A_911 = arith.constant 32 : index
        %get3A_912 = tpu.vector_load %arg6[%get3A_910, %get3A_911] {strides = array<i32>} : memref<200x128xf32, #tpu.memory_space<vmem>>, vector<1x16xf32>,
        %get3A_913 = vector.shape_cast %get3A_912 : vector<1x16xf32> to vector<16xf32>
        %swap3A_914 = arith.index_cast %scan3A_827 : i32 to index
        %swap3A_915 = arith.constant 96 : index
        %swap3A_916 = tpu.vector_load %arg8[%swap3A_914, %swap3A_915] {strides = array<i32>} : memref<100x128xf32, #tpu.memory_space<vmem>>, vector<1x16xf32>,
        %swap3A_917 = vector.shape_cast %swap3A_916 : vector<1x16xf32> to vector<16xf32>
        %swap3A_918 = vector.shape_cast %get3A_913 : vector<16xf32> to vector<1x16xf32>
        tpu.vector_store %arg8[%swap3A_914, %swap3A_915], %swap3A_918 {strides = array<i32>} : memref<100x128xf32, #tpu.memory_space<vmem>>, vector<1x16xf32>,
        %mul3A_919 = arith.constant 2 : i32
        %mul3A_920 = arith.muli %mul3A_919, %scan3A_827 : i32
        %add3A_921 = arith.constant 1 : i32
        %add3A_922 = arith.addi %mul3A_920, %add3A_921 : i32
        %get3A_923 = arith.index_cast %add3A_922 : i32 to index
        %get3A_924 = arith.constant 48 : index
        %get3A_925 = tpu.vector_load %arg6[%get3A_923, %get3A_924] {strides = array<i32>} : memref<200x128xf32, #tpu.memory_space<vmem>>, vector<1x16xf32>,
        %get3A_926 = vector.shape_cast %get3A_925 : vector<1x16xf32> to vector<16xf32>
        %swap3A_927 = arith.index_cast %scan3A_827 : i32 to index
        %swap3A_928 = arith.constant 112 : index
        %swap3A_929 = tpu.vector_load %arg8[%swap3A_927, %swap3A_928] {strides = array<i32>} : memref<100x128xf32, #tpu.memory_space<vmem>>, vector<1x16xf32>,
        %swap3A_930 = vector.shape_cast %swap3A_929 : vector<1x16xf32> to vector<16xf32>
        %swap3A_931 = vector.shape_cast %get3A_926 : vector<16xf32> to vector<1x16xf32>
        tpu.vector_store %arg8[%swap3A_927, %swap3A_928], %swap3A_931 {strides = array<i32>} : memref<100x128xf32, #tpu.memory_space<vmem>>, vector<1x16xf32>,
        %scan3A_932 = arith.constant 7 : i32
        %scan3A_933 = arith.addi %scan3A_193, %scan3A_932 : i32
        %mul3A_934 = arith.constant 2 : i32
        %mul3A_935 = arith.muli %mul3A_934, %scan3A_933 : i32
        %add3A_936 = arith.constant 0 : i32
        %add3A_937 = arith.addi %mul3A_935, %add3A_936 : i32
        %get3A_938 = arith.index_cast %add3A_937 : i32 to index
        %get3A_939 = arith.constant 0 : index
        %get3A_940 = tpu.vector_load %arg6[%get3A_938, %get3A_939] {strides = array<i32>} : memref<200x128xf32, #tpu.memory_space<vmem>>, vector<1x16xf32>,
        %get3A_941 = vector.shape_cast %get3A_940 : vector<1x16xf32> to vector<16xf32>
        %swap3A_942 = arith.index_cast %scan3A_933 : i32 to index
        %swap3A_943 = arith.constant 0 : index
        %swap3A_944 = tpu.vector_load %arg8[%swap3A_942, %swap3A_943] {strides = array<i32>} : memref<100x128xf32, #tpu.memory_space<vmem>>, vector<1x16xf32>,
        %swap3A_945 = vector.shape_cast %swap3A_944 : vector<1x16xf32> to vector<16xf32>
        %swap3A_946 = vector.shape_cast %get3A_941 : vector<16xf32> to vector<1x16xf32>
        tpu.vector_store %arg8[%swap3A_942, %swap3A_943], %swap3A_946 {strides = array<i32>} : memref<100x128xf32, #tpu.memory_space<vmem>>, vector<1x16xf32>,
        %mul3A_947 = arith.constant 2 : i32
        %mul3A_948 = arith.muli %mul3A_947, %scan3A_933 : i32
        %add3A_949 = arith.constant 0 : i32
        %add3A_950 = arith.addi %mul3A_948, %add3A_949 : i32
        %get3A_951 = arith.index_cast %add3A_950 : i32 to index
        %get3A_952 = arith.constant 16 : index
        %get3A_953 = tpu.vector_load %arg6[%get3A_951, %get3A_952] {strides = array<i32>} : memref<200x128xf32, #tpu.memory_space<vmem>>, vector<1x16xf32>,
        %get3A_954 = vector.shape_cast %get3A_953 : vector<1x16xf32> to vector<16xf32>
        %swap3A_955 = arith.index_cast %scan3A_933 : i32 to index
        %swap3A_956 = arith.constant 16 : index
        %swap3A_957 = tpu.vector_load %arg8[%swap3A_955, %swap3A_956] {strides = array<i32>} : memref<100x128xf32, #tpu.memory_space<vmem>>, vector<1x16xf32>,
        %swap3A_958 = vector.shape_cast %swap3A_957 : vector<1x16xf32> to vector<16xf32>
        %swap3A_959 = vector.shape_cast %get3A_954 : vector<16xf32> to vector<1x16xf32>
        tpu.vector_store %arg8[%swap3A_955, %swap3A_956], %swap3A_959 {strides = array<i32>} : memref<100x128xf32, #tpu.memory_space<vmem>>, vector<1x16xf32>,
        %mul3A_960 = arith.constant 2 : i32
        %mul3A_961 = arith.muli %mul3A_960, %scan3A_933 : i32
        %add3A_962 = arith.constant 0 : i32
        %add3A_963 = arith.addi %mul3A_961, %add3A_962 : i32
        %get3A_964 = arith.index_cast %add3A_963 : i32 to index
        %get3A_965 = arith.constant 32 : index
        %get3A_966 = tpu.vector_load %arg6[%get3A_964, %get3A_965] {strides = array<i32>} : memref<200x128xf32, #tpu.memory_space<vmem>>, vector<1x16xf32>,
        %get3A_967 = vector.shape_cast %get3A_966 : vector<1x16xf32> to vector<16xf32>
        %swap3A_968 = arith.index_cast %scan3A_933 : i32 to index
        %swap3A_969 = arith.constant 32 : index
        %swap3A_970 = tpu.vector_load %arg8[%swap3A_968, %swap3A_969] {strides = array<i32>} : memref<100x128xf32, #tpu.memory_space<vmem>>, vector<1x16xf32>,
        %swap3A_971 = vector.shape_cast %swap3A_970 : vector<1x16xf32> to vector<16xf32>
        %swap3A_972 = vector.shape_cast %get3A_967 : vector<16xf32> to vector<1x16xf32>
        tpu.vector_store %arg8[%swap3A_968, %swap3A_969], %swap3A_972 {strides = array<i32>} : memref<100x128xf32, #tpu.memory_space<vmem>>, vector<1x16xf32>,
        %mul3A_973 = arith.constant 2 : i32
        %mul3A_974 = arith.muli %mul3A_973, %scan3A_933 : i32
        %add3A_975 = arith.constant 0 : i32
        %add3A_976 = arith.addi %mul3A_974, %add3A_975 : i32
        %get3A_977 = arith.index_cast %add3A_976 : i32 to index
        %get3A_978 = arith.constant 48 : index
        %get3A_979 = tpu.vector_load %arg6[%get3A_977, %get3A_978] {strides = array<i32>} : memref<200x128xf32, #tpu.memory_space<vmem>>, vector<1x16xf32>,
        %get3A_980 = vector.shape_cast %get3A_979 : vector<1x16xf32> to vector<16xf32>
        %swap3A_981 = arith.index_cast %scan3A_933 : i32 to index
        %swap3A_982 = arith.constant 48 : index
        %swap3A_983 = tpu.vector_load %arg8[%swap3A_981, %swap3A_982] {strides = array<i32>} : memref<100x128xf32, #tpu.memory_space<vmem>>, vector<1x16xf32>,
        %swap3A_984 = vector.shape_cast %swap3A_983 : vector<1x16xf32> to vector<16xf32>
        %swap3A_985 = vector.shape_cast %get3A_980 : vector<16xf32> to vector<1x16xf32>
        tpu.vector_store %arg8[%swap3A_981, %swap3A_982], %swap3A_985 {strides = array<i32>} : memref<100x128xf32, #tpu.memory_space<vmem>>, vector<1x16xf32>,
        %mul3A_986 = arith.constant 2 : i32
        %mul3A_987 = arith.muli %mul3A_986, %scan3A_933 : i32
        %add3A_988 = arith.constant 1 : i32
        %add3A_989 = arith.addi %mul3A_987, %add3A_988 : i32
        %get3A_990 = arith.index_cast %add3A_989 : i32 to index
        %get3A_991 = arith.constant 0 : index
        %get3A_992 = tpu.vector_load %arg6[%get3A_990, %get3A_991] {strides = array<i32>} : memref<200x128xf32, #tpu.memory_space<vmem>>, vector<1x16xf32>,
        %get3A_993 = vector.shape_cast %get3A_992 : vector<1x16xf32> to vector<16xf32>
        %swap3A_994 = arith.index_cast %scan3A_933 : i32 to index
        %swap3A_995 = arith.constant 64 : index
        %swap3A_996 = tpu.vector_load %arg8[%swap3A_994, %swap3A_995] {strides = array<i32>} : memref<100x128xf32, #tpu.memory_space<vmem>>, vector<1x16xf32>,
        %swap3A_997 = vector.shape_cast %swap3A_996 : vector<1x16xf32> to vector<16xf32>
        %swap3A_998 = vector.shape_cast %get3A_993 : vector<16xf32> to vector<1x16xf32>
        tpu.vector_store %arg8[%swap3A_994, %swap3A_995], %swap3A_998 {strides = array<i32>} : memref<100x128xf32, #tpu.memory_space<vmem>>, vector<1x16xf32>,
        %mul3A_999 = arith.constant 2 : i32
        %mul3A_1000 = arith.muli %mul3A_999, %scan3A_933 : i32
        %add3A_1001 = arith.constant 1 : i32
        %add3A_1002 = arith.addi %mul3A_1000, %add3A_1001 : i32
        %get3A_1003 = arith.index_cast %add3A_1002 : i32 to index
        %get3A_1004 = arith.constant 16 : index
        %get3A_1005 = tpu.vector_load %arg6[%get3A_1003, %get3A_1004] {strides = array<i32>} : memref<200x128xf32, #tpu.memory_space<vmem>>, vector<1x16xf32>,
        %get3A_1006 = vector.shape_cast %get3A_1005 : vector<1x16xf32> to vector<16xf32>
        %swap3A_1007 = arith.index_cast %scan3A_933 : i32 to index
        %swap3A_1008 = arith.constant 80 : index
        %swap3A_1009 = tpu.vector_load %arg8[%swap3A_1007, %swap3A_1008] {strides = array<i32>} : memref<100x128xf32, #tpu.memory_space<vmem>>, vector<1x16xf32>,
        %swap3A_1010 = vector.shape_cast %swap3A_1009 : vector<1x16xf32> to vector<16xf32>
        %swap3A_1011 = vector.shape_cast %get3A_1006 : vector<16xf32> to vector<1x16xf32>
        tpu.vector_store %arg8[%swap3A_1007, %swap3A_1008], %swap3A_1011 {strides = array<i32>} : memref<100x128xf32, #tpu.memory_space<vmem>>, vector<1x16xf32>,
        %mul3A_1012 = arith.constant 2 : i32
        %mul3A_1013 = arith.muli %mul3A_1012, %scan3A_933 : i32
        %add3A_1014 = arith.constant 1 : i32
        %add3A_1015 = arith.addi %mul3A_1013, %add3A_1014 : i32
        %get3A_1016 = arith.index_cast %add3A_1015 : i32 to index
        %get3A_1017 = arith.constant 32 : index
        %get3A_1018 = tpu.vector_load %arg6[%get3A_1016, %get3A_1017] {strides = array<i32>} : memref<200x128xf32, #tpu.memory_space<vmem>>, vector<1x16xf32>,
        %get3A_1019 = vector.shape_cast %get3A_1018 : vector<1x16xf32> to vector<16xf32>
        %swap3A_1020 = arith.index_cast %scan3A_933 : i32 to index
        %swap3A_1021 = arith.constant 96 : index
        %swap3A_1022 = tpu.vector_load %arg8[%swap3A_1020, %swap3A_1021] {strides = array<i32>} : memref<100x128xf32, #tpu.memory_space<vmem>>, vector<1x16xf32>,
        %swap3A_1023 = vector.shape_cast %swap3A_1022 : vector<1x16xf32> to vector<16xf32>
        %swap3A_1024 = vector.shape_cast %get3A_1019 : vector<16xf32> to vector<1x16xf32>
        tpu.vector_store %arg8[%swap3A_1020, %swap3A_1021], %swap3A_1024 {strides = array<i32>} : memref<100x128xf32, #tpu.memory_space<vmem>>, vector<1x16xf32>,
        %mul3A_1025 = arith.constant 2 : i32
        %mul3A_1026 = arith.muli %mul3A_1025, %scan3A_933 : i32
        %add3A_1027 = arith.constant 1 : i32
        %add3A_1028 = arith.addi %mul3A_1026, %add3A_1027 : i32
        %get3A_1029 = arith.index_cast %add3A_1028 : i32 to index
        %get3A_1030 = arith.constant 48 : index
        %get3A_1031 = tpu.vector_load %arg6[%get3A_1029, %get3A_1030] {strides = array<i32>} : memref<200x128xf32, #tpu.memory_space<vmem>>, vector<1x16xf32>,
        %get3A_1032 = vector.shape_cast %get3A_1031 : vector<1x16xf32> to vector<16xf32>
        %swap3A_1033 = arith.index_cast %scan3A_933 : i32 to index
        %swap3A_1034 = arith.constant 112 : index
        %swap3A_1035 = tpu.vector_load %arg8[%swap3A_1033, %swap3A_1034] {strides = array<i32>} : memref<100x128xf32, #tpu.memory_space<vmem>>, vector<1x16xf32>,
        %swap3A_1036 = vector.shape_cast %swap3A_1035 : vector<1x16xf32> to vector<16xf32>
        %swap3A_1037 = vector.shape_cast %get3A_1032 : vector<16xf32> to vector<1x16xf32>
        tpu.vector_store %arg8[%swap3A_1033, %swap3A_1034], %swap3A_1037 {strides = array<i32>} : memref<100x128xf32, #tpu.memory_space<vmem>>, vector<1x16xf32>,
        %scan3A_1038 = arith.constant 8 : i32
        %scan3A_1039 = arith.addi %scan3A_193, %scan3A_1038 : i32
        %mul3A_1040 = arith.constant 2 : i32
        %mul3A_1041 = arith.muli %mul3A_1040, %scan3A_1039 : i32
        %add3A_1042 = arith.constant 0 : i32
        %add3A_1043 = arith.addi %mul3A_1041, %add3A_1042 : i32
        %get3A_1044 = arith.index_cast %add3A_1043 : i32 to index
        %get3A_1045 = arith.constant 0 : index
        %get3A_1046 = tpu.vector_load %arg6[%get3A_1044, %get3A_1045] {strides = array<i32>} : memref<200x128xf32, #tpu.memory_space<vmem>>, vector<1x16xf32>,
        %get3A_1047 = vector.shape_cast %get3A_1046 : vector<1x16xf32> to vector<16xf32>
        %swap3A_1048 = arith.index_cast %scan3A_1039 : i32 to index
        %swap3A_1049 = arith.constant 0 : index
        %swap3A_1050 = tpu.vector_load %arg8[%swap3A_1048, %swap3A_1049] {strides = array<i32>} : memref<100x128xf32, #tpu.memory_space<vmem>>, vector<1x16xf32>,
        %swap3A_1051 = vector.shape_cast %swap3A_1050 : vector<1x16xf32> to vector<16xf32>
        %swap3A_1052 = vector.shape_cast %get3A_1047 : vector<16xf32> to vector<1x16xf32>
        tpu.vector_store %arg8[%swap3A_1048, %swap3A_1049], %swap3A_1052 {strides = array<i32>} : memref<100x128xf32, #tpu.memory_space<vmem>>, vector<1x16xf32>,
        %mul3A_1053 = arith.constant 2 : i32
        %mul3A_1054 = arith.muli %mul3A_1053, %scan3A_1039 : i32
        %add3A_1055 = arith.constant 0 : i32
        %add3A_1056 = arith.addi %mul3A_1054, %add3A_1055 : i32
        %get3A_1057 = arith.index_cast %add3A_1056 : i32 to index
        %get3A_1058 = arith.constant 16 : index
        %get3A_1059 = tpu.vector_load %arg6[%get3A_1057, %get3A_1058] {strides = array<i32>} : memref<200x128xf32, #tpu.memory_space<vmem>>, vector<1x16xf32>,
        %get3A_1060 = vector.shape_cast %get3A_1059 : vector<1x16xf32> to vector<16xf32>
        %swap3A_1061 = arith.index_cast %scan3A_1039 : i32 to index
        %swap3A_1062 = arith.constant 16 : index
        %swap3A_1063 = tpu.vector_load %arg8[%swap3A_1061, %swap3A_1062] {strides = array<i32>} : memref<100x128xf32, #tpu.memory_space<vmem>>, vector<1x16xf32>,
        %swap3A_1064 = vector.shape_cast %swap3A_1063 : vector<1x16xf32> to vector<16xf32>
        %swap3A_1065 = vector.shape_cast %get3A_1060 : vector<16xf32> to vector<1x16xf32>
        tpu.vector_store %arg8[%swap3A_1061, %swap3A_1062], %swap3A_1065 {strides = array<i32>} : memref<100x128xf32, #tpu.memory_space<vmem>>, vector<1x16xf32>,
        %mul3A_1066 = arith.constant 2 : i32
        %mul3A_1067 = arith.muli %mul3A_1066, %scan3A_1039 : i32
        %add3A_1068 = arith.constant 0 : i32
        %add3A_1069 = arith.addi %mul3A_1067, %add3A_1068 : i32
        %get3A_1070 = arith.index_cast %add3A_1069 : i32 to index
        %get3A_1071 = arith.constant 32 : index
        %get3A_1072 = tpu.vector_load %arg6[%get3A_1070, %get3A_1071] {strides = array<i32>} : memref<200x128xf32, #tpu.memory_space<vmem>>, vector<1x16xf32>,
        %get3A_1073 = vector.shape_cast %get3A_1072 : vector<1x16xf32> to vector<16xf32>
        %swap3A_1074 = arith.index_cast %scan3A_1039 : i32 to index
        %swap3A_1075 = arith.constant 32 : index
        %swap3A_1076 = tpu.vector_load %arg8[%swap3A_1074, %swap3A_1075] {strides = array<i32>} : memref<100x128xf32, #tpu.memory_space<vmem>>, vector<1x16xf32>,
        %swap3A_1077 = vector.shape_cast %swap3A_1076 : vector<1x16xf32> to vector<16xf32>
        %swap3A_1078 = vector.shape_cast %get3A_1073 : vector<16xf32> to vector<1x16xf32>
        tpu.vector_store %arg8[%swap3A_1074, %swap3A_1075], %swap3A_1078 {strides = array<i32>} : memref<100x128xf32, #tpu.memory_space<vmem>>, vector<1x16xf32>,
        %mul3A_1079 = arith.constant 2 : i32
        %mul3A_1080 = arith.muli %mul3A_1079, %scan3A_1039 : i32
        %add3A_1081 = arith.constant 0 : i32
        %add3A_1082 = arith.addi %mul3A_1080, %add3A_1081 : i32
        %get3A_1083 = arith.index_cast %add3A_1082 : i32 to index
        %get3A_1084 = arith.constant 48 : index
        %get3A_1085 = tpu.vector_load %arg6[%get3A_1083, %get3A_1084] {strides = array<i32>} : memref<200x128xf32, #tpu.memory_space<vmem>>, vector<1x16xf32>,
        %get3A_1086 = vector.shape_cast %get3A_1085 : vector<1x16xf32> to vector<16xf32>
        %swap3A_1087 = arith.index_cast %scan3A_1039 : i32 to index
        %swap3A_1088 = arith.constant 48 : index
        %swap3A_1089 = tpu.vector_load %arg8[%swap3A_1087, %swap3A_1088] {strides = array<i32>} : memref<100x128xf32, #tpu.memory_space<vmem>>, vector<1x16xf32>,
        %swap3A_1090 = vector.shape_cast %swap3A_1089 : vector<1x16xf32> to vector<16xf32>
        %swap3A_1091 = vector.shape_cast %get3A_1086 : vector<16xf32> to vector<1x16xf32>
        tpu.vector_store %arg8[%swap3A_1087, %swap3A_1088], %swap3A_1091 {strides = array<i32>} : memref<100x128xf32, #tpu.memory_space<vmem>>, vector<1x16xf32>,
        %mul3A_1092 = arith.constant 2 : i32
        %mul3A_1093 = arith.muli %mul3A_1092, %scan3A_1039 : i32
        %add3A_1094 = arith.constant 1 : i32
        %add3A_1095 = arith.addi %mul3A_1093, %add3A_1094 : i32
        %get3A_1096 = arith.index_cast %add3A_1095 : i32 to index
        %get3A_1097 = arith.constant 0 : index
        %get3A_1098 = tpu.vector_load %arg6[%get3A_1096, %get3A_1097] {strides = array<i32>} : memref<200x128xf32, #tpu.memory_space<vmem>>, vector<1x16xf32>,
        %get3A_1099 = vector.shape_cast %get3A_1098 : vector<1x16xf32> to vector<16xf32>
        %swap3A_1100 = arith.index_cast %scan3A_1039 : i32 to index
        %swap3A_1101 = arith.constant 64 : index
        %swap3A_1102 = tpu.vector_load %arg8[%swap3A_1100, %swap3A_1101] {strides = array<i32>} : memref<100x128xf32, #tpu.memory_space<vmem>>, vector<1x16xf32>,
        %swap3A_1103 = vector.shape_cast %swap3A_1102 : vector<1x16xf32> to vector<16xf32>
        %swap3A_1104 = vector.shape_cast %get3A_1099 : vector<16xf32> to vector<1x16xf32>
        tpu.vector_store %arg8[%swap3A_1100, %swap3A_1101], %swap3A_1104 {strides = array<i32>} : memref<100x128xf32, #tpu.memory_space<vmem>>, vector<1x16xf32>,
        %mul3A_1105 = arith.constant 2 : i32
        %mul3A_1106 = arith.muli %mul3A_1105, %scan3A_1039 : i32
        %add3A_1107 = arith.constant 1 : i32
        %add3A_1108 = arith.addi %mul3A_1106, %add3A_1107 : i32
        %get3A_1109 = arith.index_cast %add3A_1108 : i32 to index
        %get3A_1110 = arith.constant 16 : index
        %get3A_1111 = tpu.vector_load %arg6[%get3A_1109, %get3A_1110] {strides = array<i32>} : memref<200x128xf32, #tpu.memory_space<vmem>>, vector<1x16xf32>,
        %get3A_1112 = vector.shape_cast %get3A_1111 : vector<1x16xf32> to vector<16xf32>
        %swap3A_1113 = arith.index_cast %scan3A_1039 : i32 to index
        %swap3A_1114 = arith.constant 80 : index
        %swap3A_1115 = tpu.vector_load %arg8[%swap3A_1113, %swap3A_1114] {strides = array<i32>} : memref<100x128xf32, #tpu.memory_space<vmem>>, vector<1x16xf32>,
        %swap3A_1116 = vector.shape_cast %swap3A_1115 : vector<1x16xf32> to vector<16xf32>
        %swap3A_1117 = vector.shape_cast %get3A_1112 : vector<16xf32> to vector<1x16xf32>
        tpu.vector_store %arg8[%swap3A_1113, %swap3A_1114], %swap3A_1117 {strides = array<i32>} : memref<100x128xf32, #tpu.memory_space<vmem>>, vector<1x16xf32>,
        %mul3A_1118 = arith.constant 2 : i32
        %mul3A_1119 = arith.muli %mul3A_1118, %scan3A_1039 : i32
        %add3A_1120 = arith.constant 1 : i32
        %add3A_1121 = arith.addi %mul3A_1119, %add3A_1120 : i32
        %get3A_1122 = arith.index_cast %add3A_1121 : i32 to index
        %get3A_1123 = arith.constant 32 : index
        %get3A_1124 = tpu.vector_load %arg6[%get3A_1122, %get3A_1123] {strides = array<i32>} : memref<200x128xf32, #tpu.memory_space<vmem>>, vector<1x16xf32>,
        %get3A_1125 = vector.shape_cast %get3A_1124 : vector<1x16xf32> to vector<16xf32>
        %swap3A_1126 = arith.index_cast %scan3A_1039 : i32 to index
        %swap3A_1127 = arith.constant 96 : index
        %swap3A_1128 = tpu.vector_load %arg8[%swap3A_1126, %swap3A_1127] {strides = array<i32>} : memref<100x128xf32, #tpu.memory_space<vmem>>, vector<1x16xf32>,
        %swap3A_1129 = vector.shape_cast %swap3A_1128 : vector<1x16xf32> to vector<16xf32>
        %swap3A_1130 = vector.shape_cast %get3A_1125 : vector<16xf32> to vector<1x16xf32>
        tpu.vector_store %arg8[%swap3A_1126, %swap3A_1127], %swap3A_1130 {strides = array<i32>} : memref<100x128xf32, #tpu.memory_space<vmem>>, vector<1x16xf32>,
        %mul3A_1131 = arith.constant 2 : i32
        %mul3A_1132 = arith.muli %mul3A_1131, %scan3A_1039 : i32
        %add3A_1133 = arith.constant 1 : i32
        %add3A_1134 = arith.addi %mul3A_1132, %add3A_1133 : i32
        %get3A_1135 = arith.index_cast %add3A_1134 : i32 to index
        %get3A_1136 = arith.constant 48 : index
        %get3A_1137 = tpu.vector_load %arg6[%get3A_1135, %get3A_1136] {strides = array<i32>} : memref<200x128xf32, #tpu.memory_space<vmem>>, vector<1x16xf32>,
        %get3A_1138 = vector.shape_cast %get3A_1137 : vector<1x16xf32> to vector<16xf32>
        %swap3A_1139 = arith.index_cast %scan3A_1039 : i32 to index
        %swap3A_1140 = arith.constant 112 : index
        %swap3A_1141 = tpu.vector_load %arg8[%swap3A_1139, %swap3A_1140] {strides = array<i32>} : memref<100x128xf32, #tpu.memory_space<vmem>>, vector<1x16xf32>,
        %swap3A_1142 = vector.shape_cast %swap3A_1141 : vector<1x16xf32> to vector<16xf32>
        %swap3A_1143 = vector.shape_cast %get3A_1138 : vector<16xf32> to vector<1x16xf32>
        tpu.vector_store %arg8[%swap3A_1139, %swap3A_1140], %swap3A_1143 {strides = array<i32>} : memref<100x128xf32, #tpu.memory_space<vmem>>, vector<1x16xf32>,
        %scan3A_1144 = arith.constant 9 : i32
        %scan3A_1145 = arith.addi %scan3A_193, %scan3A_1144 : i32
        %mul3A_1146 = arith.constant 2 : i32
        %mul3A_1147 = arith.muli %mul3A_1146, %scan3A_1145 : i32
        %add3A_1148 = arith.constant 0 : i32
        %add3A_1149 = arith.addi %mul3A_1147, %add3A_1148 : i32
        %get3A_1150 = arith.index_cast %add3A_1149 : i32 to index
        %get3A_1151 = arith.constant 0 : index
        %get3A_1152 = tpu.vector_load %arg6[%get3A_1150, %get3A_1151] {strides = array<i32>} : memref<200x128xf32, #tpu.memory_space<vmem>>, vector<1x16xf32>,
        %get3A_1153 = vector.shape_cast %get3A_1152 : vector<1x16xf32> to vector<16xf32>
        %swap3A_1154 = arith.index_cast %scan3A_1145 : i32 to index
        %swap3A_1155 = arith.constant 0 : index
        %swap3A_1156 = tpu.vector_load %arg8[%swap3A_1154, %swap3A_1155] {strides = array<i32>} : memref<100x128xf32, #tpu.memory_space<vmem>>, vector<1x16xf32>,
        %swap3A_1157 = vector.shape_cast %swap3A_1156 : vector<1x16xf32> to vector<16xf32>
        %swap3A_1158 = vector.shape_cast %get3A_1153 : vector<16xf32> to vector<1x16xf32>
        tpu.vector_store %arg8[%swap3A_1154, %swap3A_1155], %swap3A_1158 {strides = array<i32>} : memref<100x128xf32, #tpu.memory_space<vmem>>, vector<1x16xf32>,
        %mul3A_1159 = arith.constant 2 : i32
        %mul3A_1160 = arith.muli %mul3A_1159, %scan3A_1145 : i32
        %add3A_1161 = arith.constant 0 : i32
        %add3A_1162 = arith.addi %mul3A_1160, %add3A_1161 : i32
        %get3A_1163 = arith.index_cast %add3A_1162 : i32 to index
        %get3A_1164 = arith.constant 16 : index
        %get3A_1165 = tpu.vector_load %arg6[%get3A_1163, %get3A_1164] {strides = array<i32>} : memref<200x128xf32, #tpu.memory_space<vmem>>, vector<1x16xf32>,
        %get3A_1166 = vector.shape_cast %get3A_1165 : vector<1x16xf32> to vector<16xf32>
        %swap3A_1167 = arith.index_cast %scan3A_1145 : i32 to index
        %swap3A_1168 = arith.constant 16 : index
        %swap3A_1169 = tpu.vector_load %arg8[%swap3A_1167, %swap3A_1168] {strides = array<i32>} : memref<100x128xf32, #tpu.memory_space<vmem>>, vector<1x16xf32>,
        %swap3A_1170 = vector.shape_cast %swap3A_1169 : vector<1x16xf32> to vector<16xf32>
        %swap3A_1171 = vector.shape_cast %get3A_1166 : vector<16xf32> to vector<1x16xf32>
        tpu.vector_store %arg8[%swap3A_1167, %swap3A_1168], %swap3A_1171 {strides = array<i32>} : memref<100x128xf32, #tpu.memory_space<vmem>>, vector<1x16xf32>,
        %mul3A_1172 = arith.constant 2 : i32
        %mul3A_1173 = arith.muli %mul3A_1172, %scan3A_1145 : i32
        %add3A_1174 = arith.constant 0 : i32
        %add3A_1175 = arith.addi %mul3A_1173, %add3A_1174 : i32
        %get3A_1176 = arith.index_cast %add3A_1175 : i32 to index
        %get3A_1177 = arith.constant 32 : index
        %get3A_1178 = tpu.vector_load %arg6[%get3A_1176, %get3A_1177] {strides = array<i32>} : memref<200x128xf32, #tpu.memory_space<vmem>>, vector<1x16xf32>,
        %get3A_1179 = vector.shape_cast %get3A_1178 : vector<1x16xf32> to vector<16xf32>
        %swap3A_1180 = arith.index_cast %scan3A_1145 : i32 to index
        %swap3A_1181 = arith.constant 32 : index
        %swap3A_1182 = tpu.vector_load %arg8[%swap3A_1180, %swap3A_1181] {strides = array<i32>} : memref<100x128xf32, #tpu.memory_space<vmem>>, vector<1x16xf32>,
        %swap3A_1183 = vector.shape_cast %swap3A_1182 : vector<1x16xf32> to vector<16xf32>
        %swap3A_1184 = vector.shape_cast %get3A_1179 : vector<16xf32> to vector<1x16xf32>
        tpu.vector_store %arg8[%swap3A_1180, %swap3A_1181], %swap3A_1184 {strides = array<i32>} : memref<100x128xf32, #tpu.memory_space<vmem>>, vector<1x16xf32>,
        %mul3A_1185 = arith.constant 2 : i32
        %mul3A_1186 = arith.muli %mul3A_1185, %scan3A_1145 : i32
        %add3A_1187 = arith.constant 0 : i32
        %add3A_1188 = arith.addi %mul3A_1186, %add3A_1187 : i32
        %get3A_1189 = arith.index_cast %add3A_1188 : i32 to index
        %get3A_1190 = arith.constant 48 : index
        %get3A_1191 = tpu.vector_load %arg6[%get3A_1189, %get3A_1190] {strides = array<i32>} : memref<200x128xf32, #tpu.memory_space<vmem>>, vector<1x16xf32>,
        %get3A_1192 = vector.shape_cast %get3A_1191 : vector<1x16xf32> to vector<16xf32>
        %swap3A_1193 = arith.index_cast %scan3A_1145 : i32 to index
        %swap3A_1194 = arith.constant 48 : index
        %swap3A_1195 = tpu.vector_load %arg8[%swap3A_1193, %swap3A_1194] {strides = array<i32>} : memref<100x128xf32, #tpu.memory_space<vmem>>, vector<1x16xf32>,
        %swap3A_1196 = vector.shape_cast %swap3A_1195 : vector<1x16xf32> to vector<16xf32>
        %swap3A_1197 = vector.shape_cast %get3A_1192 : vector<16xf32> to vector<1x16xf32>
        tpu.vector_store %arg8[%swap3A_1193, %swap3A_1194], %swap3A_1197 {strides = array<i32>} : memref<100x128xf32, #tpu.memory_space<vmem>>, vector<1x16xf32>,
        %mul3A_1198 = arith.constant 2 : i32
        %mul3A_1199 = arith.muli %mul3A_1198, %scan3A_1145 : i32
        %add3A_1200 = arith.constant 1 : i32
        %add3A_1201 = arith.addi %mul3A_1199, %add3A_1200 : i32
        %get3A_1202 = arith.index_cast %add3A_1201 : i32 to index
        %get3A_1203 = arith.constant 0 : index
        %get3A_1204 = tpu.vector_load %arg6[%get3A_1202, %get3A_1203] {strides = array<i32>} : memref<200x128xf32, #tpu.memory_space<vmem>>, vector<1x16xf32>,
        %get3A_1205 = vector.shape_cast %get3A_1204 : vector<1x16xf32> to vector<16xf32>
        %swap3A_1206 = arith.index_cast %scan3A_1145 : i32 to index
        %swap3A_1207 = arith.constant 64 : index
        %swap3A_1208 = tpu.vector_load %arg8[%swap3A_1206, %swap3A_1207] {strides = array<i32>} : memref<100x128xf32, #tpu.memory_space<vmem>>, vector<1x16xf32>,
        %swap3A_1209 = vector.shape_cast %swap3A_1208 : vector<1x16xf32> to vector<16xf32>
        %swap3A_1210 = vector.shape_cast %get3A_1205 : vector<16xf32> to vector<1x16xf32>
        tpu.vector_store %arg8[%swap3A_1206, %swap3A_1207], %swap3A_1210 {strides = array<i32>} : memref<100x128xf32, #tpu.memory_space<vmem>>, vector<1x16xf32>,
        %mul3A_1211 = arith.constant 2 : i32
        %mul3A_1212 = arith.muli %mul3A_1211, %scan3A_1145 : i32
        %add3A_1213 = arith.constant 1 : i32
        %add3A_1214 = arith.addi %mul3A_1212, %add3A_1213 : i32
        %get3A_1215 = arith.index_cast %add3A_1214 : i32 to index
        %get3A_1216 = arith.constant 16 : index
        %get3A_1217 = tpu.vector_load %arg6[%get3A_1215, %get3A_1216] {strides = array<i32>} : memref<200x128xf32, #tpu.memory_space<vmem>>, vector<1x16xf32>,
        %get3A_1218 = vector.shape_cast %get3A_1217 : vector<1x16xf32> to vector<16xf32>
        %swap3A_1219 = arith.index_cast %scan3A_1145 : i32 to index
        %swap3A_1220 = arith.constant 80 : index
        %swap3A_1221 = tpu.vector_load %arg8[%swap3A_1219, %swap3A_1220] {strides = array<i32>} : memref<100x128xf32, #tpu.memory_space<vmem>>, vector<1x16xf32>,
        %swap3A_1222 = vector.shape_cast %swap3A_1221 : vector<1x16xf32> to vector<16xf32>
        %swap3A_1223 = vector.shape_cast %get3A_1218 : vector<16xf32> to vector<1x16xf32>
        tpu.vector_store %arg8[%swap3A_1219, %swap3A_1220], %swap3A_1223 {strides = array<i32>} : memref<100x128xf32, #tpu.memory_space<vmem>>, vector<1x16xf32>,
        %mul3A_1224 = arith.constant 2 : i32
        %mul3A_1225 = arith.muli %mul3A_1224, %scan3A_1145 : i32
        %add3A_1226 = arith.constant 1 : i32
        %add3A_1227 = arith.addi %mul3A_1225, %add3A_1226 : i32
        %get3A_1228 = arith.index_cast %add3A_1227 : i32 to index
        %get3A_1229 = arith.constant 32 : index
        %get3A_1230 = tpu.vector_load %arg6[%get3A_1228, %get3A_1229] {strides = array<i32>} : memref<200x128xf32, #tpu.memory_space<vmem>>, vector<1x16xf32>,
        %get3A_1231 = vector.shape_cast %get3A_1230 : vector<1x16xf32> to vector<16xf32>
        %swap3A_1232 = arith.index_cast %scan3A_1145 : i32 to index
        %swap3A_1233 = arith.constant 96 : index
        %swap3A_1234 = tpu.vector_load %arg8[%swap3A_1232, %swap3A_1233] {strides = array<i32>} : memref<100x128xf32, #tpu.memory_space<vmem>>, vector<1x16xf32>,
        %swap3A_1235 = vector.shape_cast %swap3A_1234 : vector<1x16xf32> to vector<16xf32>
        %swap3A_1236 = vector.shape_cast %get3A_1231 : vector<16xf32> to vector<1x16xf32>
        tpu.vector_store %arg8[%swap3A_1232, %swap3A_1233], %swap3A_1236 {strides = array<i32>} : memref<100x128xf32, #tpu.memory_space<vmem>>, vector<1x16xf32>,
        %mul3A_1237 = arith.constant 2 : i32
        %mul3A_1238 = arith.muli %mul3A_1237, %scan3A_1145 : i32
        %add3A_1239 = arith.constant 1 : i32
        %add3A_1240 = arith.addi %mul3A_1238, %add3A_1239 : i32
        %get3A_1241 = arith.index_cast %add3A_1240 : i32 to index
        %get3A_1242 = arith.constant 48 : index
        %get3A_1243 = tpu.vector_load %arg6[%get3A_1241, %get3A_1242] {strides = array<i32>} : memref<200x128xf32, #tpu.memory_space<vmem>>, vector<1x16xf32>,
        %get3A_1244 = vector.shape_cast %get3A_1243 : vector<1x16xf32> to vector<16xf32>
        %swap3A_1245 = arith.index_cast %scan3A_1145 : i32 to index
        %swap3A_1246 = arith.constant 112 : index
        %swap3A_1247 = tpu.vector_load %arg8[%swap3A_1245, %swap3A_1246] {strides = array<i32>} : memref<100x128xf32, #tpu.memory_space<vmem>>, vector<1x16xf32>,
        %swap3A_1248 = vector.shape_cast %swap3A_1247 : vector<1x16xf32> to vector<16xf32>
        %swap3A_1249 = vector.shape_cast %get3A_1244 : vector<16xf32> to vector<1x16xf32>
        tpu.vector_store %arg8[%swap3A_1245, %swap3A_1246], %swap3A_1249 {strides = array<i32>} : memref<100x128xf32, #tpu.memory_space<vmem>>, vector<1x16xf32>,
      }
      %scan3A_92 = arith.constant 100 : i32
      %mul3A_93 = arith.constant 200 : i32
      %mul3A_94 = arith.muli %mul3A_78, %mul3A_93 : i32
      %add3A_95 = arith.addi %mul3A_2, %mul3A_94 : i32
      %jit3A_96 = arith.constant 200 : i32
      %div3A_97 = arith.divsi %add3A_95, %jit3A_96 : i32
      %sign3A_98 = arith.constant 0 : i32
      %sign3A_99 = arith.cmpi sgt, %add3A_95, %sign3A_98 : i32
      %sign3A_100 = arith.extui %sign3A_99 : i1 to i32
      %sign3A_101 = arith.constant 0 : i32
      %sign3A_102 = arith.cmpi slt, %add3A_95, %sign3A_101 : i32
      %sign3A_103 = arith.extui %sign3A_102 : i1 to i32
      %sign3A_104 = arith.subi %sign3A_100, %sign3A_103 : i32
      %sign3A_105 = arith.constant 0 : i32
      %sign3A_106 = arith.cmpi sgt, %jit3A_96, %sign3A_105 : i32
      %sign3A_107 = arith.extui %sign3A_106 : i1 to i32
      %sign3A_108 = arith.constant 0 : i32
      %sign3A_109 = arith.cmpi slt, %jit3A_96, %sign3A_108 : i32
      %sign3A_110 = arith.extui %sign3A_109 : i1 to i32
      %sign3A_111 = arith.subi %sign3A_107, %sign3A_110 : i32
      %ne3A_112 = arith.cmpi ne, %sign3A_104, %sign3A_111 : i32
      %rem3A_113 = arith.remsi %add3A_95, %jit3A_96 : i32
      %ne3A_114 = arith.constant 0 : i32
      %ne3A_115 = arith.cmpi ne, %rem3A_113, %ne3A_114 : i32
      %and3A_116 = arith.andi %ne3A_112, %ne3A_115 : i1
      %sub3A_117 = arith.constant 1 : i32
      %sub3A_118 = arith.subi %div3A_97, %sub3A_117 : i32
      %select_n3A_119 = arith.select %and3A_116, %sub3A_118, %div3A_97 : i32
      %dma_start3A_120 = arith.constant 0 : i32
      %dma_start3A_121 = arith.constant 0 : i32
      %dma_start3A_122 = tpu.memref_slice %arg4[%select_n3A_119, %dma_start3A_120, %dma_start3A_121] : memref<4096x100x128xf32, #tpu.memory_space<hbm>> -> memref<1x100x128xf32, #tpu.memory_space<hbm>>
      %dma_start3A_123 = tpu.memref_squeeze %dma_start3A_122 : memref<1x100x128xf32, #tpu.memory_space<hbm>> -> memref<100x128xf32, #tpu.memory_space<hbm>>
      %dma_start3A_124 = arith.constant 0 : i32
      %dma_start3A_125 = arith.constant 0 : i32
      %dma_start3A_126 = tpu.memref_slice %arg4[%select_n3A_119, %dma_start3A_124, %dma_start3A_125] : memref<4096x100x128xf32, #tpu.memory_space<hbm>> -> memref<1x100x128xf32, #tpu.memory_space<hbm>>
      %dma_start3A_127 = tpu.memref_squeeze %dma_start3A_126 : memref<1x100x128xf32, #tpu.memory_space<hbm>> -> memref<100x128xf32, #tpu.memory_space<hbm>>
      tpu.enqueue_dma source(%arg8 : memref<100x128xf32, #tpu.memory_space<vmem>>) target(%dma_start3A_127 : memref<100x128xf32, #tpu.memory_space<hbm>>) target_semaphore(%arg12 : memref<!tpu.dma_semaphore, #tpu.memory_space<semaphore_mem>>)
      %lt3A = arith.constant 63 : i32
      %lt3A_128 = arith.cmpi slt, %scan3A_76, %lt3A : i32
      %convert_element_type3A_129 = arith.extui %lt3A_128 : i1 to i32
      %cond3A_130 = arith.constant 0 : i32
      %cond3A_131 = arith.cmpi ne, %convert_element_type3A_129, %cond3A_130 : i32
      scf.if %cond3A_131 {
        %add3A_193 = arith.constant 2 : i32
        %add3A_194 = arith.addi %mul3A_78, %add3A_193 : i32
        %mul3A_195 = arith.constant 200 : i32
        %mul3A_196 = arith.muli %add3A_194, %mul3A_195 : i32
        %dma_start3A_197 = tpu.memref_slice %arg5[%mul3A_196] : memref<25600xi32, #tpu.memory_space<vmem>> -> memref<200xi32, #tpu.memory_space<vmem>>
        %dma_start3A_198 = arith.constant 0 : i32
        %dma_start3A_199 = arith.constant 0 : i32
        %dma_start3A_200 = tpu.memref_slice %arg2[%dma_start3A_198, %dma_start3A_199] : memref<5128x128xf32, #tpu.memory_space<hbm>> -> memref<5128x128xf32, #tpu.memory_space<hbm>>
        tpu.enqueue_indirect_dma source(%dma_start3A_200 : memref<5128x128xf32, #tpu.memory_space<hbm>>) target(%arg6 : memref<200x128xf32, #tpu.memory_space<vmem>>) offsets(%dma_start3A_197 : memref<200xi32, #tpu.memory_space<vmem>>) semaphore(%arg10 : memref<!tpu.dma_semaphore, #tpu.memory_space<semaphore_mem>>)
      } else {
      }
      %gt3A_132 = arith.constant 0 : i32
      %gt3A_133 = arith.cmpi sgt, %scan3A_76, %gt3A_132 : i32
      %convert_element_type3A_134 = arith.extui %gt3A_133 : i1 to i32
      %cond3A_135 = arith.constant 0 : i32
      %cond3A_136 = arith.cmpi ne, %convert_element_type3A_134, %cond3A_135 : i32
      scf.if %cond3A_136 {
        %add3A_193 = arith.constant 200 : i32
        %add3A_194 = arith.addi %mul3A_2, %add3A_193 : i32
        %jit3A_195 = arith.constant 200 : i32
        %div3A_196 = arith.divsi %add3A_194, %jit3A_195 : i32
        %sign3A_197 = arith.constant 0 : i32
        %sign3A_198 = arith.cmpi sgt, %add3A_194, %sign3A_197 : i32
        %sign3A_199 = arith.extui %sign3A_198 : i1 to i32
        %sign3A_200 = arith.constant 0 : i32
        %sign3A_201 = arith.cmpi slt, %add3A_194, %sign3A_200 : i32
        %sign3A_202 = arith.extui %sign3A_201 : i1 to i32
        %sign3A_203 = arith.subi %sign3A_199, %sign3A_202 : i32
        %sign3A_204 = arith.constant 0 : i32
        %sign3A_205 = arith.cmpi sgt, %jit3A_195, %sign3A_204 : i32
        %sign3A_206 = arith.extui %sign3A_205 : i1 to i32
        %sign3A_207 = arith.constant 0 : i32
        %sign3A_208 = arith.cmpi slt, %jit3A_195, %sign3A_207 : i32
        %sign3A_209 = arith.extui %sign3A_208 : i1 to i32
        %sign3A_210 = arith.subi %sign3A_206, %sign3A_209 : i32
        %ne3A_211 = arith.cmpi ne, %sign3A_203, %sign3A_210 : i32
        %rem3A_212 = arith.remsi %add3A_194, %jit3A_195 : i32
        %ne3A_213 = arith.constant 0 : i32
        %ne3A_214 = arith.cmpi ne, %rem3A_212, %ne3A_213 : i32
        %and3A_215 = arith.andi %ne3A_211, %ne3A_214 : i1
        %sub3A_216 = arith.constant 1 : i32
        %sub3A_217 = arith.subi %div3A_196, %sub3A_216 : i32
        %select_n3A_218 = arith.select %and3A_215, %sub3A_217, %div3A_196 : i32
        %dma_wait3A_219 = arith.constant 0 : i32
        %dma_wait3A_220 = arith.constant 0 : i32
        %dma_wait3A_221 = tpu.memref_slice %arg4[%select_n3A_218, %dma_wait3A_219, %dma_wait3A_220] : memref<4096x100x128xf32, #tpu.memory_space<hbm>> -> memref<1x100x128xf32, #tpu.memory_space<hbm>>
        %dma_wait3A_222 = tpu.memref_squeeze %dma_wait3A_221 : memref<1x100x128xf32, #tpu.memory_space<hbm>> -> memref<100x128xf32, #tpu.memory_space<hbm>>
        %dma_wait3A_223 = arith.constant 0 : i32
        %dma_wait3A_224 = arith.constant 0 : i32
        %dma_wait3A_225 = tpu.memref_slice %arg4[%select_n3A_218, %dma_wait3A_223, %dma_wait3A_224] : memref<4096x100x128xf32, #tpu.memory_space<hbm>> -> memref<1x100x128xf32, #tpu.memory_space<hbm>>
        %dma_wait3A_226 = tpu.memref_squeeze %dma_wait3A_225 : memref<1x100x128xf32, #tpu.memory_space<hbm>> -> memref<100x128xf32, #tpu.memory_space<hbm>>
        tpu.wait_dma2 semaphore(%arg13 : memref<!tpu.dma_semaphore, #tpu.memory_space<semaphore_mem>>) src(%arg9 : memref<100x128xf32, #tpu.memory_space<vmem>>) dst(%dma_wait3A_226 : memref<100x128xf32, #tpu.memory_space<hbm>>)
      } else {
      }
      %add3A_137 = arith.constant 1 : i32
      %add3A_138 = arith.addi %mul3A_78, %add3A_137 : i32
      %mul3A_139 = arith.constant 200 : i32
      %mul3A_140 = arith.muli %add3A_138, %mul3A_139 : i32
      %dma_wait3A_141 = tpu.memref_slice %arg5[%mul3A_140] : memref<25600xi32, #tpu.memory_space<vmem>> -> memref<200xi32, #tpu.memory_space<vmem>>
      %dma_wait3A_142 = arith.constant 0 : i32
      %dma_wait3A_143 = arith.constant 0 : i32
      %dma_wait3A_144 = tpu.memref_slice %arg2[%dma_wait3A_142, %dma_wait3A_143] : memref<5128x128xf32, #tpu.memory_space<hbm>> -> memref<5128x128xf32, #tpu.memory_space<hbm>>
      tpu.wait_indirect_dma semaphore(%arg11 : memref<!tpu.dma_semaphore, #tpu.memory_space<semaphore_mem>>) src(%dma_wait3A_144 : memref<5128x128xf32, #tpu.memory_space<hbm>>) dst(%arg7 : memref<200x128xf32, #tpu.memory_space<vmem>>)
      %scan3A_145 = arith.constant 0 : i32
      %scan3A_146 = arith.constant 0 : i32
      %scan3A_147 = arith.constant 100 : i32
      %scan3A_148 = arith.addi %scan3A_146, %scan3A_147 : i32
      %scan3A_149 = arith.constant 10 : i32
      scf.for %scan3A_193 = %scan3A_146 to %scan3A_148 step %scan3A_149  : i32 {
        %mul3A_194 = arith.constant 2 : i32
        %mul3A_195 = arith.muli %mul3A_194, %scan3A_193 : i32
        %add3A_196 = arith.constant 0 : i32
        %add3A_197 = arith.addi %mul3A_195, %add3A_196 : i32
        %get3A = arith.index_cast %add3A_197 : i32 to index
        %get3A_198 = arith.constant 0 : index
        %get3A_199 = tpu.vector_load %arg7[%get3A, %get3A_198] {strides = array<i32>} : memref<200x128xf32, #tpu.memory_space<vmem>>, vector<1x16xf32>,
        %get3A_200 = vector.shape_cast %get3A_199 : vector<1x16xf32> to vector<16xf32>
        %swap3A = arith.index_cast %scan3A_193 : i32 to index
        %swap3A_201 = arith.constant 0 : index
        %swap3A_202 = tpu.vector_load %arg9[%swap3A, %swap3A_201] {strides = array<i32>} : memref<100x128xf32, #tpu.memory_space<vmem>>, vector<1x16xf32>,
        %swap3A_203 = vector.shape_cast %swap3A_202 : vector<1x16xf32> to vector<16xf32>
        %swap3A_204 = vector.shape_cast %get3A_200 : vector<16xf32> to vector<1x16xf32>
        tpu.vector_store %arg9[%swap3A, %swap3A_201], %swap3A_204 {strides = array<i32>} : memref<100x128xf32, #tpu.memory_space<vmem>>, vector<1x16xf32>,
        %mul3A_205 = arith.constant 2 : i32
        %mul3A_206 = arith.muli %mul3A_205, %scan3A_193 : i32
        %add3A_207 = arith.constant 0 : i32
        %add3A_208 = arith.addi %mul3A_206, %add3A_207 : i32
        %get3A_209 = arith.index_cast %add3A_208 : i32 to index
        %get3A_210 = arith.constant 16 : index
        %get3A_211 = tpu.vector_load %arg7[%get3A_209, %get3A_210] {strides = array<i32>} : memref<200x128xf32, #tpu.memory_space<vmem>>, vector<1x16xf32>,
        %get3A_212 = vector.shape_cast %get3A_211 : vector<1x16xf32> to vector<16xf32>
        %swap3A_213 = arith.index_cast %scan3A_193 : i32 to index
        %swap3A_214 = arith.constant 16 : index
        %swap3A_215 = tpu.vector_load %arg9[%swap3A_213, %swap3A_214] {strides = array<i32>} : memref<100x128xf32, #tpu.memory_space<vmem>>, vector<1x16xf32>,
        %swap3A_216 = vector.shape_cast %swap3A_215 : vector<1x16xf32> to vector<16xf32>
        %swap3A_217 = vector.shape_cast %get3A_212 : vector<16xf32> to vector<1x16xf32>
        tpu.vector_store %arg9[%swap3A_213, %swap3A_214], %swap3A_217 {strides = array<i32>} : memref<100x128xf32, #tpu.memory_space<vmem>>, vector<1x16xf32>,
        %mul3A_218 = arith.constant 2 : i32
        %mul3A_219 = arith.muli %mul3A_218, %scan3A_193 : i32
        %add3A_220 = arith.constant 0 : i32
        %add3A_221 = arith.addi %mul3A_219, %add3A_220 : i32
        %get3A_222 = arith.index_cast %add3A_221 : i32 to index
        %get3A_223 = arith.constant 32 : index
        %get3A_224 = tpu.vector_load %arg7[%get3A_222, %get3A_223] {strides = array<i32>} : memref<200x128xf32, #tpu.memory_space<vmem>>, vector<1x16xf32>,
        %get3A_225 = vector.shape_cast %get3A_224 : vector<1x16xf32> to vector<16xf32>
        %swap3A_226 = arith.index_cast %scan3A_193 : i32 to index
        %swap3A_227 = arith.constant 32 : index
        %swap3A_228 = tpu.vector_load %arg9[%swap3A_226, %swap3A_227] {strides = array<i32>} : memref<100x128xf32, #tpu.memory_space<vmem>>, vector<1x16xf32>,
        %swap3A_229 = vector.shape_cast %swap3A_228 : vector<1x16xf32> to vector<16xf32>
        %swap3A_230 = vector.shape_cast %get3A_225 : vector<16xf32> to vector<1x16xf32>
        tpu.vector_store %arg9[%swap3A_226, %swap3A_227], %swap3A_230 {strides = array<i32>} : memref<100x128xf32, #tpu.memory_space<vmem>>, vector<1x16xf32>,
        %mul3A_231 = arith.constant 2 : i32
        %mul3A_232 = arith.muli %mul3A_231, %scan3A_193 : i32
        %add3A_233 = arith.constant 0 : i32
        %add3A_234 = arith.addi %mul3A_232, %add3A_233 : i32
        %get3A_235 = arith.index_cast %add3A_234 : i32 to index
        %get3A_236 = arith.constant 48 : index
        %get3A_237 = tpu.vector_load %arg7[%get3A_235, %get3A_236] {strides = array<i32>} : memref<200x128xf32, #tpu.memory_space<vmem>>, vector<1x16xf32>,
        %get3A_238 = vector.shape_cast %get3A_237 : vector<1x16xf32> to vector<16xf32>
        %swap3A_239 = arith.index_cast %scan3A_193 : i32 to index
        %swap3A_240 = arith.constant 48 : index
        %swap3A_241 = tpu.vector_load %arg9[%swap3A_239, %swap3A_240] {strides = array<i32>} : memref<100x128xf32, #tpu.memory_space<vmem>>, vector<1x16xf32>,
        %swap3A_242 = vector.shape_cast %swap3A_241 : vector<1x16xf32> to vector<16xf32>
        %swap3A_243 = vector.shape_cast %get3A_238 : vector<16xf32> to vector<1x16xf32>
        tpu.vector_store %arg9[%swap3A_239, %swap3A_240], %swap3A_243 {strides = array<i32>} : memref<100x128xf32, #tpu.memory_space<vmem>>, vector<1x16xf32>,
        %mul3A_244 = arith.constant 2 : i32
        %mul3A_245 = arith.muli %mul3A_244, %scan3A_193 : i32
        %add3A_246 = arith.constant 1 : i32
        %add3A_247 = arith.addi %mul3A_245, %add3A_246 : i32
        %get3A_248 = arith.index_cast %add3A_247 : i32 to index
        %get3A_249 = arith.constant 0 : index
        %get3A_250 = tpu.vector_load %arg7[%get3A_248, %get3A_249] {strides = array<i32>} : memref<200x128xf32, #tpu.memory_space<vmem>>, vector<1x16xf32>,
        %get3A_251 = vector.shape_cast %get3A_250 : vector<1x16xf32> to vector<16xf32>
        %swap3A_252 = arith.index_cast %scan3A_193 : i32 to index
        %swap3A_253 = arith.constant 64 : index
        %swap3A_254 = tpu.vector_load %arg9[%swap3A_252, %swap3A_253] {strides = array<i32>} : memref<100x128xf32, #tpu.memory_space<vmem>>, vector<1x16xf32>,
        %swap3A_255 = vector.shape_cast %swap3A_254 : vector<1x16xf32> to vector<16xf32>
        %swap3A_256 = vector.shape_cast %get3A_251 : vector<16xf32> to vector<1x16xf32>
        tpu.vector_store %arg9[%swap3A_252, %swap3A_253], %swap3A_256 {strides = array<i32>} : memref<100x128xf32, #tpu.memory_space<vmem>>, vector<1x16xf32>,
        %mul3A_257 = arith.constant 2 : i32
        %mul3A_258 = arith.muli %mul3A_257, %scan3A_193 : i32
        %add3A_259 = arith.constant 1 : i32
        %add3A_260 = arith.addi %mul3A_258, %add3A_259 : i32
        %get3A_261 = arith.index_cast %add3A_260 : i32 to index
        %get3A_262 = arith.constant 16 : index
        %get3A_263 = tpu.vector_load %arg7[%get3A_261, %get3A_262] {strides = array<i32>} : memref<200x128xf32, #tpu.memory_space<vmem>>, vector<1x16xf32>,
        %get3A_264 = vector.shape_cast %get3A_263 : vector<1x16xf32> to vector<16xf32>
        %swap3A_265 = arith.index_cast %scan3A_193 : i32 to index
        %swap3A_266 = arith.constant 80 : index
        %swap3A_267 = tpu.vector_load %arg9[%swap3A_265, %swap3A_266] {strides = array<i32>} : memref<100x128xf32, #tpu.memory_space<vmem>>, vector<1x16xf32>,
        %swap3A_268 = vector.shape_cast %swap3A_267 : vector<1x16xf32> to vector<16xf32>
        %swap3A_269 = vector.shape_cast %get3A_264 : vector<16xf32> to vector<1x16xf32>
        tpu.vector_store %arg9[%swap3A_265, %swap3A_266], %swap3A_269 {strides = array<i32>} : memref<100x128xf32, #tpu.memory_space<vmem>>, vector<1x16xf32>,
        %mul3A_270 = arith.constant 2 : i32
        %mul3A_271 = arith.muli %mul3A_270, %scan3A_193 : i32
        %add3A_272 = arith.constant 1 : i32
        %add3A_273 = arith.addi %mul3A_271, %add3A_272 : i32
        %get3A_274 = arith.index_cast %add3A_273 : i32 to index
        %get3A_275 = arith.constant 32 : index
        %get3A_276 = tpu.vector_load %arg7[%get3A_274, %get3A_275] {strides = array<i32>} : memref<200x128xf32, #tpu.memory_space<vmem>>, vector<1x16xf32>,
        %get3A_277 = vector.shape_cast %get3A_276 : vector<1x16xf32> to vector<16xf32>
        %swap3A_278 = arith.index_cast %scan3A_193 : i32 to index
        %swap3A_279 = arith.constant 96 : index
        %swap3A_280 = tpu.vector_load %arg9[%swap3A_278, %swap3A_279] {strides = array<i32>} : memref<100x128xf32, #tpu.memory_space<vmem>>, vector<1x16xf32>,
        %swap3A_281 = vector.shape_cast %swap3A_280 : vector<1x16xf32> to vector<16xf32>
        %swap3A_282 = vector.shape_cast %get3A_277 : vector<16xf32> to vector<1x16xf32>
        tpu.vector_store %arg9[%swap3A_278, %swap3A_279], %swap3A_282 {strides = array<i32>} : memref<100x128xf32, #tpu.memory_space<vmem>>, vector<1x16xf32>,
        %mul3A_283 = arith.constant 2 : i32
        %mul3A_284 = arith.muli %mul3A_283, %scan3A_193 : i32
        %add3A_285 = arith.constant 1 : i32
        %add3A_286 = arith.addi %mul3A_284, %add3A_285 : i32
        %get3A_287 = arith.index_cast %add3A_286 : i32 to index
        %get3A_288 = arith.constant 48 : index
        %get3A_289 = tpu.vector_load %arg7[%get3A_287, %get3A_288] {strides = array<i32>} : memref<200x128xf32, #tpu.memory_space<vmem>>, vector<1x16xf32>,
        %get3A_290 = vector.shape_cast %get3A_289 : vector<1x16xf32> to vector<16xf32>
        %swap3A_291 = arith.index_cast %scan3A_193 : i32 to index
        %swap3A_292 = arith.constant 112 : index
        %swap3A_293 = tpu.vector_load %arg9[%swap3A_291, %swap3A_292] {strides = array<i32>} : memref<100x128xf32, #tpu.memory_space<vmem>>, vector<1x16xf32>,
        %swap3A_294 = vector.shape_cast %swap3A_293 : vector<1x16xf32> to vector<16xf32>
        %swap3A_295 = vector.shape_cast %get3A_290 : vector<16xf32> to vector<1x16xf32>
        tpu.vector_store %arg9[%swap3A_291, %swap3A_292], %swap3A_295 {strides = array<i32>} : memref<100x128xf32, #tpu.memory_space<vmem>>, vector<1x16xf32>,
        %scan3A_296 = arith.constant 1 : i32
        %scan3A_297 = arith.addi %scan3A_193, %scan3A_296 : i32
        %mul3A_298 = arith.constant 2 : i32
        %mul3A_299 = arith.muli %mul3A_298, %scan3A_297 : i32
        %add3A_300 = arith.constant 0 : i32
        %add3A_301 = arith.addi %mul3A_299, %add3A_300 : i32
        %get3A_302 = arith.index_cast %add3A_301 : i32 to index
        %get3A_303 = arith.constant 0 : index
        %get3A_304 = tpu.vector_load %arg7[%get3A_302, %get3A_303] {strides = array<i32>} : memref<200x128xf32, #tpu.memory_space<vmem>>, vector<1x16xf32>,
        %get3A_305 = vector.shape_cast %get3A_304 : vector<1x16xf32> to vector<16xf32>
        %swap3A_306 = arith.index_cast %scan3A_297 : i32 to index
        %swap3A_307 = arith.constant 0 : index
        %swap3A_308 = tpu.vector_load %arg9[%swap3A_306, %swap3A_307] {strides = array<i32>} : memref<100x128xf32, #tpu.memory_space<vmem>>, vector<1x16xf32>,
        %swap3A_309 = vector.shape_cast %swap3A_308 : vector<1x16xf32> to vector<16xf32>
        %swap3A_310 = vector.shape_cast %get3A_305 : vector<16xf32> to vector<1x16xf32>
        tpu.vector_store %arg9[%swap3A_306, %swap3A_307], %swap3A_310 {strides = array<i32>} : memref<100x128xf32, #tpu.memory_space<vmem>>, vector<1x16xf32>,
        %mul3A_311 = arith.constant 2 : i32
        %mul3A_312 = arith.muli %mul3A_311, %scan3A_297 : i32
        %add3A_313 = arith.constant 0 : i32
        %add3A_314 = arith.addi %mul3A_312, %add3A_313 : i32
        %get3A_315 = arith.index_cast %add3A_314 : i32 to index
        %get3A_316 = arith.constant 16 : index
        %get3A_317 = tpu.vector_load %arg7[%get3A_315, %get3A_316] {strides = array<i32>} : memref<200x128xf32, #tpu.memory_space<vmem>>, vector<1x16xf32>,
        %get3A_318 = vector.shape_cast %get3A_317 : vector<1x16xf32> to vector<16xf32>
        %swap3A_319 = arith.index_cast %scan3A_297 : i32 to index
        %swap3A_320 = arith.constant 16 : index
        %swap3A_321 = tpu.vector_load %arg9[%swap3A_319, %swap3A_320] {strides = array<i32>} : memref<100x128xf32, #tpu.memory_space<vmem>>, vector<1x16xf32>,
        %swap3A_322 = vector.shape_cast %swap3A_321 : vector<1x16xf32> to vector<16xf32>
        %swap3A_323 = vector.shape_cast %get3A_318 : vector<16xf32> to vector<1x16xf32>
        tpu.vector_store %arg9[%swap3A_319, %swap3A_320], %swap3A_323 {strides = array<i32>} : memref<100x128xf32, #tpu.memory_space<vmem>>, vector<1x16xf32>,
        %mul3A_324 = arith.constant 2 : i32
        %mul3A_325 = arith.muli %mul3A_324, %scan3A_297 : i32
        %add3A_326 = arith.constant 0 : i32
        %add3A_327 = arith.addi %mul3A_325, %add3A_326 : i32
        %get3A_328 = arith.index_cast %add3A_327 : i32 to index
        %get3A_329 = arith.constant 32 : index
        %get3A_330 = tpu.vector_load %arg7[%get3A_328, %get3A_329] {strides = array<i32>} : memref<200x128xf32, #tpu.memory_space<vmem>>, vector<1x16xf32>,
        %get3A_331 = vector.shape_cast %get3A_330 : vector<1x16xf32> to vector<16xf32>
        %swap3A_332 = arith.index_cast %scan3A_297 : i32 to index
        %swap3A_333 = arith.constant 32 : index
        %swap3A_334 = tpu.vector_load %arg9[%swap3A_332, %swap3A_333] {strides = array<i32>} : memref<100x128xf32, #tpu.memory_space<vmem>>, vector<1x16xf32>,
        %swap3A_335 = vector.shape_cast %swap3A_334 : vector<1x16xf32> to vector<16xf32>
        %swap3A_336 = vector.shape_cast %get3A_331 : vector<16xf32> to vector<1x16xf32>
        tpu.vector_store %arg9[%swap3A_332, %swap3A_333], %swap3A_336 {strides = array<i32>} : memref<100x128xf32, #tpu.memory_space<vmem>>, vector<1x16xf32>,
        %mul3A_337 = arith.constant 2 : i32
        %mul3A_338 = arith.muli %mul3A_337, %scan3A_297 : i32
        %add3A_339 = arith.constant 0 : i32
        %add3A_340 = arith.addi %mul3A_338, %add3A_339 : i32
        %get3A_341 = arith.index_cast %add3A_340 : i32 to index
        %get3A_342 = arith.constant 48 : index
        %get3A_343 = tpu.vector_load %arg7[%get3A_341, %get3A_342] {strides = array<i32>} : memref<200x128xf32, #tpu.memory_space<vmem>>, vector<1x16xf32>,
        %get3A_344 = vector.shape_cast %get3A_343 : vector<1x16xf32> to vector<16xf32>
        %swap3A_345 = arith.index_cast %scan3A_297 : i32 to index
        %swap3A_346 = arith.constant 48 : index
        %swap3A_347 = tpu.vector_load %arg9[%swap3A_345, %swap3A_346] {strides = array<i32>} : memref<100x128xf32, #tpu.memory_space<vmem>>, vector<1x16xf32>,
        %swap3A_348 = vector.shape_cast %swap3A_347 : vector<1x16xf32> to vector<16xf32>
        %swap3A_349 = vector.shape_cast %get3A_344 : vector<16xf32> to vector<1x16xf32>
        tpu.vector_store %arg9[%swap3A_345, %swap3A_346], %swap3A_349 {strides = array<i32>} : memref<100x128xf32, #tpu.memory_space<vmem>>, vector<1x16xf32>,
        %mul3A_350 = arith.constant 2 : i32
        %mul3A_351 = arith.muli %mul3A_350, %scan3A_297 : i32
        %add3A_352 = arith.constant 1 : i32
        %add3A_353 = arith.addi %mul3A_351, %add3A_352 : i32
        %get3A_354 = arith.index_cast %add3A_353 : i32 to index
        %get3A_355 = arith.constant 0 : index
        %get3A_356 = tpu.vector_load %arg7[%get3A_354, %get3A_355] {strides = array<i32>} : memref<200x128xf32, #tpu.memory_space<vmem>>, vector<1x16xf32>,
        %get3A_357 = vector.shape_cast %get3A_356 : vector<1x16xf32> to vector<16xf32>
        %swap3A_358 = arith.index_cast %scan3A_297 : i32 to index
        %swap3A_359 = arith.constant 64 : index
        %swap3A_360 = tpu.vector_load %arg9[%swap3A_358, %swap3A_359] {strides = array<i32>} : memref<100x128xf32, #tpu.memory_space<vmem>>, vector<1x16xf32>,
        %swap3A_361 = vector.shape_cast %swap3A_360 : vector<1x16xf32> to vector<16xf32>
        %swap3A_362 = vector.shape_cast %get3A_357 : vector<16xf32> to vector<1x16xf32>
        tpu.vector_store %arg9[%swap3A_358, %swap3A_359], %swap3A_362 {strides = array<i32>} : memref<100x128xf32, #tpu.memory_space<vmem>>, vector<1x16xf32>,
        %mul3A_363 = arith.constant 2 : i32
        %mul3A_364 = arith.muli %mul3A_363, %scan3A_297 : i32
        %add3A_365 = arith.constant 1 : i32
        %add3A_366 = arith.addi %mul3A_364, %add3A_365 : i32
        %get3A_367 = arith.index_cast %add3A_366 : i32 to index
        %get3A_368 = arith.constant 16 : index
        %get3A_369 = tpu.vector_load %arg7[%get3A_367, %get3A_368] {strides = array<i32>} : memref<200x128xf32, #tpu.memory_space<vmem>>, vector<1x16xf32>,
        %get3A_370 = vector.shape_cast %get3A_369 : vector<1x16xf32> to vector<16xf32>
        %swap3A_371 = arith.index_cast %scan3A_297 : i32 to index
        %swap3A_372 = arith.constant 80 : index
        %swap3A_373 = tpu.vector_load %arg9[%swap3A_371, %swap3A_372] {strides = array<i32>} : memref<100x128xf32, #tpu.memory_space<vmem>>, vector<1x16xf32>,
        %swap3A_374 = vector.shape_cast %swap3A_373 : vector<1x16xf32> to vector<16xf32>
        %swap3A_375 = vector.shape_cast %get3A_370 : vector<16xf32> to vector<1x16xf32>
        tpu.vector_store %arg9[%swap3A_371, %swap3A_372], %swap3A_375 {strides = array<i32>} : memref<100x128xf32, #tpu.memory_space<vmem>>, vector<1x16xf32>,
        %mul3A_376 = arith.constant 2 : i32
        %mul3A_377 = arith.muli %mul3A_376, %scan3A_297 : i32
        %add3A_378 = arith.constant 1 : i32
        %add3A_379 = arith.addi %mul3A_377, %add3A_378 : i32
        %get3A_380 = arith.index_cast %add3A_379 : i32 to index
        %get3A_381 = arith.constant 32 : index
        %get3A_382 = tpu.vector_load %arg7[%get3A_380, %get3A_381] {strides = array<i32>} : memref<200x128xf32, #tpu.memory_space<vmem>>, vector<1x16xf32>,
        %get3A_383 = vector.shape_cast %get3A_382 : vector<1x16xf32> to vector<16xf32>
        %swap3A_384 = arith.index_cast %scan3A_297 : i32 to index
        %swap3A_385 = arith.constant 96 : index
        %swap3A_386 = tpu.vector_load %arg9[%swap3A_384, %swap3A_385] {strides = array<i32>} : memref<100x128xf32, #tpu.memory_space<vmem>>, vector<1x16xf32>,
        %swap3A_387 = vector.shape_cast %swap3A_386 : vector<1x16xf32> to vector<16xf32>
        %swap3A_388 = vector.shape_cast %get3A_383 : vector<16xf32> to vector<1x16xf32>
        tpu.vector_store %arg9[%swap3A_384, %swap3A_385], %swap3A_388 {strides = array<i32>} : memref<100x128xf32, #tpu.memory_space<vmem>>, vector<1x16xf32>,
        %mul3A_389 = arith.constant 2 : i32
        %mul3A_390 = arith.muli %mul3A_389, %scan3A_297 : i32
        %add3A_391 = arith.constant 1 : i32
        %add3A_392 = arith.addi %mul3A_390, %add3A_391 : i32
        %get3A_393 = arith.index_cast %add3A_392 : i32 to index
        %get3A_394 = arith.constant 48 : index
        %get3A_395 = tpu.vector_load %arg7[%get3A_393, %get3A_394] {strides = array<i32>} : memref<200x128xf32, #tpu.memory_space<vmem>>, vector<1x16xf32>,
        %get3A_396 = vector.shape_cast %get3A_395 : vector<1x16xf32> to vector<16xf32>
        %swap3A_397 = arith.index_cast %scan3A_297 : i32 to index
        %swap3A_398 = arith.constant 112 : index
        %swap3A_399 = tpu.vector_load %arg9[%swap3A_397, %swap3A_398] {strides = array<i32>} : memref<100x128xf32, #tpu.memory_space<vmem>>, vector<1x16xf32>,
        %swap3A_400 = vector.shape_cast %swap3A_399 : vector<1x16xf32> to vector<16xf32>
        %swap3A_401 = vector.shape_cast %get3A_396 : vector<16xf32> to vector<1x16xf32>
        tpu.vector_store %arg9[%swap3A_397, %swap3A_398], %swap3A_401 {strides = array<i32>} : memref<100x128xf32, #tpu.memory_space<vmem>>, vector<1x16xf32>,
        %scan3A_402 = arith.constant 2 : i32
        %scan3A_403 = arith.addi %scan3A_193, %scan3A_402 : i32
        %mul3A_404 = arith.constant 2 : i32
        %mul3A_405 = arith.muli %mul3A_404, %scan3A_403 : i32
        %add3A_406 = arith.constant 0 : i32
        %add3A_407 = arith.addi %mul3A_405, %add3A_406 : i32
        %get3A_408 = arith.index_cast %add3A_407 : i32 to index
        %get3A_409 = arith.constant 0 : index
        %get3A_410 = tpu.vector_load %arg7[%get3A_408, %get3A_409] {strides = array<i32>} : memref<200x128xf32, #tpu.memory_space<vmem>>, vector<1x16xf32>,
        %get3A_411 = vector.shape_cast %get3A_410 : vector<1x16xf32> to vector<16xf32>
        %swap3A_412 = arith.index_cast %scan3A_403 : i32 to index
        %swap3A_413 = arith.constant 0 : index
        %swap3A_414 = tpu.vector_load %arg9[%swap3A_412, %swap3A_413] {strides = array<i32>} : memref<100x128xf32, #tpu.memory_space<vmem>>, vector<1x16xf32>,
        %swap3A_415 = vector.shape_cast %swap3A_414 : vector<1x16xf32> to vector<16xf32>
        %swap3A_416 = vector.shape_cast %get3A_411 : vector<16xf32> to vector<1x16xf32>
        tpu.vector_store %arg9[%swap3A_412, %swap3A_413], %swap3A_416 {strides = array<i32>} : memref<100x128xf32, #tpu.memory_space<vmem>>, vector<1x16xf32>,
        %mul3A_417 = arith.constant 2 : i32
        %mul3A_418 = arith.muli %mul3A_417, %scan3A_403 : i32
        %add3A_419 = arith.constant 0 : i32
        %add3A_420 = arith.addi %mul3A_418, %add3A_419 : i32
        %get3A_421 = arith.index_cast %add3A_420 : i32 to index
        %get3A_422 = arith.constant 16 : index
        %get3A_423 = tpu.vector_load %arg7[%get3A_421, %get3A_422] {strides = array<i32>} : memref<200x128xf32, #tpu.memory_space<vmem>>, vector<1x16xf32>,
        %get3A_424 = vector.shape_cast %get3A_423 : vector<1x16xf32> to vector<16xf32>
        %swap3A_425 = arith.index_cast %scan3A_403 : i32 to index
        %swap3A_426 = arith.constant 16 : index
        %swap3A_427 = tpu.vector_load %arg9[%swap3A_425, %swap3A_426] {strides = array<i32>} : memref<100x128xf32, #tpu.memory_space<vmem>>, vector<1x16xf32>,
        %swap3A_428 = vector.shape_cast %swap3A_427 : vector<1x16xf32> to vector<16xf32>
        %swap3A_429 = vector.shape_cast %get3A_424 : vector<16xf32> to vector<1x16xf32>
        tpu.vector_store %arg9[%swap3A_425, %swap3A_426], %swap3A_429 {strides = array<i32>} : memref<100x128xf32, #tpu.memory_space<vmem>>, vector<1x16xf32>,
        %mul3A_430 = arith.constant 2 : i32
        %mul3A_431 = arith.muli %mul3A_430, %scan3A_403 : i32
        %add3A_432 = arith.constant 0 : i32
        %add3A_433 = arith.addi %mul3A_431, %add3A_432 : i32
        %get3A_434 = arith.index_cast %add3A_433 : i32 to index
        %get3A_435 = arith.constant 32 : index
        %get3A_436 = tpu.vector_load %arg7[%get3A_434, %get3A_435] {strides = array<i32>} : memref<200x128xf32, #tpu.memory_space<vmem>>, vector<1x16xf32>,
        %get3A_437 = vector.shape_cast %get3A_436 : vector<1x16xf32> to vector<16xf32>
        %swap3A_438 = arith.index_cast %scan3A_403 : i32 to index
        %swap3A_439 = arith.constant 32 : index
        %swap3A_440 = tpu.vector_load %arg9[%swap3A_438, %swap3A_439] {strides = array<i32>} : memref<100x128xf32, #tpu.memory_space<vmem>>, vector<1x16xf32>,
        %swap3A_441 = vector.shape_cast %swap3A_440 : vector<1x16xf32> to vector<16xf32>
        %swap3A_442 = vector.shape_cast %get3A_437 : vector<16xf32> to vector<1x16xf32>
        tpu.vector_store %arg9[%swap3A_438, %swap3A_439], %swap3A_442 {strides = array<i32>} : memref<100x128xf32, #tpu.memory_space<vmem>>, vector<1x16xf32>,
        %mul3A_443 = arith.constant 2 : i32
        %mul3A_444 = arith.muli %mul3A_443, %scan3A_403 : i32
        %add3A_445 = arith.constant 0 : i32
        %add3A_446 = arith.addi %mul3A_444, %add3A_445 : i32
        %get3A_447 = arith.index_cast %add3A_446 : i32 to index
        %get3A_448 = arith.constant 48 : index
        %get3A_449 = tpu.vector_load %arg7[%get3A_447, %get3A_448] {strides = array<i32>} : memref<200x128xf32, #tpu.memory_space<vmem>>, vector<1x16xf32>,
        %get3A_450 = vector.shape_cast %get3A_449 : vector<1x16xf32> to vector<16xf32>
        %swap3A_451 = arith.index_cast %scan3A_403 : i32 to index
        %swap3A_452 = arith.constant 48 : index
        %swap3A_453 = tpu.vector_load %arg9[%swap3A_451, %swap3A_452] {strides = array<i32>} : memref<100x128xf32, #tpu.memory_space<vmem>>, vector<1x16xf32>,
        %swap3A_454 = vector.shape_cast %swap3A_453 : vector<1x16xf32> to vector<16xf32>
        %swap3A_455 = vector.shape_cast %get3A_450 : vector<16xf32> to vector<1x16xf32>
        tpu.vector_store %arg9[%swap3A_451, %swap3A_452], %swap3A_455 {strides = array<i32>} : memref<100x128xf32, #tpu.memory_space<vmem>>, vector<1x16xf32>,
        %mul3A_456 = arith.constant 2 : i32
        %mul3A_457 = arith.muli %mul3A_456, %scan3A_403 : i32
        %add3A_458 = arith.constant 1 : i32
        %add3A_459 = arith.addi %mul3A_457, %add3A_458 : i32
        %get3A_460 = arith.index_cast %add3A_459 : i32 to index
        %get3A_461 = arith.constant 0 : index
        %get3A_462 = tpu.vector_load %arg7[%get3A_460, %get3A_461] {strides = array<i32>} : memref<200x128xf32, #tpu.memory_space<vmem>>, vector<1x16xf32>,
        %get3A_463 = vector.shape_cast %get3A_462 : vector<1x16xf32> to vector<16xf32>
        %swap3A_464 = arith.index_cast %scan3A_403 : i32 to index
        %swap3A_465 = arith.constant 64 : index
        %swap3A_466 = tpu.vector_load %arg9[%swap3A_464, %swap3A_465] {strides = array<i32>} : memref<100x128xf32, #tpu.memory_space<vmem>>, vector<1x16xf32>,
        %swap3A_467 = vector.shape_cast %swap3A_466 : vector<1x16xf32> to vector<16xf32>
        %swap3A_468 = vector.shape_cast %get3A_463 : vector<16xf32> to vector<1x16xf32>
        tpu.vector_store %arg9[%swap3A_464, %swap3A_465], %swap3A_468 {strides = array<i32>} : memref<100x128xf32, #tpu.memory_space<vmem>>, vector<1x16xf32>,
        %mul3A_469 = arith.constant 2 : i32
        %mul3A_470 = arith.muli %mul3A_469, %scan3A_403 : i32
        %add3A_471 = arith.constant 1 : i32
        %add3A_472 = arith.addi %mul3A_470, %add3A_471 : i32
        %get3A_473 = arith.index_cast %add3A_472 : i32 to index
        %get3A_474 = arith.constant 16 : index
        %get3A_475 = tpu.vector_load %arg7[%get3A_473, %get3A_474] {strides = array<i32>} : memref<200x128xf32, #tpu.memory_space<vmem>>, vector<1x16xf32>,
        %get3A_476 = vector.shape_cast %get3A_475 : vector<1x16xf32> to vector<16xf32>
        %swap3A_477 = arith.index_cast %scan3A_403 : i32 to index
        %swap3A_478 = arith.constant 80 : index
        %swap3A_479 = tpu.vector_load %arg9[%swap3A_477, %swap3A_478] {strides = array<i32>} : memref<100x128xf32, #tpu.memory_space<vmem>>, vector<1x16xf32>,
        %swap3A_480 = vector.shape_cast %swap3A_479 : vector<1x16xf32> to vector<16xf32>
        %swap3A_481 = vector.shape_cast %get3A_476 : vector<16xf32> to vector<1x16xf32>
        tpu.vector_store %arg9[%swap3A_477, %swap3A_478], %swap3A_481 {strides = array<i32>} : memref<100x128xf32, #tpu.memory_space<vmem>>, vector<1x16xf32>,
        %mul3A_482 = arith.constant 2 : i32
        %mul3A_483 = arith.muli %mul3A_482, %scan3A_403 : i32
        %add3A_484 = arith.constant 1 : i32
        %add3A_485 = arith.addi %mul3A_483, %add3A_484 : i32
        %get3A_486 = arith.index_cast %add3A_485 : i32 to index
        %get3A_487 = arith.constant 32 : index
        %get3A_488 = tpu.vector_load %arg7[%get3A_486, %get3A_487] {strides = array<i32>} : memref<200x128xf32, #tpu.memory_space<vmem>>, vector<1x16xf32>,
        %get3A_489 = vector.shape_cast %get3A_488 : vector<1x16xf32> to vector<16xf32>
        %swap3A_490 = arith.index_cast %scan3A_403 : i32 to index
        %swap3A_491 = arith.constant 96 : index
        %swap3A_492 = tpu.vector_load %arg9[%swap3A_490, %swap3A_491] {strides = array<i32>} : memref<100x128xf32, #tpu.memory_space<vmem>>, vector<1x16xf32>,
        %swap3A_493 = vector.shape_cast %swap3A_492 : vector<1x16xf32> to vector<16xf32>
        %swap3A_494 = vector.shape_cast %get3A_489 : vector<16xf32> to vector<1x16xf32>
        tpu.vector_store %arg9[%swap3A_490, %swap3A_491], %swap3A_494 {strides = array<i32>} : memref<100x128xf32, #tpu.memory_space<vmem>>, vector<1x16xf32>,
        %mul3A_495 = arith.constant 2 : i32
        %mul3A_496 = arith.muli %mul3A_495, %scan3A_403 : i32
        %add3A_497 = arith.constant 1 : i32
        %add3A_498 = arith.addi %mul3A_496, %add3A_497 : i32
        %get3A_499 = arith.index_cast %add3A_498 : i32 to index
        %get3A_500 = arith.constant 48 : index
        %get3A_501 = tpu.vector_load %arg7[%get3A_499, %get3A_500] {strides = array<i32>} : memref<200x128xf32, #tpu.memory_space<vmem>>, vector<1x16xf32>,
        %get3A_502 = vector.shape_cast %get3A_501 : vector<1x16xf32> to vector<16xf32>
        %swap3A_503 = arith.index_cast %scan3A_403 : i32 to index
        %swap3A_504 = arith.constant 112 : index
        %swap3A_505 = tpu.vector_load %arg9[%swap3A_503, %swap3A_504] {strides = array<i32>} : memref<100x128xf32, #tpu.memory_space<vmem>>, vector<1x16xf32>,
        %swap3A_506 = vector.shape_cast %swap3A_505 : vector<1x16xf32> to vector<16xf32>
        %swap3A_507 = vector.shape_cast %get3A_502 : vector<16xf32> to vector<1x16xf32>
        tpu.vector_store %arg9[%swap3A_503, %swap3A_504], %swap3A_507 {strides = array<i32>} : memref<100x128xf32, #tpu.memory_space<vmem>>, vector<1x16xf32>,
        %scan3A_508 = arith.constant 3 : i32
        %scan3A_509 = arith.addi %scan3A_193, %scan3A_508 : i32
        %mul3A_510 = arith.constant 2 : i32
        %mul3A_511 = arith.muli %mul3A_510, %scan3A_509 : i32
        %add3A_512 = arith.constant 0 : i32
        %add3A_513 = arith.addi %mul3A_511, %add3A_512 : i32
        %get3A_514 = arith.index_cast %add3A_513 : i32 to index
        %get3A_515 = arith.constant 0 : index
        %get3A_516 = tpu.vector_load %arg7[%get3A_514, %get3A_515] {strides = array<i32>} : memref<200x128xf32, #tpu.memory_space<vmem>>, vector<1x16xf32>,
        %get3A_517 = vector.shape_cast %get3A_516 : vector<1x16xf32> to vector<16xf32>
        %swap3A_518 = arith.index_cast %scan3A_509 : i32 to index
        %swap3A_519 = arith.constant 0 : index
        %swap3A_520 = tpu.vector_load %arg9[%swap3A_518, %swap3A_519] {strides = array<i32>} : memref<100x128xf32, #tpu.memory_space<vmem>>, vector<1x16xf32>,
        %swap3A_521 = vector.shape_cast %swap3A_520 : vector<1x16xf32> to vector<16xf32>
        %swap3A_522 = vector.shape_cast %get3A_517 : vector<16xf32> to vector<1x16xf32>
        tpu.vector_store %arg9[%swap3A_518, %swap3A_519], %swap3A_522 {strides = array<i32>} : memref<100x128xf32, #tpu.memory_space<vmem>>, vector<1x16xf32>,
        %mul3A_523 = arith.constant 2 : i32
        %mul3A_524 = arith.muli %mul3A_523, %scan3A_509 : i32
        %add3A_525 = arith.constant 0 : i32
        %add3A_526 = arith.addi %mul3A_524, %add3A_525 : i32
        %get3A_527 = arith.index_cast %add3A_526 : i32 to index
        %get3A_528 = arith.constant 16 : index
        %get3A_529 = tpu.vector_load %arg7[%get3A_527, %get3A_528] {strides = array<i32>} : memref<200x128xf32, #tpu.memory_space<vmem>>, vector<1x16xf32>,
        %get3A_530 = vector.shape_cast %get3A_529 : vector<1x16xf32> to vector<16xf32>
        %swap3A_531 = arith.index_cast %scan3A_509 : i32 to index
        %swap3A_532 = arith.constant 16 : index
        %swap3A_533 = tpu.vector_load %arg9[%swap3A_531, %swap3A_532] {strides = array<i32>} : memref<100x128xf32, #tpu.memory_space<vmem>>, vector<1x16xf32>,
        %swap3A_534 = vector.shape_cast %swap3A_533 : vector<1x16xf32> to vector<16xf32>
        %swap3A_535 = vector.shape_cast %get3A_530 : vector<16xf32> to vector<1x16xf32>
        tpu.vector_store %arg9[%swap3A_531, %swap3A_532], %swap3A_535 {strides = array<i32>} : memref<100x128xf32, #tpu.memory_space<vmem>>, vector<1x16xf32>,
        %mul3A_536 = arith.constant 2 : i32
        %mul3A_537 = arith.muli %mul3A_536, %scan3A_509 : i32
        %add3A_538 = arith.constant 0 : i32
        %add3A_539 = arith.addi %mul3A_537, %add3A_538 : i32
        %get3A_540 = arith.index_cast %add3A_539 : i32 to index
        %get3A_541 = arith.constant 32 : index
        %get3A_542 = tpu.vector_load %arg7[%get3A_540, %get3A_541] {strides = array<i32>} : memref<200x128xf32, #tpu.memory_space<vmem>>, vector<1x16xf32>,
        %get3A_543 = vector.shape_cast %get3A_542 : vector<1x16xf32> to vector<16xf32>
        %swap3A_544 = arith.index_cast %scan3A_509 : i32 to index
        %swap3A_545 = arith.constant 32 : index
        %swap3A_546 = tpu.vector_load %arg9[%swap3A_544, %swap3A_545] {strides = array<i32>} : memref<100x128xf32, #tpu.memory_space<vmem>>, vector<1x16xf32>,
        %swap3A_547 = vector.shape_cast %swap3A_546 : vector<1x16xf32> to vector<16xf32>
        %swap3A_548 = vector.shape_cast %get3A_543 : vector<16xf32> to vector<1x16xf32>
        tpu.vector_store %arg9[%swap3A_544, %swap3A_545], %swap3A_548 {strides = array<i32>} : memref<100x128xf32, #tpu.memory_space<vmem>>, vector<1x16xf32>,
        %mul3A_549 = arith.constant 2 : i32
        %mul3A_550 = arith.muli %mul3A_549, %scan3A_509 : i32
        %add3A_551 = arith.constant 0 : i32
        %add3A_552 = arith.addi %mul3A_550, %add3A_551 : i32
        %get3A_553 = arith.index_cast %add3A_552 : i32 to index
        %get3A_554 = arith.constant 48 : index
        %get3A_555 = tpu.vector_load %arg7[%get3A_553, %get3A_554] {strides = array<i32>} : memref<200x128xf32, #tpu.memory_space<vmem>>, vector<1x16xf32>,
        %get3A_556 = vector.shape_cast %get3A_555 : vector<1x16xf32> to vector<16xf32>
        %swap3A_557 = arith.index_cast %scan3A_509 : i32 to index
        %swap3A_558 = arith.constant 48 : index
        %swap3A_559 = tpu.vector_load %arg9[%swap3A_557, %swap3A_558] {strides = array<i32>} : memref<100x128xf32, #tpu.memory_space<vmem>>, vector<1x16xf32>,
        %swap3A_560 = vector.shape_cast %swap3A_559 : vector<1x16xf32> to vector<16xf32>
        %swap3A_561 = vector.shape_cast %get3A_556 : vector<16xf32> to vector<1x16xf32>
        tpu.vector_store %arg9[%swap3A_557, %swap3A_558], %swap3A_561 {strides = array<i32>} : memref<100x128xf32, #tpu.memory_space<vmem>>, vector<1x16xf32>,
        %mul3A_562 = arith.constant 2 : i32
        %mul3A_563 = arith.muli %mul3A_562, %scan3A_509 : i32
        %add3A_564 = arith.constant 1 : i32
        %add3A_565 = arith.addi %mul3A_563, %add3A_564 : i32
        %get3A_566 = arith.index_cast %add3A_565 : i32 to index
        %get3A_567 = arith.constant 0 : index
        %get3A_568 = tpu.vector_load %arg7[%get3A_566, %get3A_567] {strides = array<i32>} : memref<200x128xf32, #tpu.memory_space<vmem>>, vector<1x16xf32>,
        %get3A_569 = vector.shape_cast %get3A_568 : vector<1x16xf32> to vector<16xf32>
        %swap3A_570 = arith.index_cast %scan3A_509 : i32 to index
        %swap3A_571 = arith.constant 64 : index
        %swap3A_572 = tpu.vector_load %arg9[%swap3A_570, %swap3A_571] {strides = array<i32>} : memref<100x128xf32, #tpu.memory_space<vmem>>, vector<1x16xf32>,
        %swap3A_573 = vector.shape_cast %swap3A_572 : vector<1x16xf32> to vector<16xf32>
        %swap3A_574 = vector.shape_cast %get3A_569 : vector<16xf32> to vector<1x16xf32>
        tpu.vector_store %arg9[%swap3A_570, %swap3A_571], %swap3A_574 {strides = array<i32>} : memref<100x128xf32, #tpu.memory_space<vmem>>, vector<1x16xf32>,
        %mul3A_575 = arith.constant 2 : i32
        %mul3A_576 = arith.muli %mul3A_575, %scan3A_509 : i32
        %add3A_577 = arith.constant 1 : i32
        %add3A_578 = arith.addi %mul3A_576, %add3A_577 : i32
        %get3A_579 = arith.index_cast %add3A_578 : i32 to index
        %get3A_580 = arith.constant 16 : index
        %get3A_581 = tpu.vector_load %arg7[%get3A_579, %get3A_580] {strides = array<i32>} : memref<200x128xf32, #tpu.memory_space<vmem>>, vector<1x16xf32>,
        %get3A_582 = vector.shape_cast %get3A_581 : vector<1x16xf32> to vector<16xf32>
        %swap3A_583 = arith.index_cast %scan3A_509 : i32 to index
        %swap3A_584 = arith.constant 80 : index
        %swap3A_585 = tpu.vector_load %arg9[%swap3A_583, %swap3A_584] {strides = array<i32>} : memref<100x128xf32, #tpu.memory_space<vmem>>, vector<1x16xf32>,
        %swap3A_586 = vector.shape_cast %swap3A_585 : vector<1x16xf32> to vector<16xf32>
        %swap3A_587 = vector.shape_cast %get3A_582 : vector<16xf32> to vector<1x16xf32>
        tpu.vector_store %arg9[%swap3A_583, %swap3A_584], %swap3A_587 {strides = array<i32>} : memref<100x128xf32, #tpu.memory_space<vmem>>, vector<1x16xf32>,
        %mul3A_588 = arith.constant 2 : i32
        %mul3A_589 = arith.muli %mul3A_588, %scan3A_509 : i32
        %add3A_590 = arith.constant 1 : i32
        %add3A_591 = arith.addi %mul3A_589, %add3A_590 : i32
        %get3A_592 = arith.index_cast %add3A_591 : i32 to index
        %get3A_593 = arith.constant 32 : index
        %get3A_594 = tpu.vector_load %arg7[%get3A_592, %get3A_593] {strides = array<i32>} : memref<200x128xf32, #tpu.memory_space<vmem>>, vector<1x16xf32>,
        %get3A_595 = vector.shape_cast %get3A_594 : vector<1x16xf32> to vector<16xf32>
        %swap3A_596 = arith.index_cast %scan3A_509 : i32 to index
        %swap3A_597 = arith.constant 96 : index
        %swap3A_598 = tpu.vector_load %arg9[%swap3A_596, %swap3A_597] {strides = array<i32>} : memref<100x128xf32, #tpu.memory_space<vmem>>, vector<1x16xf32>,
        %swap3A_599 = vector.shape_cast %swap3A_598 : vector<1x16xf32> to vector<16xf32>
        %swap3A_600 = vector.shape_cast %get3A_595 : vector<16xf32> to vector<1x16xf32>
        tpu.vector_store %arg9[%swap3A_596, %swap3A_597], %swap3A_600 {strides = array<i32>} : memref<100x128xf32, #tpu.memory_space<vmem>>, vector<1x16xf32>,
        %mul3A_601 = arith.constant 2 : i32
        %mul3A_602 = arith.muli %mul3A_601, %scan3A_509 : i32
        %add3A_603 = arith.constant 1 : i32
        %add3A_604 = arith.addi %mul3A_602, %add3A_603 : i32
        %get3A_605 = arith.index_cast %add3A_604 : i32 to index
        %get3A_606 = arith.constant 48 : index
        %get3A_607 = tpu.vector_load %arg7[%get3A_605, %get3A_606] {strides = array<i32>} : memref<200x128xf32, #tpu.memory_space<vmem>>, vector<1x16xf32>,
        %get3A_608 = vector.shape_cast %get3A_607 : vector<1x16xf32> to vector<16xf32>
        %swap3A_609 = arith.index_cast %scan3A_509 : i32 to index
        %swap3A_610 = arith.constant 112 : index
        %swap3A_611 = tpu.vector_load %arg9[%swap3A_609, %swap3A_610] {strides = array<i32>} : memref<100x128xf32, #tpu.memory_space<vmem>>, vector<1x16xf32>,
        %swap3A_612 = vector.shape_cast %swap3A_611 : vector<1x16xf32> to vector<16xf32>
        %swap3A_613 = vector.shape_cast %get3A_608 : vector<16xf32> to vector<1x16xf32>
        tpu.vector_store %arg9[%swap3A_609, %swap3A_610], %swap3A_613 {strides = array<i32>} : memref<100x128xf32, #tpu.memory_space<vmem>>, vector<1x16xf32>,
        %scan3A_614 = arith.constant 4 : i32
        %scan3A_615 = arith.addi %scan3A_193, %scan3A_614 : i32
        %mul3A_616 = arith.constant 2 : i32
        %mul3A_617 = arith.muli %mul3A_616, %scan3A_615 : i32
        %add3A_618 = arith.constant 0 : i32
        %add3A_619 = arith.addi %mul3A_617, %add3A_618 : i32
        %get3A_620 = arith.index_cast %add3A_619 : i32 to index
        %get3A_621 = arith.constant 0 : index
        %get3A_622 = tpu.vector_load %arg7[%get3A_620, %get3A_621] {strides = array<i32>} : memref<200x128xf32, #tpu.memory_space<vmem>>, vector<1x16xf32>,
        %get3A_623 = vector.shape_cast %get3A_622 : vector<1x16xf32> to vector<16xf32>
        %swap3A_624 = arith.index_cast %scan3A_615 : i32 to index
        %swap3A_625 = arith.constant 0 : index
        %swap3A_626 = tpu.vector_load %arg9[%swap3A_624, %swap3A_625] {strides = array<i32>} : memref<100x128xf32, #tpu.memory_space<vmem>>, vector<1x16xf32>,
        %swap3A_627 = vector.shape_cast %swap3A_626 : vector<1x16xf32> to vector<16xf32>
        %swap3A_628 = vector.shape_cast %get3A_623 : vector<16xf32> to vector<1x16xf32>
        tpu.vector_store %arg9[%swap3A_624, %swap3A_625], %swap3A_628 {strides = array<i32>} : memref<100x128xf32, #tpu.memory_space<vmem>>, vector<1x16xf32>,
        %mul3A_629 = arith.constant 2 : i32
        %mul3A_630 = arith.muli %mul3A_629, %scan3A_615 : i32
        %add3A_631 = arith.constant 0 : i32
        %add3A_632 = arith.addi %mul3A_630, %add3A_631 : i32
        %get3A_633 = arith.index_cast %add3A_632 : i32 to index
        %get3A_634 = arith.constant 16 : index
        %get3A_635 = tpu.vector_load %arg7[%get3A_633, %get3A_634] {strides = array<i32>} : memref<200x128xf32, #tpu.memory_space<vmem>>, vector<1x16xf32>,
        %get3A_636 = vector.shape_cast %get3A_635 : vector<1x16xf32> to vector<16xf32>
        %swap3A_637 = arith.index_cast %scan3A_615 : i32 to index
        %swap3A_638 = arith.constant 16 : index
        %swap3A_639 = tpu.vector_load %arg9[%swap3A_637, %swap3A_638] {strides = array<i32>} : memref<100x128xf32, #tpu.memory_space<vmem>>, vector<1x16xf32>,
        %swap3A_640 = vector.shape_cast %swap3A_639 : vector<1x16xf32> to vector<16xf32>
        %swap3A_641 = vector.shape_cast %get3A_636 : vector<16xf32> to vector<1x16xf32>
        tpu.vector_store %arg9[%swap3A_637, %swap3A_638], %swap3A_641 {strides = array<i32>} : memref<100x128xf32, #tpu.memory_space<vmem>>, vector<1x16xf32>,
        %mul3A_642 = arith.constant 2 : i32
        %mul3A_643 = arith.muli %mul3A_642, %scan3A_615 : i32
        %add3A_644 = arith.constant 0 : i32
        %add3A_645 = arith.addi %mul3A_643, %add3A_644 : i32
        %get3A_646 = arith.index_cast %add3A_645 : i32 to index
        %get3A_647 = arith.constant 32 : index
        %get3A_648 = tpu.vector_load %arg7[%get3A_646, %get3A_647] {strides = array<i32>} : memref<200x128xf32, #tpu.memory_space<vmem>>, vector<1x16xf32>,
        %get3A_649 = vector.shape_cast %get3A_648 : vector<1x16xf32> to vector<16xf32>
        %swap3A_650 = arith.index_cast %scan3A_615 : i32 to index
        %swap3A_651 = arith.constant 32 : index
        %swap3A_652 = tpu.vector_load %arg9[%swap3A_650, %swap3A_651] {strides = array<i32>} : memref<100x128xf32, #tpu.memory_space<vmem>>, vector<1x16xf32>,
        %swap3A_653 = vector.shape_cast %swap3A_652 : vector<1x16xf32> to vector<16xf32>
        %swap3A_654 = vector.shape_cast %get3A_649 : vector<16xf32> to vector<1x16xf32>
        tpu.vector_store %arg9[%swap3A_650, %swap3A_651], %swap3A_654 {strides = array<i32>} : memref<100x128xf32, #tpu.memory_space<vmem>>, vector<1x16xf32>,
        %mul3A_655 = arith.constant 2 : i32
        %mul3A_656 = arith.muli %mul3A_655, %scan3A_615 : i32
        %add3A_657 = arith.constant 0 : i32
        %add3A_658 = arith.addi %mul3A_656, %add3A_657 : i32
        %get3A_659 = arith.index_cast %add3A_658 : i32 to index
        %get3A_660 = arith.constant 48 : index
        %get3A_661 = tpu.vector_load %arg7[%get3A_659, %get3A_660] {strides = array<i32>} : memref<200x128xf32, #tpu.memory_space<vmem>>, vector<1x16xf32>,
        %get3A_662 = vector.shape_cast %get3A_661 : vector<1x16xf32> to vector<16xf32>
        %swap3A_663 = arith.index_cast %scan3A_615 : i32 to index
        %swap3A_664 = arith.constant 48 : index
        %swap3A_665 = tpu.vector_load %arg9[%swap3A_663, %swap3A_664] {strides = array<i32>} : memref<100x128xf32, #tpu.memory_space<vmem>>, vector<1x16xf32>,
        %swap3A_666 = vector.shape_cast %swap3A_665 : vector<1x16xf32> to vector<16xf32>
        %swap3A_667 = vector.shape_cast %get3A_662 : vector<16xf32> to vector<1x16xf32>
        tpu.vector_store %arg9[%swap3A_663, %swap3A_664], %swap3A_667 {strides = array<i32>} : memref<100x128xf32, #tpu.memory_space<vmem>>, vector<1x16xf32>,
        %mul3A_668 = arith.constant 2 : i32
        %mul3A_669 = arith.muli %mul3A_668, %scan3A_615 : i32
        %add3A_670 = arith.constant 1 : i32
        %add3A_671 = arith.addi %mul3A_669, %add3A_670 : i32
        %get3A_672 = arith.index_cast %add3A_671 : i32 to index
        %get3A_673 = arith.constant 0 : index
        %get3A_674 = tpu.vector_load %arg7[%get3A_672, %get3A_673] {strides = array<i32>} : memref<200x128xf32, #tpu.memory_space<vmem>>, vector<1x16xf32>,
        %get3A_675 = vector.shape_cast %get3A_674 : vector<1x16xf32> to vector<16xf32>
        %swap3A_676 = arith.index_cast %scan3A_615 : i32 to index
        %swap3A_677 = arith.constant 64 : index
        %swap3A_678 = tpu.vector_load %arg9[%swap3A_676, %swap3A_677] {strides = array<i32>} : memref<100x128xf32, #tpu.memory_space<vmem>>, vector<1x16xf32>,
        %swap3A_679 = vector.shape_cast %swap3A_678 : vector<1x16xf32> to vector<16xf32>
        %swap3A_680 = vector.shape_cast %get3A_675 : vector<16xf32> to vector<1x16xf32>
        tpu.vector_store %arg9[%swap3A_676, %swap3A_677], %swap3A_680 {strides = array<i32>} : memref<100x128xf32, #tpu.memory_space<vmem>>, vector<1x16xf32>,
        %mul3A_681 = arith.constant 2 : i32
        %mul3A_682 = arith.muli %mul3A_681, %scan3A_615 : i32
        %add3A_683 = arith.constant 1 : i32
        %add3A_684 = arith.addi %mul3A_682, %add3A_683 : i32
        %get3A_685 = arith.index_cast %add3A_684 : i32 to index
        %get3A_686 = arith.constant 16 : index
        %get3A_687 = tpu.vector_load %arg7[%get3A_685, %get3A_686] {strides = array<i32>} : memref<200x128xf32, #tpu.memory_space<vmem>>, vector<1x16xf32>,
        %get3A_688 = vector.shape_cast %get3A_687 : vector<1x16xf32> to vector<16xf32>
        %swap3A_689 = arith.index_cast %scan3A_615 : i32 to index
        %swap3A_690 = arith.constant 80 : index
        %swap3A_691 = tpu.vector_load %arg9[%swap3A_689, %swap3A_690] {strides = array<i32>} : memref<100x128xf32, #tpu.memory_space<vmem>>, vector<1x16xf32>,
        %swap3A_692 = vector.shape_cast %swap3A_691 : vector<1x16xf32> to vector<16xf32>
        %swap3A_693 = vector.shape_cast %get3A_688 : vector<16xf32> to vector<1x16xf32>
        tpu.vector_store %arg9[%swap3A_689, %swap3A_690], %swap3A_693 {strides = array<i32>} : memref<100x128xf32, #tpu.memory_space<vmem>>, vector<1x16xf32>,
        %mul3A_694 = arith.constant 2 : i32
        %mul3A_695 = arith.muli %mul3A_694, %scan3A_615 : i32
        %add3A_696 = arith.constant 1 : i32
        %add3A_697 = arith.addi %mul3A_695, %add3A_696 : i32
        %get3A_698 = arith.index_cast %add3A_697 : i32 to index
        %get3A_699 = arith.constant 32 : index
        %get3A_700 = tpu.vector_load %arg7[%get3A_698, %get3A_699] {strides = array<i32>} : memref<200x128xf32, #tpu.memory_space<vmem>>, vector<1x16xf32>,
        %get3A_701 = vector.shape_cast %get3A_700 : vector<1x16xf32> to vector<16xf32>
        %swap3A_702 = arith.index_cast %scan3A_615 : i32 to index
        %swap3A_703 = arith.constant 96 : index
        %swap3A_704 = tpu.vector_load %arg9[%swap3A_702, %swap3A_703] {strides = array<i32>} : memref<100x128xf32, #tpu.memory_space<vmem>>, vector<1x16xf32>,
        %swap3A_705 = vector.shape_cast %swap3A_704 : vector<1x16xf32> to vector<16xf32>
        %swap3A_706 = vector.shape_cast %get3A_701 : vector<16xf32> to vector<1x16xf32>
        tpu.vector_store %arg9[%swap3A_702, %swap3A_703], %swap3A_706 {strides = array<i32>} : memref<100x128xf32, #tpu.memory_space<vmem>>, vector<1x16xf32>,
        %mul3A_707 = arith.constant 2 : i32
        %mul3A_708 = arith.muli %mul3A_707, %scan3A_615 : i32
        %add3A_709 = arith.constant 1 : i32
        %add3A_710 = arith.addi %mul3A_708, %add3A_709 : i32
        %get3A_711 = arith.index_cast %add3A_710 : i32 to index
        %get3A_712 = arith.constant 48 : index
        %get3A_713 = tpu.vector_load %arg7[%get3A_711, %get3A_712] {strides = array<i32>} : memref<200x128xf32, #tpu.memory_space<vmem>>, vector<1x16xf32>,
        %get3A_714 = vector.shape_cast %get3A_713 : vector<1x16xf32> to vector<16xf32>
        %swap3A_715 = arith.index_cast %scan3A_615 : i32 to index
        %swap3A_716 = arith.constant 112 : index
        %swap3A_717 = tpu.vector_load %arg9[%swap3A_715, %swap3A_716] {strides = array<i32>} : memref<100x128xf32, #tpu.memory_space<vmem>>, vector<1x16xf32>,
        %swap3A_718 = vector.shape_cast %swap3A_717 : vector<1x16xf32> to vector<16xf32>
        %swap3A_719 = vector.shape_cast %get3A_714 : vector<16xf32> to vector<1x16xf32>
        tpu.vector_store %arg9[%swap3A_715, %swap3A_716], %swap3A_719 {strides = array<i32>} : memref<100x128xf32, #tpu.memory_space<vmem>>, vector<1x16xf32>,
        %scan3A_720 = arith.constant 5 : i32
        %scan3A_721 = arith.addi %scan3A_193, %scan3A_720 : i32
        %mul3A_722 = arith.constant 2 : i32
        %mul3A_723 = arith.muli %mul3A_722, %scan3A_721 : i32
        %add3A_724 = arith.constant 0 : i32
        %add3A_725 = arith.addi %mul3A_723, %add3A_724 : i32
        %get3A_726 = arith.index_cast %add3A_725 : i32 to index
        %get3A_727 = arith.constant 0 : index
        %get3A_728 = tpu.vector_load %arg7[%get3A_726, %get3A_727] {strides = array<i32>} : memref<200x128xf32, #tpu.memory_space<vmem>>, vector<1x16xf32>,
        %get3A_729 = vector.shape_cast %get3A_728 : vector<1x16xf32> to vector<16xf32>
        %swap3A_730 = arith.index_cast %scan3A_721 : i32 to index
        %swap3A_731 = arith.constant 0 : index
        %swap3A_732 = tpu.vector_load %arg9[%swap3A_730, %swap3A_731] {strides = array<i32>} : memref<100x128xf32, #tpu.memory_space<vmem>>, vector<1x16xf32>,
        %swap3A_733 = vector.shape_cast %swap3A_732 : vector<1x16xf32> to vector<16xf32>
        %swap3A_734 = vector.shape_cast %get3A_729 : vector<16xf32> to vector<1x16xf32>
        tpu.vector_store %arg9[%swap3A_730, %swap3A_731], %swap3A_734 {strides = array<i32>} : memref<100x128xf32, #tpu.memory_space<vmem>>, vector<1x16xf32>,
        %mul3A_735 = arith.constant 2 : i32
        %mul3A_736 = arith.muli %mul3A_735, %scan3A_721 : i32
        %add3A_737 = arith.constant 0 : i32
        %add3A_738 = arith.addi %mul3A_736, %add3A_737 : i32
        %get3A_739 = arith.index_cast %add3A_738 : i32 to index
        %get3A_740 = arith.constant 16 : index
        %get3A_741 = tpu.vector_load %arg7[%get3A_739, %get3A_740] {strides = array<i32>} : memref<200x128xf32, #tpu.memory_space<vmem>>, vector<1x16xf32>,
        %get3A_742 = vector.shape_cast %get3A_741 : vector<1x16xf32> to vector<16xf32>
        %swap3A_743 = arith.index_cast %scan3A_721 : i32 to index
        %swap3A_744 = arith.constant 16 : index
        %swap3A_745 = tpu.vector_load %arg9[%swap3A_743, %swap3A_744] {strides = array<i32>} : memref<100x128xf32, #tpu.memory_space<vmem>>, vector<1x16xf32>,
        %swap3A_746 = vector.shape_cast %swap3A_745 : vector<1x16xf32> to vector<16xf32>
        %swap3A_747 = vector.shape_cast %get3A_742 : vector<16xf32> to vector<1x16xf32>
        tpu.vector_store %arg9[%swap3A_743, %swap3A_744], %swap3A_747 {strides = array<i32>} : memref<100x128xf32, #tpu.memory_space<vmem>>, vector<1x16xf32>,
        %mul3A_748 = arith.constant 2 : i32
        %mul3A_749 = arith.muli %mul3A_748, %scan3A_721 : i32
        %add3A_750 = arith.constant 0 : i32
        %add3A_751 = arith.addi %mul3A_749, %add3A_750 : i32
        %get3A_752 = arith.index_cast %add3A_751 : i32 to index
        %get3A_753 = arith.constant 32 : index
        %get3A_754 = tpu.vector_load %arg7[%get3A_752, %get3A_753] {strides = array<i32>} : memref<200x128xf32, #tpu.memory_space<vmem>>, vector<1x16xf32>,
        %get3A_755 = vector.shape_cast %get3A_754 : vector<1x16xf32> to vector<16xf32>
        %swap3A_756 = arith.index_cast %scan3A_721 : i32 to index
        %swap3A_757 = arith.constant 32 : index
        %swap3A_758 = tpu.vector_load %arg9[%swap3A_756, %swap3A_757] {strides = array<i32>} : memref<100x128xf32, #tpu.memory_space<vmem>>, vector<1x16xf32>,
        %swap3A_759 = vector.shape_cast %swap3A_758 : vector<1x16xf32> to vector<16xf32>
        %swap3A_760 = vector.shape_cast %get3A_755 : vector<16xf32> to vector<1x16xf32>
        tpu.vector_store %arg9[%swap3A_756, %swap3A_757], %swap3A_760 {strides = array<i32>} : memref<100x128xf32, #tpu.memory_space<vmem>>, vector<1x16xf32>,
        %mul3A_761 = arith.constant 2 : i32
        %mul3A_762 = arith.muli %mul3A_761, %scan3A_721 : i32
        %add3A_763 = arith.constant 0 : i32
        %add3A_764 = arith.addi %mul3A_762, %add3A_763 : i32
        %get3A_765 = arith.index_cast %add3A_764 : i32 to index
        %get3A_766 = arith.constant 48 : index
        %get3A_767 = tpu.vector_load %arg7[%get3A_765, %get3A_766] {strides = array<i32>} : memref<200x128xf32, #tpu.memory_space<vmem>>, vector<1x16xf32>,
        %get3A_768 = vector.shape_cast %get3A_767 : vector<1x16xf32> to vector<16xf32>
        %swap3A_769 = arith.index_cast %scan3A_721 : i32 to index
        %swap3A_770 = arith.constant 48 : index
        %swap3A_771 = tpu.vector_load %arg9[%swap3A_769, %swap3A_770] {strides = array<i32>} : memref<100x128xf32, #tpu.memory_space<vmem>>, vector<1x16xf32>,
        %swap3A_772 = vector.shape_cast %swap3A_771 : vector<1x16xf32> to vector<16xf32>
        %swap3A_773 = vector.shape_cast %get3A_768 : vector<16xf32> to vector<1x16xf32>
        tpu.vector_store %arg9[%swap3A_769, %swap3A_770], %swap3A_773 {strides = array<i32>} : memref<100x128xf32, #tpu.memory_space<vmem>>, vector<1x16xf32>,
        %mul3A_774 = arith.constant 2 : i32
        %mul3A_775 = arith.muli %mul3A_774, %scan3A_721 : i32
        %add3A_776 = arith.constant 1 : i32
        %add3A_777 = arith.addi %mul3A_775, %add3A_776 : i32
        %get3A_778 = arith.index_cast %add3A_777 : i32 to index
        %get3A_779 = arith.constant 0 : index
        %get3A_780 = tpu.vector_load %arg7[%get3A_778, %get3A_779] {strides = array<i32>} : memref<200x128xf32, #tpu.memory_space<vmem>>, vector<1x16xf32>,
        %get3A_781 = vector.shape_cast %get3A_780 : vector<1x16xf32> to vector<16xf32>
        %swap3A_782 = arith.index_cast %scan3A_721 : i32 to index
        %swap3A_783 = arith.constant 64 : index
        %swap3A_784 = tpu.vector_load %arg9[%swap3A_782, %swap3A_783] {strides = array<i32>} : memref<100x128xf32, #tpu.memory_space<vmem>>, vector<1x16xf32>,
        %swap3A_785 = vector.shape_cast %swap3A_784 : vector<1x16xf32> to vector<16xf32>
        %swap3A_786 = vector.shape_cast %get3A_781 : vector<16xf32> to vector<1x16xf32>
        tpu.vector_store %arg9[%swap3A_782, %swap3A_783], %swap3A_786 {strides = array<i32>} : memref<100x128xf32, #tpu.memory_space<vmem>>, vector<1x16xf32>,
        %mul3A_787 = arith.constant 2 : i32
        %mul3A_788 = arith.muli %mul3A_787, %scan3A_721 : i32
        %add3A_789 = arith.constant 1 : i32
        %add3A_790 = arith.addi %mul3A_788, %add3A_789 : i32
        %get3A_791 = arith.index_cast %add3A_790 : i32 to index
        %get3A_792 = arith.constant 16 : index
        %get3A_793 = tpu.vector_load %arg7[%get3A_791, %get3A_792] {strides = array<i32>} : memref<200x128xf32, #tpu.memory_space<vmem>>, vector<1x16xf32>,
        %get3A_794 = vector.shape_cast %get3A_793 : vector<1x16xf32> to vector<16xf32>
        %swap3A_795 = arith.index_cast %scan3A_721 : i32 to index
        %swap3A_796 = arith.constant 80 : index
        %swap3A_797 = tpu.vector_load %arg9[%swap3A_795, %swap3A_796] {strides = array<i32>} : memref<100x128xf32, #tpu.memory_space<vmem>>, vector<1x16xf32>,
        %swap3A_798 = vector.shape_cast %swap3A_797 : vector<1x16xf32> to vector<16xf32>
        %swap3A_799 = vector.shape_cast %get3A_794 : vector<16xf32> to vector<1x16xf32>
        tpu.vector_store %arg9[%swap3A_795, %swap3A_796], %swap3A_799 {strides = array<i32>} : memref<100x128xf32, #tpu.memory_space<vmem>>, vector<1x16xf32>,
        %mul3A_800 = arith.constant 2 : i32
        %mul3A_801 = arith.muli %mul3A_800, %scan3A_721 : i32
        %add3A_802 = arith.constant 1 : i32
        %add3A_803 = arith.addi %mul3A_801, %add3A_802 : i32
        %get3A_804 = arith.index_cast %add3A_803 : i32 to index
        %get3A_805 = arith.constant 32 : index
        %get3A_806 = tpu.vector_load %arg7[%get3A_804, %get3A_805] {strides = array<i32>} : memref<200x128xf32, #tpu.memory_space<vmem>>, vector<1x16xf32>,
        %get3A_807 = vector.shape_cast %get3A_806 : vector<1x16xf32> to vector<16xf32>
        %swap3A_808 = arith.index_cast %scan3A_721 : i32 to index
        %swap3A_809 = arith.constant 96 : index
        %swap3A_810 = tpu.vector_load %arg9[%swap3A_808, %swap3A_809] {strides = array<i32>} : memref<100x128xf32, #tpu.memory_space<vmem>>, vector<1x16xf32>,
        %swap3A_811 = vector.shape_cast %swap3A_810 : vector<1x16xf32> to vector<16xf32>
        %swap3A_812 = vector.shape_cast %get3A_807 : vector<16xf32> to vector<1x16xf32>
        tpu.vector_store %arg9[%swap3A_808, %swap3A_809], %swap3A_812 {strides = array<i32>} : memref<100x128xf32, #tpu.memory_space<vmem>>, vector<1x16xf32>,
        %mul3A_813 = arith.constant 2 : i32
        %mul3A_814 = arith.muli %mul3A_813, %scan3A_721 : i32
        %add3A_815 = arith.constant 1 : i32
        %add3A_816 = arith.addi %mul3A_814, %add3A_815 : i32
        %get3A_817 = arith.index_cast %add3A_816 : i32 to index
        %get3A_818 = arith.constant 48 : index
        %get3A_819 = tpu.vector_load %arg7[%get3A_817, %get3A_818] {strides = array<i32>} : memref<200x128xf32, #tpu.memory_space<vmem>>, vector<1x16xf32>,
        %get3A_820 = vector.shape_cast %get3A_819 : vector<1x16xf32> to vector<16xf32>
        %swap3A_821 = arith.index_cast %scan3A_721 : i32 to index
        %swap3A_822 = arith.constant 112 : index
        %swap3A_823 = tpu.vector_load %arg9[%swap3A_821, %swap3A_822] {strides = array<i32>} : memref<100x128xf32, #tpu.memory_space<vmem>>, vector<1x16xf32>,
        %swap3A_824 = vector.shape_cast %swap3A_823 : vector<1x16xf32> to vector<16xf32>
        %swap3A_825 = vector.shape_cast %get3A_820 : vector<16xf32> to vector<1x16xf32>
        tpu.vector_store %arg9[%swap3A_821, %swap3A_822], %swap3A_825 {strides = array<i32>} : memref<100x128xf32, #tpu.memory_space<vmem>>, vector<1x16xf32>,
        %scan3A_826 = arith.constant 6 : i32
        %scan3A_827 = arith.addi %scan3A_193, %scan3A_826 : i32
        %mul3A_828 = arith.constant 2 : i32
        %mul3A_829 = arith.muli %mul3A_828, %scan3A_827 : i32
        %add3A_830 = arith.constant 0 : i32
        %add3A_831 = arith.addi %mul3A_829, %add3A_830 : i32
        %get3A_832 = arith.index_cast %add3A_831 : i32 to index
        %get3A_833 = arith.constant 0 : index
        %get3A_834 = tpu.vector_load %arg7[%get3A_832, %get3A_833] {strides = array<i32>} : memref<200x128xf32, #tpu.memory_space<vmem>>, vector<1x16xf32>,
        %get3A_835 = vector.shape_cast %get3A_834 : vector<1x16xf32> to vector<16xf32>
        %swap3A_836 = arith.index_cast %scan3A_827 : i32 to index
        %swap3A_837 = arith.constant 0 : index
        %swap3A_838 = tpu.vector_load %arg9[%swap3A_836, %swap3A_837] {strides = array<i32>} : memref<100x128xf32, #tpu.memory_space<vmem>>, vector<1x16xf32>,
        %swap3A_839 = vector.shape_cast %swap3A_838 : vector<1x16xf32> to vector<16xf32>
        %swap3A_840 = vector.shape_cast %get3A_835 : vector<16xf32> to vector<1x16xf32>
        tpu.vector_store %arg9[%swap3A_836, %swap3A_837], %swap3A_840 {strides = array<i32>} : memref<100x128xf32, #tpu.memory_space<vmem>>, vector<1x16xf32>,
        %mul3A_841 = arith.constant 2 : i32
        %mul3A_842 = arith.muli %mul3A_841, %scan3A_827 : i32
        %add3A_843 = arith.constant 0 : i32
        %add3A_844 = arith.addi %mul3A_842, %add3A_843 : i32
        %get3A_845 = arith.index_cast %add3A_844 : i32 to index
        %get3A_846 = arith.constant 16 : index
        %get3A_847 = tpu.vector_load %arg7[%get3A_845, %get3A_846] {strides = array<i32>} : memref<200x128xf32, #tpu.memory_space<vmem>>, vector<1x16xf32>,
        %get3A_848 = vector.shape_cast %get3A_847 : vector<1x16xf32> to vector<16xf32>
        %swap3A_849 = arith.index_cast %scan3A_827 : i32 to index
        %swap3A_850 = arith.constant 16 : index
        %swap3A_851 = tpu.vector_load %arg9[%swap3A_849, %swap3A_850] {strides = array<i32>} : memref<100x128xf32, #tpu.memory_space<vmem>>, vector<1x16xf32>,
        %swap3A_852 = vector.shape_cast %swap3A_851 : vector<1x16xf32> to vector<16xf32>
        %swap3A_853 = vector.shape_cast %get3A_848 : vector<16xf32> to vector<1x16xf32>
        tpu.vector_store %arg9[%swap3A_849, %swap3A_850], %swap3A_853 {strides = array<i32>} : memref<100x128xf32, #tpu.memory_space<vmem>>, vector<1x16xf32>,
        %mul3A_854 = arith.constant 2 : i32
        %mul3A_855 = arith.muli %mul3A_854, %scan3A_827 : i32
        %add3A_856 = arith.constant 0 : i32
        %add3A_857 = arith.addi %mul3A_855, %add3A_856 : i32
        %get3A_858 = arith.index_cast %add3A_857 : i32 to index
        %get3A_859 = arith.constant 32 : index
        %get3A_860 = tpu.vector_load %arg7[%get3A_858, %get3A_859] {strides = array<i32>} : memref<200x128xf32, #tpu.memory_space<vmem>>, vector<1x16xf32>,
        %get3A_861 = vector.shape_cast %get3A_860 : vector<1x16xf32> to vector<16xf32>
        %swap3A_862 = arith.index_cast %scan3A_827 : i32 to index
        %swap3A_863 = arith.constant 32 : index
        %swap3A_864 = tpu.vector_load %arg9[%swap3A_862, %swap3A_863] {strides = array<i32>} : memref<100x128xf32, #tpu.memory_space<vmem>>, vector<1x16xf32>,
        %swap3A_865 = vector.shape_cast %swap3A_864 : vector<1x16xf32> to vector<16xf32>
        %swap3A_866 = vector.shape_cast %get3A_861 : vector<16xf32> to vector<1x16xf32>
        tpu.vector_store %arg9[%swap3A_862, %swap3A_863], %swap3A_866 {strides = array<i32>} : memref<100x128xf32, #tpu.memory_space<vmem>>, vector<1x16xf32>,
        %mul3A_867 = arith.constant 2 : i32
        %mul3A_868 = arith.muli %mul3A_867, %scan3A_827 : i32
        %add3A_869 = arith.constant 0 : i32
        %add3A_870 = arith.addi %mul3A_868, %add3A_869 : i32
        %get3A_871 = arith.index_cast %add3A_870 : i32 to index
        %get3A_872 = arith.constant 48 : index
        %get3A_873 = tpu.vector_load %arg7[%get3A_871, %get3A_872] {strides = array<i32>} : memref<200x128xf32, #tpu.memory_space<vmem>>, vector<1x16xf32>,
        %get3A_874 = vector.shape_cast %get3A_873 : vector<1x16xf32> to vector<16xf32>
        %swap3A_875 = arith.index_cast %scan3A_827 : i32 to index
        %swap3A_876 = arith.constant 48 : index
        %swap3A_877 = tpu.vector_load %arg9[%swap3A_875, %swap3A_876] {strides = array<i32>} : memref<100x128xf32, #tpu.memory_space<vmem>>, vector<1x16xf32>,
        %swap3A_878 = vector.shape_cast %swap3A_877 : vector<1x16xf32> to vector<16xf32>
        %swap3A_879 = vector.shape_cast %get3A_874 : vector<16xf32> to vector<1x16xf32>
        tpu.vector_store %arg9[%swap3A_875, %swap3A_876], %swap3A_879 {strides = array<i32>} : memref<100x128xf32, #tpu.memory_space<vmem>>, vector<1x16xf32>,
        %mul3A_880 = arith.constant 2 : i32
        %mul3A_881 = arith.muli %mul3A_880, %scan3A_827 : i32
        %add3A_882 = arith.constant 1 : i32
        %add3A_883 = arith.addi %mul3A_881, %add3A_882 : i32
        %get3A_884 = arith.index_cast %add3A_883 : i32 to index
        %get3A_885 = arith.constant 0 : index
        %get3A_886 = tpu.vector_load %arg7[%get3A_884, %get3A_885] {strides = array<i32>} : memref<200x128xf32, #tpu.memory_space<vmem>>, vector<1x16xf32>,
        %get3A_887 = vector.shape_cast %get3A_886 : vector<1x16xf32> to vector<16xf32>
        %swap3A_888 = arith.index_cast %scan3A_827 : i32 to index
        %swap3A_889 = arith.constant 64 : index
        %swap3A_890 = tpu.vector_load %arg9[%swap3A_888, %swap3A_889] {strides = array<i32>} : memref<100x128xf32, #tpu.memory_space<vmem>>, vector<1x16xf32>,
        %swap3A_891 = vector.shape_cast %swap3A_890 : vector<1x16xf32> to vector<16xf32>
        %swap3A_892 = vector.shape_cast %get3A_887 : vector<16xf32> to vector<1x16xf32>
        tpu.vector_store %arg9[%swap3A_888, %swap3A_889], %swap3A_892 {strides = array<i32>} : memref<100x128xf32, #tpu.memory_space<vmem>>, vector<1x16xf32>,
        %mul3A_893 = arith.constant 2 : i32
        %mul3A_894 = arith.muli %mul3A_893, %scan3A_827 : i32
        %add3A_895 = arith.constant 1 : i32
        %add3A_896 = arith.addi %mul3A_894, %add3A_895 : i32
        %get3A_897 = arith.index_cast %add3A_896 : i32 to index
        %get3A_898 = arith.constant 16 : index
        %get3A_899 = tpu.vector_load %arg7[%get3A_897, %get3A_898] {strides = array<i32>} : memref<200x128xf32, #tpu.memory_space<vmem>>, vector<1x16xf32>,
        %get3A_900 = vector.shape_cast %get3A_899 : vector<1x16xf32> to vector<16xf32>
        %swap3A_901 = arith.index_cast %scan3A_827 : i32 to index
        %swap3A_902 = arith.constant 80 : index
        %swap3A_903 = tpu.vector_load %arg9[%swap3A_901, %swap3A_902] {strides = array<i32>} : memref<100x128xf32, #tpu.memory_space<vmem>>, vector<1x16xf32>,
        %swap3A_904 = vector.shape_cast %swap3A_903 : vector<1x16xf32> to vector<16xf32>
        %swap3A_905 = vector.shape_cast %get3A_900 : vector<16xf32> to vector<1x16xf32>
        tpu.vector_store %arg9[%swap3A_901, %swap3A_902], %swap3A_905 {strides = array<i32>} : memref<100x128xf32, #tpu.memory_space<vmem>>, vector<1x16xf32>,
        %mul3A_906 = arith.constant 2 : i32
        %mul3A_907 = arith.muli %mul3A_906, %scan3A_827 : i32
        %add3A_908 = arith.constant 1 : i32
        %add3A_909 = arith.addi %mul3A_907, %add3A_908 : i32
        %get3A_910 = arith.index_cast %add3A_909 : i32 to index
        %get3A_911 = arith.constant 32 : index
        %get3A_912 = tpu.vector_load %arg7[%get3A_910, %get3A_911] {strides = array<i32>} : memref<200x128xf32, #tpu.memory_space<vmem>>, vector<1x16xf32>,
        %get3A_913 = vector.shape_cast %get3A_912 : vector<1x16xf32> to vector<16xf32>
        %swap3A_914 = arith.index_cast %scan3A_827 : i32 to index
        %swap3A_915 = arith.constant 96 : index
        %swap3A_916 = tpu.vector_load %arg9[%swap3A_914, %swap3A_915] {strides = array<i32>} : memref<100x128xf32, #tpu.memory_space<vmem>>, vector<1x16xf32>,
        %swap3A_917 = vector.shape_cast %swap3A_916 : vector<1x16xf32> to vector<16xf32>
        %swap3A_918 = vector.shape_cast %get3A_913 : vector<16xf32> to vector<1x16xf32>
        tpu.vector_store %arg9[%swap3A_914, %swap3A_915], %swap3A_918 {strides = array<i32>} : memref<100x128xf32, #tpu.memory_space<vmem>>, vector<1x16xf32>,
        %mul3A_919 = arith.constant 2 : i32
        %mul3A_920 = arith.muli %mul3A_919, %scan3A_827 : i32
        %add3A_921 = arith.constant 1 : i32
        %add3A_922 = arith.addi %mul3A_920, %add3A_921 : i32
        %get3A_923 = arith.index_cast %add3A_922 : i32 to index
        %get3A_924 = arith.constant 48 : index
        %get3A_925 = tpu.vector_load %arg7[%get3A_923, %get3A_924] {strides = array<i32>} : memref<200x128xf32, #tpu.memory_space<vmem>>, vector<1x16xf32>,
        %get3A_926 = vector.shape_cast %get3A_925 : vector<1x16xf32> to vector<16xf32>
        %swap3A_927 = arith.index_cast %scan3A_827 : i32 to index
        %swap3A_928 = arith.constant 112 : index
        %swap3A_929 = tpu.vector_load %arg9[%swap3A_927, %swap3A_928] {strides = array<i32>} : memref<100x128xf32, #tpu.memory_space<vmem>>, vector<1x16xf32>,
        %swap3A_930 = vector.shape_cast %swap3A_929 : vector<1x16xf32> to vector<16xf32>
        %swap3A_931 = vector.shape_cast %get3A_926 : vector<16xf32> to vector<1x16xf32>
        tpu.vector_store %arg9[%swap3A_927, %swap3A_928], %swap3A_931 {strides = array<i32>} : memref<100x128xf32, #tpu.memory_space<vmem>>, vector<1x16xf32>,
        %scan3A_932 = arith.constant 7 : i32
        %scan3A_933 = arith.addi %scan3A_193, %scan3A_932 : i32
        %mul3A_934 = arith.constant 2 : i32
        %mul3A_935 = arith.muli %mul3A_934, %scan3A_933 : i32
        %add3A_936 = arith.constant 0 : i32
        %add3A_937 = arith.addi %mul3A_935, %add3A_936 : i32
        %get3A_938 = arith.index_cast %add3A_937 : i32 to index
        %get3A_939 = arith.constant 0 : index
        %get3A_940 = tpu.vector_load %arg7[%get3A_938, %get3A_939] {strides = array<i32>} : memref<200x128xf32, #tpu.memory_space<vmem>>, vector<1x16xf32>,
        %get3A_941 = vector.shape_cast %get3A_940 : vector<1x16xf32> to vector<16xf32>
        %swap3A_942 = arith.index_cast %scan3A_933 : i32 to index
        %swap3A_943 = arith.constant 0 : index
        %swap3A_944 = tpu.vector_load %arg9[%swap3A_942, %swap3A_943] {strides = array<i32>} : memref<100x128xf32, #tpu.memory_space<vmem>>, vector<1x16xf32>,
        %swap3A_945 = vector.shape_cast %swap3A_944 : vector<1x16xf32> to vector<16xf32>
        %swap3A_946 = vector.shape_cast %get3A_941 : vector<16xf32> to vector<1x16xf32>
        tpu.vector_store %arg9[%swap3A_942, %swap3A_943], %swap3A_946 {strides = array<i32>} : memref<100x128xf32, #tpu.memory_space<vmem>>, vector<1x16xf32>,
        %mul3A_947 = arith.constant 2 : i32
        %mul3A_948 = arith.muli %mul3A_947, %scan3A_933 : i32
        %add3A_949 = arith.constant 0 : i32
        %add3A_950 = arith.addi %mul3A_948, %add3A_949 : i32
        %get3A_951 = arith.index_cast %add3A_950 : i32 to index
        %get3A_952 = arith.constant 16 : index
        %get3A_953 = tpu.vector_load %arg7[%get3A_951, %get3A_952] {strides = array<i32>} : memref<200x128xf32, #tpu.memory_space<vmem>>, vector<1x16xf32>,
        %get3A_954 = vector.shape_cast %get3A_953 : vector<1x16xf32> to vector<16xf32>
        %swap3A_955 = arith.index_cast %scan3A_933 : i32 to index
        %swap3A_956 = arith.constant 16 : index
        %swap3A_957 = tpu.vector_load %arg9[%swap3A_955, %swap3A_956] {strides = array<i32>} : memref<100x128xf32, #tpu.memory_space<vmem>>, vector<1x16xf32>,
        %swap3A_958 = vector.shape_cast %swap3A_957 : vector<1x16xf32> to vector<16xf32>
        %swap3A_959 = vector.shape_cast %get3A_954 : vector<16xf32> to vector<1x16xf32>
        tpu.vector_store %arg9[%swap3A_955, %swap3A_956], %swap3A_959 {strides = array<i32>} : memref<100x128xf32, #tpu.memory_space<vmem>>, vector<1x16xf32>,
        %mul3A_960 = arith.constant 2 : i32
        %mul3A_961 = arith.muli %mul3A_960, %scan3A_933 : i32
        %add3A_962 = arith.constant 0 : i32
        %add3A_963 = arith.addi %mul3A_961, %add3A_962 : i32
        %get3A_964 = arith.index_cast %add3A_963 : i32 to index
        %get3A_965 = arith.constant 32 : index
        %get3A_966 = tpu.vector_load %arg7[%get3A_964, %get3A_965] {strides = array<i32>} : memref<200x128xf32, #tpu.memory_space<vmem>>, vector<1x16xf32>,
        %get3A_967 = vector.shape_cast %get3A_966 : vector<1x16xf32> to vector<16xf32>
        %swap3A_968 = arith.index_cast %scan3A_933 : i32 to index
        %swap3A_969 = arith.constant 32 : index
        %swap3A_970 = tpu.vector_load %arg9[%swap3A_968, %swap3A_969] {strides = array<i32>} : memref<100x128xf32, #tpu.memory_space<vmem>>, vector<1x16xf32>,
        %swap3A_971 = vector.shape_cast %swap3A_970 : vector<1x16xf32> to vector<16xf32>
        %swap3A_972 = vector.shape_cast %get3A_967 : vector<16xf32> to vector<1x16xf32>
        tpu.vector_store %arg9[%swap3A_968, %swap3A_969], %swap3A_972 {strides = array<i32>} : memref<100x128xf32, #tpu.memory_space<vmem>>, vector<1x16xf32>,
        %mul3A_973 = arith.constant 2 : i32
        %mul3A_974 = arith.muli %mul3A_973, %scan3A_933 : i32
        %add3A_975 = arith.constant 0 : i32
        %add3A_976 = arith.addi %mul3A_974, %add3A_975 : i32
        %get3A_977 = arith.index_cast %add3A_976 : i32 to index
        %get3A_978 = arith.constant 48 : index
        %get3A_979 = tpu.vector_load %arg7[%get3A_977, %get3A_978] {strides = array<i32>} : memref<200x128xf32, #tpu.memory_space<vmem>>, vector<1x16xf32>,
        %get3A_980 = vector.shape_cast %get3A_979 : vector<1x16xf32> to vector<16xf32>
        %swap3A_981 = arith.index_cast %scan3A_933 : i32 to index
        %swap3A_982 = arith.constant 48 : index
        %swap3A_983 = tpu.vector_load %arg9[%swap3A_981, %swap3A_982] {strides = array<i32>} : memref<100x128xf32, #tpu.memory_space<vmem>>, vector<1x16xf32>,
        %swap3A_984 = vector.shape_cast %swap3A_983 : vector<1x16xf32> to vector<16xf32>
        %swap3A_985 = vector.shape_cast %get3A_980 : vector<16xf32> to vector<1x16xf32>
        tpu.vector_store %arg9[%swap3A_981, %swap3A_982], %swap3A_985 {strides = array<i32>} : memref<100x128xf32, #tpu.memory_space<vmem>>, vector<1x16xf32>,
        %mul3A_986 = arith.constant 2 : i32
        %mul3A_987 = arith.muli %mul3A_986, %scan3A_933 : i32
        %add3A_988 = arith.constant 1 : i32
        %add3A_989 = arith.addi %mul3A_987, %add3A_988 : i32
        %get3A_990 = arith.index_cast %add3A_989 : i32 to index
        %get3A_991 = arith.constant 0 : index
        %get3A_992 = tpu.vector_load %arg7[%get3A_990, %get3A_991] {strides = array<i32>} : memref<200x128xf32, #tpu.memory_space<vmem>>, vector<1x16xf32>,
        %get3A_993 = vector.shape_cast %get3A_992 : vector<1x16xf32> to vector<16xf32>
        %swap3A_994 = arith.index_cast %scan3A_933 : i32 to index
        %swap3A_995 = arith.constant 64 : index
        %swap3A_996 = tpu.vector_load %arg9[%swap3A_994, %swap3A_995] {strides = array<i32>} : memref<100x128xf32, #tpu.memory_space<vmem>>, vector<1x16xf32>,
        %swap3A_997 = vector.shape_cast %swap3A_996 : vector<1x16xf32> to vector<16xf32>
        %swap3A_998 = vector.shape_cast %get3A_993 : vector<16xf32> to vector<1x16xf32>
        tpu.vector_store %arg9[%swap3A_994, %swap3A_995], %swap3A_998 {strides = array<i32>} : memref<100x128xf32, #tpu.memory_space<vmem>>, vector<1x16xf32>,
        %mul3A_999 = arith.constant 2 : i32
        %mul3A_1000 = arith.muli %mul3A_999, %scan3A_933 : i32
        %add3A_1001 = arith.constant 1 : i32
        %add3A_1002 = arith.addi %mul3A_1000, %add3A_1001 : i32
        %get3A_1003 = arith.index_cast %add3A_1002 : i32 to index
        %get3A_1004 = arith.constant 16 : index
        %get3A_1005 = tpu.vector_load %arg7[%get3A_1003, %get3A_1004] {strides = array<i32>} : memref<200x128xf32, #tpu.memory_space<vmem>>, vector<1x16xf32>,
        %get3A_1006 = vector.shape_cast %get3A_1005 : vector<1x16xf32> to vector<16xf32>
        %swap3A_1007 = arith.index_cast %scan3A_933 : i32 to index
        %swap3A_1008 = arith.constant 80 : index
        %swap3A_1009 = tpu.vector_load %arg9[%swap3A_1007, %swap3A_1008] {strides = array<i32>} : memref<100x128xf32, #tpu.memory_space<vmem>>, vector<1x16xf32>,
        %swap3A_1010 = vector.shape_cast %swap3A_1009 : vector<1x16xf32> to vector<16xf32>
        %swap3A_1011 = vector.shape_cast %get3A_1006 : vector<16xf32> to vector<1x16xf32>
        tpu.vector_store %arg9[%swap3A_1007, %swap3A_1008], %swap3A_1011 {strides = array<i32>} : memref<100x128xf32, #tpu.memory_space<vmem>>, vector<1x16xf32>,
        %mul3A_1012 = arith.constant 2 : i32
        %mul3A_1013 = arith.muli %mul3A_1012, %scan3A_933 : i32
        %add3A_1014 = arith.constant 1 : i32
        %add3A_1015 = arith.addi %mul3A_1013, %add3A_1014 : i32
        %get3A_1016 = arith.index_cast %add3A_1015 : i32 to index
        %get3A_1017 = arith.constant 32 : index
        %get3A_1018 = tpu.vector_load %arg7[%get3A_1016, %get3A_1017] {strides = array<i32>} : memref<200x128xf32, #tpu.memory_space<vmem>>, vector<1x16xf32>,
        %get3A_1019 = vector.shape_cast %get3A_1018 : vector<1x16xf32> to vector<16xf32>
        %swap3A_1020 = arith.index_cast %scan3A_933 : i32 to index
        %swap3A_1021 = arith.constant 96 : index
        %swap3A_1022 = tpu.vector_load %arg9[%swap3A_1020, %swap3A_1021] {strides = array<i32>} : memref<100x128xf32, #tpu.memory_space<vmem>>, vector<1x16xf32>,
        %swap3A_1023 = vector.shape_cast %swap3A_1022 : vector<1x16xf32> to vector<16xf32>
        %swap3A_1024 = vector.shape_cast %get3A_1019 : vector<16xf32> to vector<1x16xf32>
        tpu.vector_store %arg9[%swap3A_1020, %swap3A_1021], %swap3A_1024 {strides = array<i32>} : memref<100x128xf32, #tpu.memory_space<vmem>>, vector<1x16xf32>,
        %mul3A_1025 = arith.constant 2 : i32
        %mul3A_1026 = arith.muli %mul3A_1025, %scan3A_933 : i32
        %add3A_1027 = arith.constant 1 : i32
        %add3A_1028 = arith.addi %mul3A_1026, %add3A_1027 : i32
        %get3A_1029 = arith.index_cast %add3A_1028 : i32 to index
        %get3A_1030 = arith.constant 48 : index
        %get3A_1031 = tpu.vector_load %arg7[%get3A_1029, %get3A_1030] {strides = array<i32>} : memref<200x128xf32, #tpu.memory_space<vmem>>, vector<1x16xf32>,
        %get3A_1032 = vector.shape_cast %get3A_1031 : vector<1x16xf32> to vector<16xf32>
        %swap3A_1033 = arith.index_cast %scan3A_933 : i32 to index
        %swap3A_1034 = arith.constant 112 : index
        %swap3A_1035 = tpu.vector_load %arg9[%swap3A_1033, %swap3A_1034] {strides = array<i32>} : memref<100x128xf32, #tpu.memory_space<vmem>>, vector<1x16xf32>,
        %swap3A_1036 = vector.shape_cast %swap3A_1035 : vector<1x16xf32> to vector<16xf32>
        %swap3A_1037 = vector.shape_cast %get3A_1032 : vector<16xf32> to vector<1x16xf32>
        tpu.vector_store %arg9[%swap3A_1033, %swap3A_1034], %swap3A_1037 {strides = array<i32>} : memref<100x128xf32, #tpu.memory_space<vmem>>, vector<1x16xf32>,
        %scan3A_1038 = arith.constant 8 : i32
        %scan3A_1039 = arith.addi %scan3A_193, %scan3A_1038 : i32
        %mul3A_1040 = arith.constant 2 : i32
        %mul3A_1041 = arith.muli %mul3A_1040, %scan3A_1039 : i32
        %add3A_1042 = arith.constant 0 : i32
        %add3A_1043 = arith.addi %mul3A_1041, %add3A_1042 : i32
        %get3A_1044 = arith.index_cast %add3A_1043 : i32 to index
        %get3A_1045 = arith.constant 0 : index
        %get3A_1046 = tpu.vector_load %arg7[%get3A_1044, %get3A_1045] {strides = array<i32>} : memref<200x128xf32, #tpu.memory_space<vmem>>, vector<1x16xf32>,
        %get3A_1047 = vector.shape_cast %get3A_1046 : vector<1x16xf32> to vector<16xf32>
        %swap3A_1048 = arith.index_cast %scan3A_1039 : i32 to index
        %swap3A_1049 = arith.constant 0 : index
        %swap3A_1050 = tpu.vector_load %arg9[%swap3A_1048, %swap3A_1049] {strides = array<i32>} : memref<100x128xf32, #tpu.memory_space<vmem>>, vector<1x16xf32>,
        %swap3A_1051 = vector.shape_cast %swap3A_1050 : vector<1x16xf32> to vector<16xf32>
        %swap3A_1052 = vector.shape_cast %get3A_1047 : vector<16xf32> to vector<1x16xf32>
        tpu.vector_store %arg9[%swap3A_1048, %swap3A_1049], %swap3A_1052 {strides = array<i32>} : memref<100x128xf32, #tpu.memory_space<vmem>>, vector<1x16xf32>,
        %mul3A_1053 = arith.constant 2 : i32
        %mul3A_1054 = arith.muli %mul3A_1053, %scan3A_1039 : i32
        %add3A_1055 = arith.constant 0 : i32
        %add3A_1056 = arith.addi %mul3A_1054, %add3A_1055 : i32
        %get3A_1057 = arith.index_cast %add3A_1056 : i32 to index
        %get3A_1058 = arith.constant 16 : index
        %get3A_1059 = tpu.vector_load %arg7[%get3A_1057, %get3A_1058] {strides = array<i32>} : memref<200x128xf32, #tpu.memory_space<vmem>>, vector<1x16xf32>,
        %get3A_1060 = vector.shape_cast %get3A_1059 : vector<1x16xf32> to vector<16xf32>
        %swap3A_1061 = arith.index_cast %scan3A_1039 : i32 to index
        %swap3A_1062 = arith.constant 16 : index
        %swap3A_1063 = tpu.vector_load %arg9[%swap3A_1061, %swap3A_1062] {strides = array<i32>} : memref<100x128xf32, #tpu.memory_space<vmem>>, vector<1x16xf32>,
        %swap3A_1064 = vector.shape_cast %swap3A_1063 : vector<1x16xf32> to vector<16xf32>
        %swap3A_1065 = vector.shape_cast %get3A_1060 : vector<16xf32> to vector<1x16xf32>
        tpu.vector_store %arg9[%swap3A_1061, %swap3A_1062], %swap3A_1065 {strides = array<i32>} : memref<100x128xf32, #tpu.memory_space<vmem>>, vector<1x16xf32>,
        %mul3A_1066 = arith.constant 2 : i32
        %mul3A_1067 = arith.muli %mul3A_1066, %scan3A_1039 : i32
        %add3A_1068 = arith.constant 0 : i32
        %add3A_1069 = arith.addi %mul3A_1067, %add3A_1068 : i32
        %get3A_1070 = arith.index_cast %add3A_1069 : i32 to index
        %get3A_1071 = arith.constant 32 : index
        %get3A_1072 = tpu.vector_load %arg7[%get3A_1070, %get3A_1071] {strides = array<i32>} : memref<200x128xf32, #tpu.memory_space<vmem>>, vector<1x16xf32>,
        %get3A_1073 = vector.shape_cast %get3A_1072 : vector<1x16xf32> to vector<16xf32>
        %swap3A_1074 = arith.index_cast %scan3A_1039 : i32 to index
        %swap3A_1075 = arith.constant 32 : index
        %swap3A_1076 = tpu.vector_load %arg9[%swap3A_1074, %swap3A_1075] {strides = array<i32>} : memref<100x128xf32, #tpu.memory_space<vmem>>, vector<1x16xf32>,
        %swap3A_1077 = vector.shape_cast %swap3A_1076 : vector<1x16xf32> to vector<16xf32>
        %swap3A_1078 = vector.shape_cast %get3A_1073 : vector<16xf32> to vector<1x16xf32>
        tpu.vector_store %arg9[%swap3A_1074, %swap3A_1075], %swap3A_1078 {strides = array<i32>} : memref<100x128xf32, #tpu.memory_space<vmem>>, vector<1x16xf32>,
        %mul3A_1079 = arith.constant 2 : i32
        %mul3A_1080 = arith.muli %mul3A_1079, %scan3A_1039 : i32
        %add3A_1081 = arith.constant 0 : i32
        %add3A_1082 = arith.addi %mul3A_1080, %add3A_1081 : i32
        %get3A_1083 = arith.index_cast %add3A_1082 : i32 to index
        %get3A_1084 = arith.constant 48 : index
        %get3A_1085 = tpu.vector_load %arg7[%get3A_1083, %get3A_1084] {strides = array<i32>} : memref<200x128xf32, #tpu.memory_space<vmem>>, vector<1x16xf32>,
        %get3A_1086 = vector.shape_cast %get3A_1085 : vector<1x16xf32> to vector<16xf32>
        %swap3A_1087 = arith.index_cast %scan3A_1039 : i32 to index
        %swap3A_1088 = arith.constant 48 : index
        %swap3A_1089 = tpu.vector_load %arg9[%swap3A_1087, %swap3A_1088] {strides = array<i32>} : memref<100x128xf32, #tpu.memory_space<vmem>>, vector<1x16xf32>,
        %swap3A_1090 = vector.shape_cast %swap3A_1089 : vector<1x16xf32> to vector<16xf32>
        %swap3A_1091 = vector.shape_cast %get3A_1086 : vector<16xf32> to vector<1x16xf32>
        tpu.vector_store %arg9[%swap3A_1087, %swap3A_1088], %swap3A_1091 {strides = array<i32>} : memref<100x128xf32, #tpu.memory_space<vmem>>, vector<1x16xf32>,
        %mul3A_1092 = arith.constant 2 : i32
        %mul3A_1093 = arith.muli %mul3A_1092, %scan3A_1039 : i32
        %add3A_1094 = arith.constant 1 : i32
        %add3A_1095 = arith.addi %mul3A_1093, %add3A_1094 : i32
        %get3A_1096 = arith.index_cast %add3A_1095 : i32 to index
        %get3A_1097 = arith.constant 0 : index
        %get3A_1098 = tpu.vector_load %arg7[%get3A_1096, %get3A_1097] {strides = array<i32>} : memref<200x128xf32, #tpu.memory_space<vmem>>, vector<1x16xf32>,
        %get3A_1099 = vector.shape_cast %get3A_1098 : vector<1x16xf32> to vector<16xf32>
        %swap3A_1100 = arith.index_cast %scan3A_1039 : i32 to index
        %swap3A_1101 = arith.constant 64 : index
        %swap3A_1102 = tpu.vector_load %arg9[%swap3A_1100, %swap3A_1101] {strides = array<i32>} : memref<100x128xf32, #tpu.memory_space<vmem>>, vector<1x16xf32>,
        %swap3A_1103 = vector.shape_cast %swap3A_1102 : vector<1x16xf32> to vector<16xf32>
        %swap3A_1104 = vector.shape_cast %get3A_1099 : vector<16xf32> to vector<1x16xf32>
        tpu.vector_store %arg9[%swap3A_1100, %swap3A_1101], %swap3A_1104 {strides = array<i32>} : memref<100x128xf32, #tpu.memory_space<vmem>>, vector<1x16xf32>,
        %mul3A_1105 = arith.constant 2 : i32
        %mul3A_1106 = arith.muli %mul3A_1105, %scan3A_1039 : i32
        %add3A_1107 = arith.constant 1 : i32
        %add3A_1108 = arith.addi %mul3A_1106, %add3A_1107 : i32
        %get3A_1109 = arith.index_cast %add3A_1108 : i32 to index
        %get3A_1110 = arith.constant 16 : index
        %get3A_1111 = tpu.vector_load %arg7[%get3A_1109, %get3A_1110] {strides = array<i32>} : memref<200x128xf32, #tpu.memory_space<vmem>>, vector<1x16xf32>,
        %get3A_1112 = vector.shape_cast %get3A_1111 : vector<1x16xf32> to vector<16xf32>
        %swap3A_1113 = arith.index_cast %scan3A_1039 : i32 to index
        %swap3A_1114 = arith.constant 80 : index
        %swap3A_1115 = tpu.vector_load %arg9[%swap3A_1113, %swap3A_1114] {strides = array<i32>} : memref<100x128xf32, #tpu.memory_space<vmem>>, vector<1x16xf32>,
        %swap3A_1116 = vector.shape_cast %swap3A_1115 : vector<1x16xf32> to vector<16xf32>
        %swap3A_1117 = vector.shape_cast %get3A_1112 : vector<16xf32> to vector<1x16xf32>
        tpu.vector_store %arg9[%swap3A_1113, %swap3A_1114], %swap3A_1117 {strides = array<i32>} : memref<100x128xf32, #tpu.memory_space<vmem>>, vector<1x16xf32>,
        %mul3A_1118 = arith.constant 2 : i32
        %mul3A_1119 = arith.muli %mul3A_1118, %scan3A_1039 : i32
        %add3A_1120 = arith.constant 1 : i32
        %add3A_1121 = arith.addi %mul3A_1119, %add3A_1120 : i32
        %get3A_1122 = arith.index_cast %add3A_1121 : i32 to index
        %get3A_1123 = arith.constant 32 : index
        %get3A_1124 = tpu.vector_load %arg7[%get3A_1122, %get3A_1123] {strides = array<i32>} : memref<200x128xf32, #tpu.memory_space<vmem>>, vector<1x16xf32>,
        %get3A_1125 = vector.shape_cast %get3A_1124 : vector<1x16xf32> to vector<16xf32>
        %swap3A_1126 = arith.index_cast %scan3A_1039 : i32 to index
        %swap3A_1127 = arith.constant 96 : index
        %swap3A_1128 = tpu.vector_load %arg9[%swap3A_1126, %swap3A_1127] {strides = array<i32>} : memref<100x128xf32, #tpu.memory_space<vmem>>, vector<1x16xf32>,
        %swap3A_1129 = vector.shape_cast %swap3A_1128 : vector<1x16xf32> to vector<16xf32>
        %swap3A_1130 = vector.shape_cast %get3A_1125 : vector<16xf32> to vector<1x16xf32>
        tpu.vector_store %arg9[%swap3A_1126, %swap3A_1127], %swap3A_1130 {strides = array<i32>} : memref<100x128xf32, #tpu.memory_space<vmem>>, vector<1x16xf32>,
        %mul3A_1131 = arith.constant 2 : i32
        %mul3A_1132 = arith.muli %mul3A_1131, %scan3A_1039 : i32
        %add3A_1133 = arith.constant 1 : i32
        %add3A_1134 = arith.addi %mul3A_1132, %add3A_1133 : i32
        %get3A_1135 = arith.index_cast %add3A_1134 : i32 to index
        %get3A_1136 = arith.constant 48 : index
        %get3A_1137 = tpu.vector_load %arg7[%get3A_1135, %get3A_1136] {strides = array<i32>} : memref<200x128xf32, #tpu.memory_space<vmem>>, vector<1x16xf32>,
        %get3A_1138 = vector.shape_cast %get3A_1137 : vector<1x16xf32> to vector<16xf32>
        %swap3A_1139 = arith.index_cast %scan3A_1039 : i32 to index
        %swap3A_1140 = arith.constant 112 : index
        %swap3A_1141 = tpu.vector_load %arg9[%swap3A_1139, %swap3A_1140] {strides = array<i32>} : memref<100x128xf32, #tpu.memory_space<vmem>>, vector<1x16xf32>,
        %swap3A_1142 = vector.shape_cast %swap3A_1141 : vector<1x16xf32> to vector<16xf32>
        %swap3A_1143 = vector.shape_cast %get3A_1138 : vector<16xf32> to vector<1x16xf32>
        tpu.vector_store %arg9[%swap3A_1139, %swap3A_1140], %swap3A_1143 {strides = array<i32>} : memref<100x128xf32, #tpu.memory_space<vmem>>, vector<1x16xf32>,
        %scan3A_1144 = arith.constant 9 : i32
        %scan3A_1145 = arith.addi %scan3A_193, %scan3A_1144 : i32
        %mul3A_1146 = arith.constant 2 : i32
        %mul3A_1147 = arith.muli %mul3A_1146, %scan3A_1145 : i32
        %add3A_1148 = arith.constant 0 : i32
        %add3A_1149 = arith.addi %mul3A_1147, %add3A_1148 : i32
        %get3A_1150 = arith.index_cast %add3A_1149 : i32 to index
        %get3A_1151 = arith.constant 0 : index
        %get3A_1152 = tpu.vector_load %arg7[%get3A_1150, %get3A_1151] {strides = array<i32>} : memref<200x128xf32, #tpu.memory_space<vmem>>, vector<1x16xf32>,
        %get3A_1153 = vector.shape_cast %get3A_1152 : vector<1x16xf32> to vector<16xf32>
        %swap3A_1154 = arith.index_cast %scan3A_1145 : i32 to index
        %swap3A_1155 = arith.constant 0 : index
        %swap3A_1156 = tpu.vector_load %arg9[%swap3A_1154, %swap3A_1155] {strides = array<i32>} : memref<100x128xf32, #tpu.memory_space<vmem>>, vector<1x16xf32>,
        %swap3A_1157 = vector.shape_cast %swap3A_1156 : vector<1x16xf32> to vector<16xf32>
        %swap3A_1158 = vector.shape_cast %get3A_1153 : vector<16xf32> to vector<1x16xf32>
        tpu.vector_store %arg9[%swap3A_1154, %swap3A_1155], %swap3A_1158 {strides = array<i32>} : memref<100x128xf32, #tpu.memory_space<vmem>>, vector<1x16xf32>,
        %mul3A_1159 = arith.constant 2 : i32
        %mul3A_1160 = arith.muli %mul3A_1159, %scan3A_1145 : i32
        %add3A_1161 = arith.constant 0 : i32
        %add3A_1162 = arith.addi %mul3A_1160, %add3A_1161 : i32
        %get3A_1163 = arith.index_cast %add3A_1162 : i32 to index
        %get3A_1164 = arith.constant 16 : index
        %get3A_1165 = tpu.vector_load %arg7[%get3A_1163, %get3A_1164] {strides = array<i32>} : memref<200x128xf32, #tpu.memory_space<vmem>>, vector<1x16xf32>,
        %get3A_1166 = vector.shape_cast %get3A_1165 : vector<1x16xf32> to vector<16xf32>
        %swap3A_1167 = arith.index_cast %scan3A_1145 : i32 to index
        %swap3A_1168 = arith.constant 16 : index
        %swap3A_1169 = tpu.vector_load %arg9[%swap3A_1167, %swap3A_1168] {strides = array<i32>} : memref<100x128xf32, #tpu.memory_space<vmem>>, vector<1x16xf32>,
        %swap3A_1170 = vector.shape_cast %swap3A_1169 : vector<1x16xf32> to vector<16xf32>
        %swap3A_1171 = vector.shape_cast %get3A_1166 : vector<16xf32> to vector<1x16xf32>
        tpu.vector_store %arg9[%swap3A_1167, %swap3A_1168], %swap3A_1171 {strides = array<i32>} : memref<100x128xf32, #tpu.memory_space<vmem>>, vector<1x16xf32>,
        %mul3A_1172 = arith.constant 2 : i32
        %mul3A_1173 = arith.muli %mul3A_1172, %scan3A_1145 : i32
        %add3A_1174 = arith.constant 0 : i32
        %add3A_1175 = arith.addi %mul3A_1173, %add3A_1174 : i32
        %get3A_1176 = arith.index_cast %add3A_1175 : i32 to index
        %get3A_1177 = arith.constant 32 : index
        %get3A_1178 = tpu.vector_load %arg7[%get3A_1176, %get3A_1177] {strides = array<i32>} : memref<200x128xf32, #tpu.memory_space<vmem>>, vector<1x16xf32>,
        %get3A_1179 = vector.shape_cast %get3A_1178 : vector<1x16xf32> to vector<16xf32>
        %swap3A_1180 = arith.index_cast %scan3A_1145 : i32 to index
        %swap3A_1181 = arith.constant 32 : index
        %swap3A_1182 = tpu.vector_load %arg9[%swap3A_1180, %swap3A_1181] {strides = array<i32>} : memref<100x128xf32, #tpu.memory_space<vmem>>, vector<1x16xf32>,
        %swap3A_1183 = vector.shape_cast %swap3A_1182 : vector<1x16xf32> to vector<16xf32>
        %swap3A_1184 = vector.shape_cast %get3A_1179 : vector<16xf32> to vector<1x16xf32>
        tpu.vector_store %arg9[%swap3A_1180, %swap3A_1181], %swap3A_1184 {strides = array<i32>} : memref<100x128xf32, #tpu.memory_space<vmem>>, vector<1x16xf32>,
        %mul3A_1185 = arith.constant 2 : i32
        %mul3A_1186 = arith.muli %mul3A_1185, %scan3A_1145 : i32
        %add3A_1187 = arith.constant 0 : i32
        %add3A_1188 = arith.addi %mul3A_1186, %add3A_1187 : i32
        %get3A_1189 = arith.index_cast %add3A_1188 : i32 to index
        %get3A_1190 = arith.constant 48 : index
        %get3A_1191 = tpu.vector_load %arg7[%get3A_1189, %get3A_1190] {strides = array<i32>} : memref<200x128xf32, #tpu.memory_space<vmem>>, vector<1x16xf32>,
        %get3A_1192 = vector.shape_cast %get3A_1191 : vector<1x16xf32> to vector<16xf32>
        %swap3A_1193 = arith.index_cast %scan3A_1145 : i32 to index
        %swap3A_1194 = arith.constant 48 : index
        %swap3A_1195 = tpu.vector_load %arg9[%swap3A_1193, %swap3A_1194] {strides = array<i32>} : memref<100x128xf32, #tpu.memory_space<vmem>>, vector<1x16xf32>,
        %swap3A_1196 = vector.shape_cast %swap3A_1195 : vector<1x16xf32> to vector<16xf32>
        %swap3A_1197 = vector.shape_cast %get3A_1192 : vector<16xf32> to vector<1x16xf32>
        tpu.vector_store %arg9[%swap3A_1193, %swap3A_1194], %swap3A_1197 {strides = array<i32>} : memref<100x128xf32, #tpu.memory_space<vmem>>, vector<1x16xf32>,
        %mul3A_1198 = arith.constant 2 : i32
        %mul3A_1199 = arith.muli %mul3A_1198, %scan3A_1145 : i32
        %add3A_1200 = arith.constant 1 : i32
        %add3A_1201 = arith.addi %mul3A_1199, %add3A_1200 : i32
        %get3A_1202 = arith.index_cast %add3A_1201 : i32 to index
        %get3A_1203 = arith.constant 0 : index
        %get3A_1204 = tpu.vector_load %arg7[%get3A_1202, %get3A_1203] {strides = array<i32>} : memref<200x128xf32, #tpu.memory_space<vmem>>, vector<1x16xf32>,
        %get3A_1205 = vector.shape_cast %get3A_1204 : vector<1x16xf32> to vector<16xf32>
        %swap3A_1206 = arith.index_cast %scan3A_1145 : i32 to index
        %swap3A_1207 = arith.constant 64 : index
        %swap3A_1208 = tpu.vector_load %arg9[%swap3A_1206, %swap3A_1207] {strides = array<i32>} : memref<100x128xf32, #tpu.memory_space<vmem>>, vector<1x16xf32>,
        %swap3A_1209 = vector.shape_cast %swap3A_1208 : vector<1x16xf32> to vector<16xf32>
        %swap3A_1210 = vector.shape_cast %get3A_1205 : vector<16xf32> to vector<1x16xf32>
        tpu.vector_store %arg9[%swap3A_1206, %swap3A_1207], %swap3A_1210 {strides = array<i32>} : memref<100x128xf32, #tpu.memory_space<vmem>>, vector<1x16xf32>,
        %mul3A_1211 = arith.constant 2 : i32
        %mul3A_1212 = arith.muli %mul3A_1211, %scan3A_1145 : i32
        %add3A_1213 = arith.constant 1 : i32
        %add3A_1214 = arith.addi %mul3A_1212, %add3A_1213 : i32
        %get3A_1215 = arith.index_cast %add3A_1214 : i32 to index
        %get3A_1216 = arith.constant 16 : index
        %get3A_1217 = tpu.vector_load %arg7[%get3A_1215, %get3A_1216] {strides = array<i32>} : memref<200x128xf32, #tpu.memory_space<vmem>>, vector<1x16xf32>,
        %get3A_1218 = vector.shape_cast %get3A_1217 : vector<1x16xf32> to vector<16xf32>
        %swap3A_1219 = arith.index_cast %scan3A_1145 : i32 to index
        %swap3A_1220 = arith.constant 80 : index
        %swap3A_1221 = tpu.vector_load %arg9[%swap3A_1219, %swap3A_1220] {strides = array<i32>} : memref<100x128xf32, #tpu.memory_space<vmem>>, vector<1x16xf32>,
        %swap3A_1222 = vector.shape_cast %swap3A_1221 : vector<1x16xf32> to vector<16xf32>
        %swap3A_1223 = vector.shape_cast %get3A_1218 : vector<16xf32> to vector<1x16xf32>
        tpu.vector_store %arg9[%swap3A_1219, %swap3A_1220], %swap3A_1223 {strides = array<i32>} : memref<100x128xf32, #tpu.memory_space<vmem>>, vector<1x16xf32>,
        %mul3A_1224 = arith.constant 2 : i32
        %mul3A_1225 = arith.muli %mul3A_1224, %scan3A_1145 : i32
        %add3A_1226 = arith.constant 1 : i32
        %add3A_1227 = arith.addi %mul3A_1225, %add3A_1226 : i32
        %get3A_1228 = arith.index_cast %add3A_1227 : i32 to index
        %get3A_1229 = arith.constant 32 : index
        %get3A_1230 = tpu.vector_load %arg7[%get3A_1228, %get3A_1229] {strides = array<i32>} : memref<200x128xf32, #tpu.memory_space<vmem>>, vector<1x16xf32>,
        %get3A_1231 = vector.shape_cast %get3A_1230 : vector<1x16xf32> to vector<16xf32>
        %swap3A_1232 = arith.index_cast %scan3A_1145 : i32 to index
        %swap3A_1233 = arith.constant 96 : index
        %swap3A_1234 = tpu.vector_load %arg9[%swap3A_1232, %swap3A_1233] {strides = array<i32>} : memref<100x128xf32, #tpu.memory_space<vmem>>, vector<1x16xf32>,
        %swap3A_1235 = vector.shape_cast %swap3A_1234 : vector<1x16xf32> to vector<16xf32>
        %swap3A_1236 = vector.shape_cast %get3A_1231 : vector<16xf32> to vector<1x16xf32>
        tpu.vector_store %arg9[%swap3A_1232, %swap3A_1233], %swap3A_1236 {strides = array<i32>} : memref<100x128xf32, #tpu.memory_space<vmem>>, vector<1x16xf32>,
        %mul3A_1237 = arith.constant 2 : i32
        %mul3A_1238 = arith.muli %mul3A_1237, %scan3A_1145 : i32
        %add3A_1239 = arith.constant 1 : i32
        %add3A_1240 = arith.addi %mul3A_1238, %add3A_1239 : i32
        %get3A_1241 = arith.index_cast %add3A_1240 : i32 to index
        %get3A_1242 = arith.constant 48 : index
        %get3A_1243 = tpu.vector_load %arg7[%get3A_1241, %get3A_1242] {strides = array<i32>} : memref<200x128xf32, #tpu.memory_space<vmem>>, vector<1x16xf32>,
        %get3A_1244 = vector.shape_cast %get3A_1243 : vector<1x16xf32> to vector<16xf32>
        %swap3A_1245 = arith.index_cast %scan3A_1145 : i32 to index
        %swap3A_1246 = arith.constant 112 : index
        %swap3A_1247 = tpu.vector_load %arg9[%swap3A_1245, %swap3A_1246] {strides = array<i32>} : memref<100x128xf32, #tpu.memory_space<vmem>>, vector<1x16xf32>,
        %swap3A_1248 = vector.shape_cast %swap3A_1247 : vector<1x16xf32> to vector<16xf32>
        %swap3A_1249 = vector.shape_cast %get3A_1244 : vector<16xf32> to vector<1x16xf32>
        tpu.vector_store %arg9[%swap3A_1245, %swap3A_1246], %swap3A_1249 {strides = array<i32>} : memref<100x128xf32, #tpu.memory_space<vmem>>, vector<1x16xf32>,
      }
      %scan3A_150 = arith.constant 100 : i32
      %add3A_151 = arith.constant 1 : i32
      %add3A_152 = arith.addi %mul3A_78, %add3A_151 : i32
      %mul3A_153 = arith.constant 200 : i32
      %mul3A_154 = arith.muli %add3A_152, %mul3A_153 : i32
      %add3A_155 = arith.addi %mul3A_2, %mul3A_154 : i32
      %jit3A_156 = arith.constant 200 : i32
      %div3A_157 = arith.divsi %add3A_155, %jit3A_156 : i32
      %sign3A_158 = arith.constant 0 : i32
      %sign3A_159 = arith.cmpi sgt, %add3A_155, %sign3A_158 : i32
      %sign3A_160 = arith.extui %sign3A_159 : i1 to i32
      %sign3A_161 = arith.constant 0 : i32
      %sign3A_162 = arith.cmpi slt, %add3A_155, %sign3A_161 : i32
      %sign3A_163 = arith.extui %sign3A_162 : i1 to i32
      %sign3A_164 = arith.subi %sign3A_160, %sign3A_163 : i32
      %sign3A_165 = arith.constant 0 : i32
      %sign3A_166 = arith.cmpi sgt, %jit3A_156, %sign3A_165 : i32
      %sign3A_167 = arith.extui %sign3A_166 : i1 to i32
      %sign3A_168 = arith.constant 0 : i32
      %sign3A_169 = arith.cmpi slt, %jit3A_156, %sign3A_168 : i32
      %sign3A_170 = arith.extui %sign3A_169 : i1 to i32
      %sign3A_171 = arith.subi %sign3A_167, %sign3A_170 : i32
      %ne3A_172 = arith.cmpi ne, %sign3A_164, %sign3A_171 : i32
      %rem3A_173 = arith.remsi %add3A_155, %jit3A_156 : i32
      %ne3A_174 = arith.constant 0 : i32
      %ne3A_175 = arith.cmpi ne, %rem3A_173, %ne3A_174 : i32
      %and3A_176 = arith.andi %ne3A_172, %ne3A_175 : i1
      %sub3A_177 = arith.constant 1 : i32
      %sub3A_178 = arith.subi %div3A_157, %sub3A_177 : i32
      %select_n3A_179 = arith.select %and3A_176, %sub3A_178, %div3A_157 : i32
      %dma_start3A_180 = arith.constant 0 : i32
      %dma_start3A_181 = arith.constant 0 : i32
      %dma_start3A_182 = tpu.memref_slice %arg4[%select_n3A_179, %dma_start3A_180, %dma_start3A_181] : memref<4096x100x128xf32, #tpu.memory_space<hbm>> -> memref<1x100x128xf32, #tpu.memory_space<hbm>>
      %dma_start3A_183 = tpu.memref_squeeze %dma_start3A_182 : memref<1x100x128xf32, #tpu.memory_space<hbm>> -> memref<100x128xf32, #tpu.memory_space<hbm>>
      %dma_start3A_184 = arith.constant 0 : i32
      %dma_start3A_185 = arith.constant 0 : i32
      %dma_start3A_186 = tpu.memref_slice %arg4[%select_n3A_179, %dma_start3A_184, %dma_start3A_185] : memref<4096x100x128xf32, #tpu.memory_space<hbm>> -> memref<1x100x128xf32, #tpu.memory_space<hbm>>
      %dma_start3A_187 = tpu.memref_squeeze %dma_start3A_186 : memref<1x100x128xf32, #tpu.memory_space<hbm>> -> memref<100x128xf32, #tpu.memory_space<hbm>>
      tpu.enqueue_dma source(%arg9 : memref<100x128xf32, #tpu.memory_space<vmem>>) target(%dma_start3A_187 : memref<100x128xf32, #tpu.memory_space<hbm>>) target_semaphore(%arg13 : memref<!tpu.dma_semaphore, #tpu.memory_space<semaphore_mem>>)
      %lt3A_188 = arith.constant 63 : i32
      %lt3A_189 = arith.cmpi slt, %scan3A_76, %lt3A_188 : i32
      %convert_element_type3A_190 = arith.extui %lt3A_189 : i1 to i32
      %cond3A_191 = arith.constant 0 : i32
      %cond3A_192 = arith.cmpi ne, %convert_element_type3A_190, %cond3A_191 : i32
      scf.if %cond3A_192 {
        %add3A_193 = arith.constant 3 : i32
        %add3A_194 = arith.addi %mul3A_78, %add3A_193 : i32
        %mul3A_195 = arith.constant 200 : i32
        %mul3A_196 = arith.muli %add3A_194, %mul3A_195 : i32
        %dma_start3A_197 = tpu.memref_slice %arg5[%mul3A_196] : memref<25600xi32, #tpu.memory_space<vmem>> -> memref<200xi32, #tpu.memory_space<vmem>>
        %dma_start3A_198 = arith.constant 0 : i32
        %dma_start3A_199 = arith.constant 0 : i32
        %dma_start3A_200 = tpu.memref_slice %arg2[%dma_start3A_198, %dma_start3A_199] : memref<5128x128xf32, #tpu.memory_space<hbm>> -> memref<5128x128xf32, #tpu.memory_space<hbm>>
        tpu.enqueue_indirect_dma source(%dma_start3A_200 : memref<5128x128xf32, #tpu.memory_space<hbm>>) target(%arg7 : memref<200x128xf32, #tpu.memory_space<vmem>>) offsets(%dma_start3A_197 : memref<200xi32, #tpu.memory_space<vmem>>) semaphore(%arg11 : memref<!tpu.dma_semaphore, #tpu.memory_space<semaphore_mem>>)
      } else {
      }
    }
    %scan3A_16 = arith.constant 64 : i32
    %add3A_17 = arith.constant 0 : i32
    %add3A_18 = arith.addi %mul3A_2, %add3A_17 : i32
    %jit3A = arith.constant 200 : i32
    %div3A = arith.divsi %add3A_18, %jit3A : i32
    %sign3A = arith.constant 0 : i32
    %sign3A_19 = arith.cmpi sgt, %add3A_18, %sign3A : i32
    %sign3A_20 = arith.extui %sign3A_19 : i1 to i32
    %sign3A_21 = arith.constant 0 : i32
    %sign3A_22 = arith.cmpi slt, %add3A_18, %sign3A_21 : i32
    %sign3A_23 = arith.extui %sign3A_22 : i1 to i32
    %sign3A_24 = arith.subi %sign3A_20, %sign3A_23 : i32
    %sign3A_25 = arith.constant 0 : i32
    %sign3A_26 = arith.cmpi sgt, %jit3A, %sign3A_25 : i32
    %sign3A_27 = arith.extui %sign3A_26 : i1 to i32
    %sign3A_28 = arith.constant 0 : i32
    %sign3A_29 = arith.cmpi slt, %jit3A, %sign3A_28 : i32
    %sign3A_30 = arith.extui %sign3A_29 : i1 to i32
    %sign3A_31 = arith.subi %sign3A_27, %sign3A_30 : i32
    %ne3A = arith.cmpi ne, %sign3A_24, %sign3A_31 : i32
    %rem3A = arith.remsi %add3A_18, %jit3A : i32
    %ne3A_32 = arith.constant 0 : i32
    %ne3A_33 = arith.cmpi ne, %rem3A, %ne3A_32 : i32
    %and3A = arith.andi %ne3A, %ne3A_33 : i1
    %sub3A = arith.constant 1 : i32
    %sub3A_34 = arith.subi %div3A, %sub3A : i32
    %select_n3A = arith.select %and3A, %sub3A_34, %div3A : i32
    %dma_wait3A = arith.constant 0 : i32
    %dma_wait3A_35 = arith.constant 0 : i32
    %dma_wait3A_36 = tpu.memref_slice %arg4[%select_n3A, %dma_wait3A, %dma_wait3A_35] : memref<4096x100x128xf32, #tpu.memory_space<hbm>> -> memref<1x100x128xf32, #tpu.memory_space<hbm>>
    %dma_wait3A_37 = tpu.memref_squeeze %dma_wait3A_36 : memref<1x100x128xf32, #tpu.memory_space<hbm>> -> memref<100x128xf32, #tpu.memory_space<hbm>>
    %dma_wait3A_38 = arith.constant 0 : i32
    %dma_wait3A_39 = arith.constant 0 : i32
    %dma_wait3A_40 = tpu.memref_slice %arg4[%select_n3A, %dma_wait3A_38, %dma_wait3A_39] : memref<4096x100x128xf32, #tpu.memory_space<hbm>> -> memref<1x100x128xf32, #tpu.memory_space<hbm>>
    %dma_wait3A_41 = tpu.memref_squeeze %dma_wait3A_40 : memref<1x100x128xf32, #tpu.memory_space<hbm>> -> memref<100x128xf32, #tpu.memory_space<hbm>>
    tpu.wait_dma2 semaphore(%arg12 : memref<!tpu.dma_semaphore, #tpu.memory_space<semaphore_mem>>) src(%arg8 : memref<100x128xf32, #tpu.memory_space<vmem>>) dst(%dma_wait3A_41 : memref<100x128xf32, #tpu.memory_space<hbm>>)
    %add3A_42 = arith.constant 200 : i32
    %add3A_43 = arith.addi %mul3A_2, %add3A_42 : i32
    %jit3A_44 = arith.constant 200 : i32
    %div3A_45 = arith.divsi %add3A_43, %jit3A_44 : i32
    %sign3A_46 = arith.constant 0 : i32
    %sign3A_47 = arith.cmpi sgt, %add3A_43, %sign3A_46 : i32
    %sign3A_48 = arith.extui %sign3A_47 : i1 to i32
    %sign3A_49 = arith.constant 0 : i32
    %sign3A_50 = arith.cmpi slt, %add3A_43, %sign3A_49 : i32
    %sign3A_51 = arith.extui %sign3A_50 : i1 to i32
    %sign3A_52 = arith.subi %sign3A_48, %sign3A_51 : i32
    %sign3A_53 = arith.constant 0 : i32
    %sign3A_54 = arith.cmpi sgt, %jit3A_44, %sign3A_53 : i32
    %sign3A_55 = arith.extui %sign3A_54 : i1 to i32
    %sign3A_56 = arith.constant 0 : i32
    %sign3A_57 = arith.cmpi slt, %jit3A_44, %sign3A_56 : i32
    %sign3A_58 = arith.extui %sign3A_57 : i1 to i32
    %sign3A_59 = arith.subi %sign3A_55, %sign3A_58 : i32
    %ne3A_60 = arith.cmpi ne, %sign3A_52, %sign3A_59 : i32
    %rem3A_61 = arith.remsi %add3A_43, %jit3A_44 : i32
    %ne3A_62 = arith.constant 0 : i32
    %ne3A_63 = arith.cmpi ne, %rem3A_61, %ne3A_62 : i32
    %and3A_64 = arith.andi %ne3A_60, %ne3A_63 : i1
    %sub3A_65 = arith.constant 1 : i32
    %sub3A_66 = arith.subi %div3A_45, %sub3A_65 : i32
    %select_n3A_67 = arith.select %and3A_64, %sub3A_66, %div3A_45 : i32
    %dma_wait3A_68 = arith.constant 0 : i32
    %dma_wait3A_69 = arith.constant 0 : i32
    %dma_wait3A_70 = tpu.memref_slice %arg4[%select_n3A_67, %dma_wait3A_68, %dma_wait3A_69] : memref<4096x100x128xf32, #tpu.memory_space<hbm>> -> memref<1x100x128xf32, #tpu.memory_space<hbm>>
    %dma_wait3A_71 = tpu.memref_squeeze %dma_wait3A_70 : memref<1x100x128xf32, #tpu.memory_space<hbm>> -> memref<100x128xf32, #tpu.memory_space<hbm>>
    %dma_wait3A_72 = arith.constant 0 : i32
    %dma_wait3A_73 = arith.constant 0 : i32
    %dma_wait3A_74 = tpu.memref_slice %arg4[%select_n3A_67, %dma_wait3A_72, %dma_wait3A_73] : memref<4096x100x128xf32, #tpu.memory_space<hbm>> -> memref<1x100x128xf32, #tpu.memory_space<hbm>>
    %dma_wait3A_75 = tpu.memref_squeeze %dma_wait3A_74 : memref<1x100x128xf32, #tpu.memory_space<hbm>> -> memref<100x128xf32, #tpu.memory_space<hbm>>
    tpu.wait_dma2 semaphore(%arg13 : memref<!tpu.dma_semaphore, #tpu.memory_space<semaphore_mem>>) src(%arg9 : memref<100x128xf32, #tpu.memory_space<vmem>>) dst(%dma_wait3A_75 : memref<100x128xf32, #tpu.memory_space<hbm>>)
    return
  }
}

module attributes {stable_mosaic.version = 14 : i64} {
  func.func @_table_body(%arg0: memref<5121x64xf32, #tpu.memory_space<vmem>>, %arg1: memref<64x64xf32, #tpu.memory_space<vmem>>, %arg2: memref<1x64xf32, #tpu.memory_space<vmem>>, %arg3: memref<5128x128xf32, #tpu.memory_space<vmem>>) attributes {dimension_semantics = [], scalar_prefetch = 0 : i64, scratch_operands = 0 : i64, tpu.core_type = #tpu.core_type<tc>} {
    %get3A = arith.constant 0 : index
    %get3A_0 = arith.constant 0 : index
    %get3A_1 = vector.load %arg0[%get3A, %get3A_0] : memref<5121x64xf32, #tpu.memory_space<vmem>>, vector<5121x64xf32>
    %get3A_2 = arith.constant 0 : index
    %get3A_3 = arith.constant 0 : index
    %get3A_4 = vector.load %arg1[%get3A_2, %get3A_3] : memref<64x64xf32, #tpu.memory_space<vmem>>, vector<64x64xf32>
    %dot_general3A = arith.constant dense<0.000000e+00> : vector<5121x64xf32>
    %dot_general3A_5 = tpu.matmul %get3A_1, %get3A_4, %dot_general3A {dimension_numbers = #tpu.dot_dimension_numbers<[1], [1], [0], [0], [0, 0, 1, 0], [], []>, transpose_lhs_hint = false} : vector<5121x64xf32>, vector<64x64xf32>, vector<5121x64xf32> -> vector<5121x64xf32>
    %get3A_6 = arith.constant 0 : index
    %get3A_7 = arith.constant 0 : index
    %get3A_8 = vector.load %arg2[%get3A_6, %get3A_7] : memref<1x64xf32, #tpu.memory_space<vmem>>, vector<1x64xf32>
    %add3A = vector.broadcast %get3A_8 : vector<1x64xf32> to vector<5121x64xf32>
    %add3A_9 = arith.addf %dot_general3A_5, %add3A : vector<5121x64xf32>
    %jit3A = arith.constant 0 : i32
    %convert_element_type3A = arith.sitofp %jit3A : i32 to f32
    %pad3A = vector.broadcast %convert_element_type3A : f32 to vector<7x64xf32>
    %pad3A_10 = tpu.concatenate %add3A_9, %pad3A in 0 : vector<5121x64xf32>, vector<7x64xf32> -> vector<5128x64xf32>
    %pad3A_11 = vector.broadcast %convert_element_type3A : f32 to vector<5128x64xf32>
    %pad3A_12 = tpu.concatenate %pad3A_10, %pad3A_11 in 1 : vector<5128x64xf32>, vector<5128x64xf32> -> vector<5128x128xf32>
    %swap3A = arith.constant 0 : index
    %swap3A_13 = arith.constant 0 : index
    %swap3A_14 = vector.load %arg3[%swap3A, %swap3A_13] : memref<5128x128xf32, #tpu.memory_space<vmem>>, vector<5128x128xf32>
    tpu.vector_store %arg3[%swap3A, %swap3A_13], %pad3A_12 {strides = array<i32>} : memref<5128x128xf32, #tpu.memory_space<vmem>>, vector<5128x128xf32>,
    return
  }
}

</mosaic_0001>

<sc_bundles>
// kernel: kernel.4.cloned.1.call-start
scs
__scs_entry_jumppad:
0x0: {  	(pc) =	sbr.rel $0x88, $3  }
0x1: {  	(tag) =	ssettag $0x0;
	lr =	simm.s32 $0x1  }
0x2: {  	[smem:$0x3F9D] =	sst lr;
	_ =	strace $0xD0000000  }
0x3: {  	_ = 	snop  }
0x4: {  	_ = 	snop  }
0x5: {  	_ = 	snop  }
0x6: {  	_ = 	snop  }
0x7: {  	_ = 	snop  }
__scs_overlays_trampoline_lowered:
0x8: {  	[smem:$0x3FAC] =	sst s0  }
0x9: {  	[smem:$0x3FAD] =	sst s1  }
0xa: {  	[smem:$0x3FAE] =	sst s2  }
0xb: {  	[smem:$0x3FAF] =	sst s3  }
0xc: {  	[smem:$0x3FB0] =	sst s4  }
0xd: {  	[smem:$0x3FB1] =	sst s5  }
0xe: {  	[smem:$0x3FB2] =	sst s6  }
0xf: {  	[smem:$0x3FB3] =	sst s7  }
0x10: {  	[smem:$0x3FB4] =	sst s8  }
0x11: {  	[smem:$0x3FB5] =	sst s9;
	s0 =	simm.s32 @!p0 $0x0  }
0x12: {  	s1 =	sld [smem:$0x3F9B];
	s0 =	simm.s32 @p0 $0x1  }
0x13: {  	[smem:$0x3FB6] =	sst s0;
	s0 =	simm.s32 @!p1 $0x0  }
0x14: {  	s2 =	sld [smem:$0x3F9A];
	s0 =	simm.s32 @p1 $0x1  }
0x15: {  	[smem:$0x3FB7] =	sst s0;
	s0 =	simm.s32 @!p2 $0x0  }
0x16: {  	s3 =	sld [smem:$0x3FDB];
	s0 =	simm.s32 @p2 $0x1  }
0x17: {  	s4 =	simm.s32 $0x1BF5;
	[smem:$0x3FB9] =	sst s0  }
0x18: {  	s0 =	sld [smem:$0x3F9C];
	_ =	swait.ge [sflag:s4], $0x0  }
0x19: {  	s7 =	sld [smem:$0x3F9D]  }
0x1a: {  	s8 =	sadd.s32 $0xFFFFE003, lr  }
0x1b: {  	s9 =	sadd.s32 $0xFFFFFEF7, lr;
	s5 =	simm.s32 $0xFFFFFFFF;
	p2 =	slt.u32 s8, $0xFFFFF086  }
0x1c: {  	p1 =	slt.u32 s9, $0xF7A;
	s5 =	simm.s32 @!p2 $0x0  }
0x1d: {  	s5 =	simm.s32 @p1 $0x1;
	p0 =	seq.s32 s7, s2  }
0x1e: {  	s7 =	smul.u32 @!p0 $0xF7A, s2;
	p2 =	seq.s32 @!p0 s5, $0x0  }
0x1f: {  	s9 =	smul.u32 $0xF7A, s1;
	s8 =	simm.s32 @!p0 $0x1BF5;
	p2 =	por !p2, p0  }
0x20: {  	[sflag:s8] =	ssyncset.s32 @!p0 $0xFFFFF086;
	s6 =	sadd.s32 @!p0 s3, s7;
	s7 =	simm.s32 @!p0 $0x108  }
0x21: {  	s3 =	sadd.s32 s3, s9;
	s6 =	sadd.s32 @!p0 $0x88, s6;
	s7 =	simm.s32 @p2 $0x1082  }
0x22: {  	[simem:s7], [sflag:s8] =	dma.local @!p0 [hbm:s6], $0xF7A  }
0x23: {  	s9 =	sor.u32 $0xD0000000, s2;
	s6 =	simm.s32 $0x108;
	_ =	swait.ge @!p0 [sflag:s8], $0x0  }
0x24: {  	s3 =	sadd.s32 $0x88, s3;
	s6 =	simm.s32 @!p1 $0x1082;
	[sflag:s4] =	ssyncset.s32 $0xFFFFF086  }
0x25: {  	[simem:s6], [sflag:s4] =	dma.local [hbm:s3], $0xF7A  }
0x26: {  	[smem:$0x3F9D] =	sst s1;
	(tag) =	ssettag s2;
	_ =	strace s9  }
0x27: {  	s1 =	sld [smem:$0x3FAD]  }
0x28: {  	s2 =	sld [smem:$0x3FAE]  }
0x29: {  	s4 =	sld [smem:$0x3FB0]  }
0x2a: {  	p0 =	seq.s32 s5, $0x0;
	s5 =	sld [smem:$0x3FB1]  }
0x2b: {  	s6 =	sld [smem:$0x3FB2]  }
0x2c: {  	s7 =	sld [smem:$0x3FB3]  }
0x2d: {  	s3 =	simm.s32 $0x108;
	s8 =	sld [smem:$0x3FB4]  }
0x2e: {  	s3 =	simm.s32 @!p0 $0x1082;
	s9 =	sld [smem:$0x3FB5]  }
0x2f: {  	lr =	sadd.s32 s0, s3;
	s0 =	sld [smem:$0x3FAC]  }
0x30: {  	s3 =	sld [smem:$0x3FAF]  }
0x31: {  	[smem:$0x3FB8] =	sst s10  }
0x32: {  	s10 =	sld [smem:$0x3FB6];
	_ =	sdelay $0x3  }
0x33: {  	p0 =	seq.s32 s10, $0x1;
	s10 =	sld [smem:$0x3FB8];
	_ =	sdelay $0x3  }
0x34: {  	[smem:$0x3FB8] =	sst s10  }
0x35: {  	s10 =	sld [smem:$0x3FB7];
	_ =	sdelay $0x3  }
0x36: {  	p1 =	seq.s32 s10, $0x1;
	s10 =	sld [smem:$0x3FB8];
	_ =	sdelay $0x3  }
0x37: {  	[smem:$0x3FB8] =	sst s10  }
0x38: {  	s10 =	sld [smem:$0x3FB9]  }
0x39: {  	_ = 	snop;
	(pc) =	sbr.ind lr, $3  }
0x3a: {  	_ = 	snop  }
0x3b: {  	_ = 	snop  }
0x3c: {  	p2 =	seq.s32 s10, $0x1;
	s10 =	sld [smem:$0x3FB8]  }
0x3d: {  	_ =	shalt  }
0x3e: {  	_ =	shalt  }
0x3f: {  	_ =	shalt  }
0x40: {  	_ =	shalt  }
0x41: {  	_ =	shalt  }
0x42: {  	_ =	shalt  }
0x43: {  	_ =	shalt  }
0x44: {  	_ =	shalt  }
0x45: {  	_ =	shalt  }
0x46: {  	_ =	shalt  }
0x47: {  	_ =	shalt  }
0x48: {  	_ =	shalt  }
0x49: {  	_ =	shalt  }
0x4a: {  	_ =	shalt  }
0x4b: {  	_ =	shalt  }
0x4c: {  	_ =	shalt  }
0x4d: {  	_ =	shalt  }
0x4e: {  	_ =	shalt  }
0x4f: {  	_ =	shalt  }
0x50: {  	_ =	shalt  }
0x51: {  	_ =	shalt  }
0x52: {  	_ =	shalt  }
0x53: {  	_ =	shalt  }
0x54: {  	_ =	shalt  }
0x55: {  	_ =	shalt  }
0x56: {  	_ =	shalt  }
0x57: {  	_ =	shalt  }
0x58: {  	_ =	shalt  }
0x59: {  	_ =	shalt  }
0x5a: {  	_ =	shalt  }
0x5b: {  	_ =	shalt  }
0x5c: {  	_ =	shalt  }
0x5d: {  	_ =	shalt  }
0x5e: {  	_ =	shalt  }
0x5f: {  	_ =	shalt  }
0x60: {  	_ =	shalt  }
0x61: {  	_ =	shalt  }
0x62: {  	_ =	shalt  }
0x63: {  	_ =	shalt  }
0x64: {  	_ =	shalt  }
0x65: {  	_ =	shalt  }
0x66: {  	_ =	shalt  }
0x67: {  	_ =	shalt  }
0x68: {  	_ =	shalt  }
0x69: {  	_ =	shalt  }
0x6a: {  	_ =	shalt  }
0x6b: {  	_ =	shalt  }
0x6c: {  	_ =	shalt  }
0x6d: {  	_ =	shalt  }
0x6e: {  	_ =	shalt  }
0x6f: {  	_ =	shalt  }
0x70: {  	_ =	shalt  }
0x71: {  	_ =	shalt  }
0x72: {  	_ =	shalt  }
0x73: {  	_ =	shalt  }
0x74: {  	_ =	shalt  }
0x75: {  	_ =	shalt  }
0x76: {  	_ =	shalt  }
0x77: {  	_ =	shalt  }
0x78: {  	_ =	shalt  }
0x79: {  	_ =	shalt  }
0x7a: {  	_ =	shalt  }
0x7b: {  	_ =	shalt  }
0x7c: {  	_ =	shalt  }
0x7d: {  	_ =	shalt  }
0x7e: {  	_ =	shalt  }
0x7f: {  	_ =	shalt  }
0x80: {  	_ =	shalt  }
0x81: {  	_ =	shalt  }
0x82: {  	_ =	shalt  }
0x83: {  	_ =	shalt  }
0x84: {  	_ =	shalt  }
0x85: {  	_ =	shalt  }
0x86: {  	_ =	shalt  }
0x87: {  	_ =	shalt  }
.Lfunc_end0:
.L_simem_size_0:
called_computation_lowered:
.L_overlay_start_0:
0x88: {  	s2 =	sld [smem:$0x3FD9]  }
0x89: {  	s3 =	sld [smem:$0x3FFE];
	_ =	sdelay $0x1  }
0x8a: {  	s1 =	srdreg.scid  }
0x8b: {  	s0 =	sand.u32 $0x1, s1  }
0x8c: {  	s17 =	sshll.u32 s0, $0xA;
	s2 =	sadd.s32 s3, s2  }
0x8d: {  	s2 =	sadd.s32 s2, s17  }
0x8e: {  	[smem:$0x3FC4] =	sst s2  }
0x8f: {  	_ = 	snop  }
0x90: {  	s2 =	sld [smem:$0x3FD0];
	(tm) =	ssettm $0x1  }
0x91: {  	s18 =	sld [smem:$0x3FFB];
	_ =	sdelay $0x3  }
0x92: {  	_ =	strace s18  }
0x93: {  	s3 =	sld [smem:$0x3FFC];
	_ =	sdelay $0x3  }
0x94: {  	_ =	strace s3  }
0x95: {  	s3 =	sld [smem:$0x3FFD];
	_ =	sdelay $0x3  }
0x96: {  	_ =	strace s3  }
0x97: {  	_ =	strace $0x8FFFFFFF  }
0x98: {  	s19 =	sld [smem:$0x3FDB];
	_ =	sdelay $0x1  }
0x99: {  	s4 =	simm.s32 $_scs_section_size  }
0x9a: {  	s5 =	simm.s32 $_size__tile_overlayer_lowered;
	s6 =	simm.s32 $_tile_overlayer_lowered  }
0x9b: {  	s22 =	simm.s32 $0x1BFF;
	s21 =	sshll.u32 s6, $0x1;
	s3 =	sadd.s32 s4, s19  }
0x9c: {  	s7 =	simm.s32 $0x0;
	s20 =	sshll.u32 s5, $0x1;
	s5 =	sadd.s32 s21, s3  }
0x9d: {  	[timem:s7], [sflag:s22] =	dma.local [hbm:s5], s20  }
0x9e: {  	_ =	swait.ge [sflag:s22], s20  }
0x9f: {  	s4 =	ssub.s32 $0x0, s20;
	[sflag:s22] =	ssyncset.done $0x0  }
0xa0: {  	[sflag:s22] =	ssyncadd.s32 s4;
	_ =	sdelay $0x1  }
0xa1: {  	s23 =	simm.s32 $0x1B8B  }
0xa2: {  	_ =	swait.ge [sflag:s23], $0x1  }
0xa3: {  	[sflag:s23] =	ssyncset.done $0x0  }
0xa4: {  	s25 =	simm.s32 $0x1B8E;
	s24 =	sld [smem:$0x3FFE];
	[sflag:s23] =	ssyncadd.s32 $0xFFFFFFFF  }
0xa5: {  	s26 =	simm.s32 $execute0_lowered;
	[smem:$0x3FD2] =	sst s25  }
0xa6: {  	s5 =	sshll.u32 s26, $0x1;
	_ =	strace $0x80000046;
	[dreg:$0x1] =	wrdreg $0xFFFFFFFF  }
0xa7: {  	s28 =	simm.s32 $_size_execute0_lowered;
	s3 =	sadd.s32 s3, s5;
	[dreg:$0x0] =	wrdreg $0x0  }
0xa8: {  	s5 =	sshll.u32 s28, $0x1;
	[dreg:$0x2] =	wrdreg s3  }
0xa9: {  	[dreg:$0x3] =	wrdreg s5  }
0xaa: {  	[dreg:$0x4] =	wrdreg $0xC0  }
0xab: {  	_ =	task [dreg:s7], $0x5FFFF  }
0xac: {  	[dreg:$0x1] =	wrdreg $0xFFFFFFFF  }
0xad: {  	[dreg:$0x0] =	wrdreg $0x60  }
0xae: {  	[dreg:$0x2] =	wrdreg s24  }
0xaf: {  	[dreg:$0x3] =	wrdreg s2  }
0xb0: {  	[dreg:$0x4] =	wrdreg $0x9  }
0xb1: {  	_ =	task.clear_ibuf [dreg:s7], $0x5FFFF;
	_ =	strace $0x90000046  }
0xb2: {  	s29 =	simm.s32 $0x9;
	_ =	strace $0x80000048  }
0xb3: {  	_ =	swait.ge [sflag:s29], $0x1  }
0xb4: {  	[sflag:s29] =	ssyncadd.s32 $0xFFFFFFFF  }
0xb5: {  	_ =	strace $0x90000048  }
0xb6: {  	_ =	sfence  }
0xb7: {  	s30 =	sld [smem:$0x0];
	_ =	sdelay $0x2  }
0xb8: {  	s31 =	sshll.u32 s1, $0xD;
	s1 =	sshrl.u32 s1, $0x2  }
0xb9: {  	s3 =	sand.u32 $0x4000, s31;
	s1 =	sadd.s32 s1, s30  }
0xba: {  	s0 =	sor.u32 s3, s0;
	s1 =	sshll.u32 s1, $0x11  }
0xbb: {  	s0 =	sor.u32 s1, s0  }
0xbc: {  	s0 =	sadd.s32 $0x8F2B, s0  }
0xbd: {  	[sflag:s0] =	ssyncadd.remote.s32 $0x1  }
0xbe: {  	_ =	sfence.sel $0xFFFF  }
0xbf: {  	[dreg:$0x0] =	wrdreg $0xFFFFFFFF;
	(pc) =	sbr.abs _section_cstart, $3  }
0xc0: {  	[dreg:$0x1] =	wrdreg $0xFFFFFFFF  }
0xc1: {  	_ =	task.clear_ibuf [dreg:s7], $0x2FFFF;
	_ =	strace $0x9FFFFFFF  }
0xc2: {  	(tm) =	ssettm $0x7FFFFFFF  }
0xc3: {  	_ =	shalt  }
tec
execute0_lowered:
.L_overlay_start_1:
0x0: {  	(tag) =	ssettag $0x1  }
0x1: {  	s5 =	rddreg [dreg:$0x0]  }
0x2: {  	s1 =	srdreg.scid;
	s0 =	stileid.u32  }
0x3: {  	s6 =	rddreg [dreg:$0x1];
	s2 =	simm.s32 $0x0;
	s10 =	simm.s32 $0xC8  }
0x4: {  	s11 =	simm.s32 $0x6400;
	s12 =	simm.s32 $0xC800;
	s13 =	simm.s32 $0x1  }
0x5: {  	s14 =	simm.s32 $0x12C00;
	s15 =	simm.s32 $0x2;
	s16 =	simm.s32 $0x16000  }
0x6: {  	s17 =	simm.s32 $0x3;
	s18 =	simm.s32 $0x4;
	s19 =	simm.s32 $0x0  }
0x7: {  	s7 =	sand.u32 $0x1, s1;
	s3 =	sshll.u32 s0, $0x1;
	s1 =	rddreg [dreg:$0x2]  }
.Ltmp0:
0x8: {  	[smem:$0x7FF] =	sst s2;
	s3 =	sor.u32 s7, s3;
	(pc) =	sbr.rel .LBB2_1-.Ltmp0, $4  }
0x9: {  	s4 =	sadd.s32 $0xC00, s5;
	s7 =	ssub.s32 $0x2, s7;
	s3 =	smul.u32 $0x6400, s3  }
0xa: {  	s5 =	sadd.s32 $0x14E00, s5;
	_ =	strace $0x80000047;
	s8 =	sshrl.u32 s7, $0x1  }
0xb: {  	s8 =	ssub.s32 s7, s8;
	s9 =	sshrl.u32 s3, $0x3;
	s7 =	sor.u32 $0xC8, s3  }
0xc: {  	s8 =	smax.u32 s8, $0x1;
	s6 =	sadd.s32 s6, s9;
	s9 =	simm.s32 $0x5  }
.LBB2_8:
0xd: {  	s19 =	sadd.s32 $0x1, s19  }
0xe: {  	_ =	swait.ge [sflag:s17], $0x3200;
	p0 =	sne.s32 s19, s8  }
.Ltmp1:
0xf: {  	[sflag:s17] =	ssyncset.done $0x0;
	(pc) =	sbr.rel @!p0 .LBB2_9-.Ltmp1, $4  }
0x10: {  	[sflag:s17] =	ssyncadd.s32 $0xFFFFCE00  }
0x11: {  	_ =	swait.ge [sflag:s18], $0x3200  }
0x12: {  	[sflag:s18] =	ssyncset.done $0x0  }
0x13: {  	[sflag:s18] =	ssyncadd.s32 $0xFFFFCE00  }
.LBB2_1:
0x14: {  	[tilespmem:s2], [sflag:$0x5] =	stream.linear.gather [hbm4b:s6+s2], $0x6400, $0x38;
	[tilespmem:$0x19400] =	vst v63  }
0x15: {  	_ =	swait.ge [sflag:s9], $0x6400  }
0x16: {  	[sflag:s9] =	ssyncset.done $0x0  }
0x17: {  	[sflag:s9] =	ssyncadd.s32 $0xFFFF9C00  }
0x18: {  	[tilespmem:s11], [sflag:$0x1] =	stream.indirect.gather [hbm4b:s4+s10], $0x80, s2, s10, $0xb8;
	[tilespmem:$0x19400] =	vst v63  }
0x19: {  	s20 =	simm.s32 $0x0  }
0x1a: {  	[tilespmem:s12], [sflag:$0x2] =	stream.indirect.gather [hbm4b:s4+s10], $0x80, s10, s10, $0xb8;
	[tilespmem:$0x19400] =	vst v63  }
.LBB2_2:
0x1b: {  	p0 =	seq.s32 s20, $0x0  }
0x1c: {  	s21 =	simm.s32 @!p0 $0x3  }
0x1d: {  	_ =	swait.ge @!p0 [sflag:s21], $0x3200  }
0x1e: {  	[sflag:s21] =	ssyncset.done @!p0 $0x0  }
0x1f: {  	[sflag:s21] =	ssyncadd.s32 @!p0 $0xFFFFCE00  }
0x20: {  	_ =	swait.ge [sflag:s13], $0x6400  }
0x21: {  	[sflag:s13] =	ssyncset.done $0x0  }
0x22: {  	s22 =	simm.s32 $0x6900;
	[sflag:s13] =	ssyncadd.s32 $0xFFFF9C00  }
0x23: {  	v0 =	vld [tilespmem:s22+$0xFFFFFB00];
	_ =	sdelay $0x3  }
0x24: {  	s21 =	simm.s32 $0x12E80  }
0x25: {  	[tilespmem:s21+$0xFFFFFD80] =	vst v0  }
0x26: {  	v0 =	vld [tilespmem:s22+$0xFFFFFB10];
	_ =	sdelay $0x4  }
0x27: {  	[tilespmem:s21+$0xFFFFFD90] =	vst v0  }
0x28: {  	v0 =	vld [tilespmem:s22+$0xFFFFFB20];
	_ =	sdelay $0x4  }
0x29: {  	[tilespmem:s21+$0xFFFFFDA0] =	vst v0  }
0x2a: {  	v0 =	vld [tilespmem:s22+$0xFFFFFB30];
	_ =	sdelay $0x4  }
0x2b: {  	[tilespmem:s21+$0xFFFFFDB0] =	vst v0  }
0x2c: {  	v0 =	vld [tilespmem:s22+$0xFFFFFB80];
	_ =	sdelay $0x4  }
0x2d: {  	[tilespmem:s21+$0xFFFFFDC0] =	vst v0  }
0x2e: {  	v0 =	vld [tilespmem:s22+$0xFFFFFB90];
	_ =	sdelay $0x4  }
0x2f: {  	[tilespmem:s21+$0xFFFFFDD0] =	vst v0  }
0x30: {  	v0 =	vld [tilespmem:s22+$0xFFFFFBA0];
	_ =	sdelay $0x4  }
0x31: {  	[tilespmem:s21+$0xFFFFFDE0] =	vst v0  }
0x32: {  	v0 =	vld [tilespmem:s22+$0xFFFFFBB0];
	_ =	sdelay $0x4  }
0x33: {  	[tilespmem:s21+$0xFFFFFDF0] =	vst v0  }
0x34: {  	v0 =	vld [tilespmem:s22+$0xFFFFFC00];
	_ =	sdelay $0x4  }
0x35: {  	[tilespmem:s21+$0xFFFFFE00] =	vst v0  }
0x36: {  	v0 =	vld [tilespmem:s22+$0xFFFFFC10];
	_ =	sdelay $0x4  }
0x37: {  	[tilespmem:s21+$0xFFFFFE10] =	vst v0  }
0x38: {  	v0 =	vld [tilespmem:s22+$0xFFFFFC20];
	_ =	sdelay $0x4  }
0x39: {  	[tilespmem:s21+$0xFFFFFE20] =	vst v0  }
0x3a: {  	v0 =	vld [tilespmem:s22+$0xFFFFFC30];
	_ =	sdelay $0x4  }
0x3b: {  	[tilespmem:s21+$0xFFFFFE30] =	vst v0  }
0x3c: {  	v0 =	vld [tilespmem:s22+$0xFFFFFC80];
	_ =	sdelay $0x4  }
0x3d: {  	[tilespmem:s21+$0xFFFFFE40] =	vst v0  }
0x3e: {  	v0 =	vld [tilespmem:s22+$0xFFFFFC90];
	_ =	sdelay $0x4  }
0x3f: {  	[tilespmem:s21+$0xFFFFFE50] =	vst v0  }
0x40: {  	v0 =	vld [tilespmem:s22+$0xFFFFFCA0];
	_ =	sdelay $0x4  }
0x41: {  	[tilespmem:s21+$0xFFFFFE60] =	vst v0  }
0x42: {  	v0 =	vld [tilespmem:s22+$0xFFFFFCB0];
	_ =	sdelay $0x4  }
0x43: {  	[tilespmem:s21+$0xFFFFFE70] =	vst v0  }
0x44: {  	v0 =	vld [tilespmem:s22+$0xFFFFFD00];
	_ =	sdelay $0x4  }
0x45: {  	[tilespmem:s21+$0xFFFFFE80] =	vst v0  }
0x46: {  	v0 =	vld [tilespmem:s22+$0xFFFFFD10];
	_ =	sdelay $0x4  }
0x47: {  	[tilespmem:s21+$0xFFFFFE90] =	vst v0  }
0x48: {  	v0 =	vld [tilespmem:s22+$0xFFFFFD20];
	_ =	sdelay $0x4  }
0x49: {  	[tilespmem:s21+$0xFFFFFEA0] =	vst v0  }
0x4a: {  	v0 =	vld [tilespmem:s22+$0xFFFFFD30];
	_ =	sdelay $0x4  }
0x4b: {  	[tilespmem:s21+$0xFFFFFEB0] =	vst v0  }
0x4c: {  	v0 =	vld [tilespmem:s22+$0xFFFFFD80];
	_ =	sdelay $0x4  }
0x4d: {  	[tilespmem:s21+$0xFFFFFEC0] =	vst v0  }
0x4e: {  	v0 =	vld [tilespmem:s22+$0xFFFFFD90];
	_ =	sdelay $0x4  }
0x4f: {  	[tilespmem:s21+$0xFFFFFED0] =	vst v0  }
0x50: {  	v0 =	vld [tilespmem:s22+$0xFFFFFDA0];
	_ =	sdelay $0x4  }
0x51: {  	[tilespmem:s21+$0xFFFFFEE0] =	vst v0  }
0x52: {  	v0 =	vld [tilespmem:s22+$0xFFFFFDB0];
	_ =	sdelay $0x4  }
0x53: {  	[tilespmem:s21+$0xFFFFFEF0] =	vst v0  }
0x54: {  	v0 =	vld [tilespmem:s22+$0xFFFFFE00];
	_ =	sdelay $0x4  }
0x55: {  	[tilespmem:s21+$0xFFFFFF00] =	vst v0  }
0x56: {  	v0 =	vld [tilespmem:s22+$0xFFFFFE10];
	_ =	sdelay $0x4  }
0x57: {  	[tilespmem:s21+$0xFFFFFF10] =	vst v0  }
0x58: {  	v0 =	vld [tilespmem:s22+$0xFFFFFE20];
	_ =	sdelay $0x4  }
0x59: {  	[tilespmem:s21+$0xFFFFFF20] =	vst v0  }
0x5a: {  	v0 =	vld [tilespmem:s22+$0xFFFFFE30];
	_ =	sdelay $0x4  }
0x5b: {  	[tilespmem:s21+$0xFFFFFF30] =	vst v0  }
0x5c: {  	v0 =	vld [tilespmem:s22+$0xFFFFFE80];
	_ =	sdelay $0x4  }
0x5d: {  	[tilespmem:s21+$0xFFFFFF40] =	vst v0  }
0x5e: {  	v0 =	vld [tilespmem:s22+$0xFFFFFE90];
	_ =	sdelay $0x4  }
0x5f: {  	[tilespmem:s21+$0xFFFFFF50] =	vst v0  }
0x60: {  	v0 =	vld [tilespmem:s22+$0xFFFFFEA0];
	_ =	sdelay $0x4  }
0x61: {  	[tilespmem:s21+$0xFFFFFF60] =	vst v0  }
0x62: {  	v0 =	vld [tilespmem:s22+$0xFFFFFEB0];
	_ =	sdelay $0x4  }
0x63: {  	[tilespmem:s21+$0xFFFFFF70] =	vst v0  }
0x64: {  	v0 =	vld [tilespmem:s22+$0xFFFFFF00];
	_ =	sdelay $0x4  }
0x65: {  	[tilespmem:s21+$0xFFFFFF80] =	vst v0  }
0x66: {  	v0 =	vld [tilespmem:s22+$0xFFFFFF10];
	_ =	sdelay $0x4  }
0x67: {  	[tilespmem:s21+$0xFFFFFF90] =	vst v0  }
0x68: {  	v0 =	vld [tilespmem:s22+$0xFFFFFF20];
	_ =	sdelay $0x4  }
0x69: {  	[tilespmem:s21+$0xFFFFFFA0] =	vst v0  }
0x6a: {  	v0 =	vld [tilespmem:s22+$0xFFFFFF30];
	_ =	sdelay $0x4  }
0x6b: {  	[tilespmem:s21+$0xFFFFFFB0] =	vst v0  }
0x6c: {  	v0 =	vld [tilespmem:s22+$0xFFFFFF80];
	_ =	sdelay $0x4  }
0x6d: {  	[tilespmem:s21+$0xFFFFFFC0] =	vst v0  }
0x6e: {  	v0 =	vld [tilespmem:s22+$0xFFFFFF90];
	_ =	sdelay $0x4  }
0x6f: {  	[tilespmem:s21+$0xFFFFFFD0] =	vst v0  }
0x70: {  	v0 =	vld [tilespmem:s22+$0xFFFFFFA0];
	_ =	sdelay $0x4  }
0x71: {  	[tilespmem:s21+$0xFFFFFFE0] =	vst v0  }
0x72: {  	v0 =	vld [tilespmem:s22+$0xFFFFFFB0];
	_ =	sdelay $0x4  }
0x73: {  	[tilespmem:s21+$0xFFFFFFF0] =	vst v0  }
0x74: {  	v0 =	vld [tilespmem:s22+$0x0];
	_ =	sdelay $0x4  }
0x75: {  	[tilespmem:s21+$0x0] =	vst v0  }
0x76: {  	v0 =	vld [tilespmem:s22+$0x10];
	_ =	sdelay $0x4  }
0x77: {  	[tilespmem:s21+$0x10] =	vst v0  }
0x78: {  	v0 =	vld [tilespmem:s22+$0x20];
	_ =	sdelay $0x4  }
0x79: {  	[tilespmem:s21+$0x20] =	vst v0  }
0x7a: {  	v0 =	vld [tilespmem:s22+$0x30];
	_ =	sdelay $0x4  }
0x7b: {  	[tilespmem:s21+$0x30] =	vst v0  }
0x7c: {  	v0 =	vld [tilespmem:s22+$0x80];
	_ =	sdelay $0x4  }
0x7d: {  	[tilespmem:s21+$0x40] =	vst v0  }
0x7e: {  	v0 =	vld [tilespmem:s22+$0x90];
	_ =	sdelay $0x4  }
0x7f: {  	[tilespmem:s21+$0x50] =	vst v0  }
0x80: {  	v0 =	vld [tilespmem:s22+$0xA0];
	_ =	sdelay $0x4  }
0x81: {  	[tilespmem:s21+$0x60] =	vst v0  }
0x82: {  	v0 =	vld [tilespmem:s22+$0xB0];
	_ =	sdelay $0x4  }
0x83: {  	[tilespmem:s21+$0x70] =	vst v0  }
0x84: {  	v0 =	vld [tilespmem:s22+$0x100];
	_ =	sdelay $0x4  }
0x85: {  	[tilespmem:s21+$0x80] =	vst v0  }
0x86: {  	v0 =	vld [tilespmem:s22+$0x110];
	_ =	sdelay $0x4  }
0x87: {  	[tilespmem:s21+$0x90] =	vst v0  }
0x88: {  	v0 =	vld [tilespmem:s22+$0x120];
	_ =	sdelay $0x4  }
0x89: {  	[tilespmem:s21+$0xA0] =	vst v0  }
0x8a: {  	v0 =	vld [tilespmem:s22+$0x130];
	_ =	sdelay $0x4  }
0x8b: {  	[tilespmem:s21+$0xB0] =	vst v0  }
0x8c: {  	v0 =	vld [tilespmem:s22+$0x180];
	_ =	sdelay $0x4  }
0x8d: {  	[tilespmem:s21+$0xC0] =	vst v0  }
0x8e: {  	v0 =	vld [tilespmem:s22+$0x190];
	_ =	sdelay $0x4  }
0x8f: {  	[tilespmem:s21+$0xD0] =	vst v0  }
0x90: {  	v0 =	vld [tilespmem:s22+$0x1A0];
	_ =	sdelay $0x4  }
0x91: {  	[tilespmem:s21+$0xE0] =	vst v0  }
0x92: {  	v0 =	vld [tilespmem:s22+$0x1B0];
	_ =	sdelay $0x4  }
0x93: {  	[tilespmem:s21+$0xF0] =	vst v0  }
0x94: {  	v0 =	vld [tilespmem:s22+$0x200];
	_ =	sdelay $0x4  }
0x95: {  	[tilespmem:s21+$0x100] =	vst v0  }
0x96: {  	v0 =	vld [tilespmem:s22+$0x210];
	_ =	sdelay $0x4  }
0x97: {  	[tilespmem:s21+$0x110] =	vst v0  }
0x98: {  	v0 =	vld [tilespmem:s22+$0x220];
	_ =	sdelay $0x4  }
0x99: {  	[tilespmem:s21+$0x120] =	vst v0  }
0x9a: {  	v0 =	vld [tilespmem:s22+$0x230];
	_ =	sdelay $0x4  }
0x9b: {  	[tilespmem:s21+$0x130] =	vst v0  }
0x9c: {  	v0 =	vld [tilespmem:s22+$0x280];
	_ =	sdelay $0x4  }
0x9d: {  	[tilespmem:s21+$0x140] =	vst v0  }
0x9e: {  	v0 =	vld [tilespmem:s22+$0x290];
	_ =	sdelay $0x4  }
0x9f: {  	[tilespmem:s21+$0x150] =	vst v0  }
0xa0: {  	v0 =	vld [tilespmem:s22+$0x2A0];
	_ =	sdelay $0x4  }
0xa1: {  	[tilespmem:s21+$0x160] =	vst v0  }
0xa2: {  	v0 =	vld [tilespmem:s22+$0x2B0];
	_ =	sdelay $0x4  }
0xa3: {  	[tilespmem:s21+$0x170] =	vst v0  }
0xa4: {  	v0 =	vld [tilespmem:s22+$0x300];
	_ =	sdelay $0x4  }
0xa5: {  	[tilespmem:s21+$0x180] =	vst v0  }
0xa6: {  	v0 =	vld [tilespmem:s22+$0x310];
	_ =	sdelay $0x4  }
0xa7: {  	[tilespmem:s21+$0x190] =	vst v0  }
0xa8: {  	v0 =	vld [tilespmem:s22+$0x320];
	_ =	sdelay $0x4  }
0xa9: {  	[tilespmem:s21+$0x1A0] =	vst v0  }
0xaa: {  	v0 =	vld [tilespmem:s22+$0x330];
	_ =	sdelay $0x4  }
0xab: {  	[tilespmem:s21+$0x1B0] =	vst v0  }
0xac: {  	v0 =	vld [tilespmem:s22+$0x380];
	_ =	sdelay $0x4  }
0xad: {  	[tilespmem:s21+$0x1C0] =	vst v0  }
0xae: {  	v0 =	vld [tilespmem:s22+$0x390];
	_ =	sdelay $0x4  }
0xaf: {  	[tilespmem:s21+$0x1D0] =	vst v0  }
0xb0: {  	v0 =	vld [tilespmem:s22+$0x3A0];
	_ =	sdelay $0x4  }
0xb1: {  	[tilespmem:s21+$0x1E0] =	vst v0  }
0xb2: {  	v0 =	vld [tilespmem:s22+$0x3B0];
	_ =	sdelay $0x4  }
0xb3: {  	[tilespmem:s21+$0x1F0] =	vst v0  }
0xb4: {  	v0 =	vld [tilespmem:s22+$0x400];
	_ =	sdelay $0x4  }
0xb5: {  	[tilespmem:s21+$0x200] =	vst v0  }
0xb6: {  	v0 =	vld [tilespmem:s22+$0x410];
	_ =	sdelay $0x4  }
0xb7: {  	[tilespmem:s21+$0x210] =	vst v0  }
0xb8: {  	v0 =	vld [tilespmem:s22+$0x420];
	_ =	sdelay $0x4  }
0xb9: {  	[tilespmem:s21+$0x220] =	vst v0  }
0xba: {  	v0 =	vld [tilespmem:s22+$0x430];
	_ =	sdelay $0x4  }
0xbb: {  	[tilespmem:s21+$0x230] =	vst v0  }
0xbc: {  	v0 =	vld [tilespmem:s22+$0x480];
	_ =	sdelay $0x4  }
0xbd: {  	[tilespmem:s21+$0x240] =	vst v0  }
0xbe: {  	v0 =	vld [tilespmem:s22+$0x490];
	_ =	sdelay $0x4  }
0xbf: {  	[tilespmem:s21+$0x250] =	vst v0  }
0xc0: {  	v0 =	vld [tilespmem:s22+$0x4A0];
	_ =	sdelay $0x4  }
0xc1: {  	[tilespmem:s21+$0x260] =	vst v0  }
0xc2: {  	v0 =	vld [tilespmem:s22+$0x4B0];
	_ =	sdelay $0x4  }
0xc3: {  	s23 =	simm.s32 $0x7300;
	s22 =	simm.s32 $0x0;
	[tilespmem:s21+$0x270] =	vst v0  }
.LBB2_3:
0xc4: {  	v0 =	vld [tilespmem:s23+$0xFFFFFB00];
	s22 =	sadd.s32 $0xA, s22  }
0xc5: {  	p0 =	slt.u32 s22, $0x5A;
	_ =	sdelay $0x2  }
0xc6: {  	s21 =	sadd.s32 $0x500, s21  }
0xc7: {  	[tilespmem:s21+$0xFFFFFD80] =	vst v0  }
0xc8: {  	v0 =	vld [tilespmem:s23+$0xFFFFFB10];
	_ =	sdelay $0x4  }
0xc9: {  	[tilespmem:s21+$0xFFFFFD90] =	vst v0  }
0xca: {  	v0 =	vld [tilespmem:s23+$0xFFFFFB20];
	_ =	sdelay $0x4  }
0xcb: {  	[tilespmem:s21+$0xFFFFFDA0] =	vst v0  }
0xcc: {  	v0 =	vld [tilespmem:s23+$0xFFFFFB30];
	_ =	sdelay $0x4  }
0xcd: {  	[tilespmem:s21+$0xFFFFFDB0] =	vst v0  }
0xce: {  	v0 =	vld [tilespmem:s23+$0xFFFFFB80];
	_ =	sdelay $0x4  }
0xcf: {  	[tilespmem:s21+$0xFFFFFDC0] =	vst v0  }
0xd0: {  	v0 =	vld [tilespmem:s23+$0xFFFFFB90];
	_ =	sdelay $0x4  }
0xd1: {  	[tilespmem:s21+$0xFFFFFDD0] =	vst v0  }
0xd2: {  	v0 =	vld [tilespmem:s23+$0xFFFFFBA0];
	_ =	sdelay $0x4  }
0xd3: {  	[tilespmem:s21+$0xFFFFFDE0] =	vst v0  }
0xd4: {  	v0 =	vld [tilespmem:s23+$0xFFFFFBB0];
	_ =	sdelay $0x4  }
0xd5: {  	[tilespmem:s21+$0xFFFFFDF0] =	vst v0  }
0xd6: {  	v0 =	vld [tilespmem:s23+$0xFFFFFC00];
	_ =	sdelay $0x4  }
0xd7: {  	[tilespmem:s21+$0xFFFFFE00] =	vst v0  }
0xd8: {  	v0 =	vld [tilespmem:s23+$0xFFFFFC10];
	_ =	sdelay $0x4  }
0xd9: {  	[tilespmem:s21+$0xFFFFFE10] =	vst v0  }
0xda: {  	v0 =	vld [tilespmem:s23+$0xFFFFFC20];
	_ =	sdelay $0x4  }
0xdb: {  	[tilespmem:s21+$0xFFFFFE20] =	vst v0  }
0xdc: {  	v0 =	vld [tilespmem:s23+$0xFFFFFC30];
	_ =	sdelay $0x4  }
0xdd: {  	[tilespmem:s21+$0xFFFFFE30] =	vst v0  }
0xde: {  	v0 =	vld [tilespmem:s23+$0xFFFFFC80];
	_ =	sdelay $0x4  }
0xdf: {  	[tilespmem:s21+$0xFFFFFE40] =	vst v0  }
0xe0: {  	v0 =	vld [tilespmem:s23+$0xFFFFFC90];
	_ =	sdelay $0x4  }
0xe1: {  	[tilespmem:s21+$0xFFFFFE50] =	vst v0  }
0xe2: {  	v0 =	vld [tilespmem:s23+$0xFFFFFCA0];
	_ =	sdelay $0x4  }
0xe3: {  	[tilespmem:s21+$0xFFFFFE60] =	vst v0  }
0xe4: {  	v0 =	vld [tilespmem:s23+$0xFFFFFCB0];
	_ =	sdelay $0x4  }
0xe5: {  	[tilespmem:s21+$0xFFFFFE70] =	vst v0  }
0xe6: {  	v0 =	vld [tilespmem:s23+$0xFFFFFD00];
	_ =	sdelay $0x4  }
0xe7: {  	[tilespmem:s21+$0xFFFFFE80] =	vst v0  }
0xe8: {  	v0 =	vld [tilespmem:s23+$0xFFFFFD10];
	_ =	sdelay $0x4  }
0xe9: {  	[tilespmem:s21+$0xFFFFFE90] =	vst v0  }
0xea: {  	v0 =	vld [tilespmem:s23+$0xFFFFFD20];
	_ =	sdelay $0x4  }
0xeb: {  	[tilespmem:s21+$0xFFFFFEA0] =	vst v0  }
0xec: {  	v0 =	vld [tilespmem:s23+$0xFFFFFD30];
	_ =	sdelay $0x4  }
0xed: {  	[tilespmem:s21+$0xFFFFFEB0] =	vst v0  }
0xee: {  	v0 =	vld [tilespmem:s23+$0xFFFFFD80];
	_ =	sdelay $0x4  }
0xef: {  	[tilespmem:s21+$0xFFFFFEC0] =	vst v0  }
0xf0: {  	v0 =	vld [tilespmem:s23+$0xFFFFFD90];
	_ =	sdelay $0x4  }
0xf1: {  	[tilespmem:s21+$0xFFFFFED0] =	vst v0  }
0xf2: {  	v0 =	vld [tilespmem:s23+$0xFFFFFDA0];
	_ =	sdelay $0x4  }
0xf3: {  	[tilespmem:s21+$0xFFFFFEE0] =	vst v0  }
0xf4: {  	v0 =	vld [tilespmem:s23+$0xFFFFFDB0];
	_ =	sdelay $0x4  }
0xf5: {  	[tilespmem:s21+$0xFFFFFEF0] =	vst v0  }
0xf6: {  	v0 =	vld [tilespmem:s23+$0xFFFFFE00];
	_ =	sdelay $0x4  }
0xf7: {  	[tilespmem:s21+$0xFFFFFF00] =	vst v0  }
0xf8: {  	v0 =	vld [tilespmem:s23+$0xFFFFFE10];
	_ =	sdelay $0x4  }
0xf9: {  	[tilespmem:s21+$0xFFFFFF10] =	vst v0  }
0xfa: {  	v0 =	vld [tilespmem:s23+$0xFFFFFE20];
	_ =	sdelay $0x4  }
0xfb: {  	[tilespmem:s21+$0xFFFFFF20] =	vst v0  }
0xfc: {  	v0 =	vld [tilespmem:s23+$0xFFFFFE30];
	_ =	sdelay $0x4  }
0xfd: {  	[tilespmem:s21+$0xFFFFFF30] =	vst v0  }
0xfe: {  	v0 =	vld [tilespmem:s23+$0xFFFFFE80];
	_ =	sdelay $0x4  }
0xff: {  	[tilespmem:s21+$0xFFFFFF40] =	vst v0  }
0x100: {  	v0 =	vld [tilespmem:s23+$0xFFFFFE90];
	_ =	sdelay $0x4  }
0x101: {  	[tilespmem:s21+$0xFFFFFF50] =	vst v0  }
0x102: {  	v0 =	vld [tilespmem:s23+$0xFFFFFEA0];
	_ =	sdelay $0x4  }
0x103: {  	[tilespmem:s21+$0xFFFFFF60] =	vst v0  }
0x104: {  	v0 =	vld [tilespmem:s23+$0xFFFFFEB0];
	_ =	sdelay $0x4  }
0x105: {  	[tilespmem:s21+$0xFFFFFF70] =	vst v0  }
0x106: {  	v0 =	vld [tilespmem:s23+$0xFFFFFF00];
	_ =	sdelay $0x4  }
0x107: {  	[tilespmem:s21+$0xFFFFFF80] =	vst v0  }
0x108: {  	v0 =	vld [tilespmem:s23+$0xFFFFFF10];
	_ =	sdelay $0x4  }
0x109: {  	[tilespmem:s21+$0xFFFFFF90] =	vst v0  }
0x10a: {  	v0 =	vld [tilespmem:s23+$0xFFFFFF20];
	_ =	sdelay $0x4  }
0x10b: {  	[tilespmem:s21+$0xFFFFFFA0] =	vst v0  }
0x10c: {  	v0 =	vld [tilespmem:s23+$0xFFFFFF30];
	_ =	sdelay $0x4  }
0x10d: {  	[tilespmem:s21+$0xFFFFFFB0] =	vst v0  }
0x10e: {  	v0 =	vld [tilespmem:s23+$0xFFFFFF80];
	_ =	sdelay $0x4  }
0x10f: {  	[tilespmem:s21+$0xFFFFFFC0] =	vst v0  }
0x110: {  	v0 =	vld [tilespmem:s23+$0xFFFFFF90];
	_ =	sdelay $0x4  }
0x111: {  	[tilespmem:s21+$0xFFFFFFD0] =	vst v0  }
0x112: {  	v0 =	vld [tilespmem:s23+$0xFFFFFFA0];
	_ =	sdelay $0x4  }
0x113: {  	[tilespmem:s21+$0xFFFFFFE0] =	vst v0  }
0x114: {  	v0 =	vld [tilespmem:s23+$0xFFFFFFB0];
	_ =	sdelay $0x4  }
0x115: {  	[tilespmem:s21+$0xFFFFFFF0] =	vst v0  }
0x116: {  	v0 =	vld [tilespmem:s23+$0x0];
	_ =	sdelay $0x4  }
0x117: {  	[tilespmem:s21+$0x0] =	vst v0  }
0x118: {  	v0 =	vld [tilespmem:s23+$0x10];
	_ =	sdelay $0x4  }
0x119: {  	[tilespmem:s21+$0x10] =	vst v0  }
0x11a: {  	v0 =	vld [tilespmem:s23+$0x20];
	_ =	sdelay $0x4  }
0x11b: {  	[tilespmem:s21+$0x20] =	vst v0  }
0x11c: {  	v0 =	vld [tilespmem:s23+$0x30];
	_ =	sdelay $0x4  }
0x11d: {  	[tilespmem:s21+$0x30] =	vst v0  }
0x11e: {  	v0 =	vld [tilespmem:s23+$0x80];
	_ =	sdelay $0x4  }
0x11f: {  	[tilespmem:s21+$0x40] =	vst v0  }
0x120: {  	v0 =	vld [tilespmem:s23+$0x90];
	_ =	sdelay $0x4  }
0x121: {  	[tilespmem:s21+$0x50] =	vst v0  }
0x122: {  	v0 =	vld [tilespmem:s23+$0xA0];
	_ =	sdelay $0x4  }
0x123: {  	[tilespmem:s21+$0x60] =	vst v0  }
0x124: {  	v0 =	vld [tilespmem:s23+$0xB0];
	_ =	sdelay $0x4  }
0x125: {  	[tilespmem:s21+$0x70] =	vst v0  }
0x126: {  	v0 =	vld [tilespmem:s23+$0x100];
	_ =	sdelay $0x4  }
0x127: {  	[tilespmem:s21+$0x80] =	vst v0  }
0x128: {  	v0 =	vld [tilespmem:s23+$0x110];
	_ =	sdelay $0x4  }
0x129: {  	[tilespmem:s21+$0x90] =	vst v0  }
0x12a: {  	v0 =	vld [tilespmem:s23+$0x120];
	_ =	sdelay $0x4  }
0x12b: {  	[tilespmem:s21+$0xA0] =	vst v0  }
0x12c: {  	v0 =	vld [tilespmem:s23+$0x130];
	_ =	sdelay $0x4  }
0x12d: {  	[tilespmem:s21+$0xB0] =	vst v0  }
0x12e: {  	v0 =	vld [tilespmem:s23+$0x180];
	_ =	sdelay $0x4  }
0x12f: {  	[tilespmem:s21+$0xC0] =	vst v0  }
0x130: {  	v0 =	vld [tilespmem:s23+$0x190];
	_ =	sdelay $0x4  }
0x131: {  	[tilespmem:s21+$0xD0] =	vst v0  }
0x132: {  	v0 =	vld [tilespmem:s23+$0x1A0];
	_ =	sdelay $0x4  }
0x133: {  	[tilespmem:s21+$0xE0] =	vst v0  }
0x134: {  	v0 =	vld [tilespmem:s23+$0x1B0];
	_ =	sdelay $0x4  }
0x135: {  	[tilespmem:s21+$0xF0] =	vst v0  }
0x136: {  	v0 =	vld [tilespmem:s23+$0x200];
	_ =	sdelay $0x4  }
0x137: {  	[tilespmem:s21+$0x100] =	vst v0  }
0x138: {  	v0 =	vld [tilespmem:s23+$0x210];
	_ =	sdelay $0x4  }
0x139: {  	[tilespmem:s21+$0x110] =	vst v0  }
0x13a: {  	v0 =	vld [tilespmem:s23+$0x220];
	_ =	sdelay $0x4  }
0x13b: {  	[tilespmem:s21+$0x120] =	vst v0  }
0x13c: {  	v0 =	vld [tilespmem:s23+$0x230];
	_ =	sdelay $0x4  }
0x13d: {  	[tilespmem:s21+$0x130] =	vst v0  }
0x13e: {  	v0 =	vld [tilespmem:s23+$0x280];
	_ =	sdelay $0x4  }
0x13f: {  	[tilespmem:s21+$0x140] =	vst v0  }
0x140: {  	v0 =	vld [tilespmem:s23+$0x290];
	_ =	sdelay $0x4  }
0x141: {  	[tilespmem:s21+$0x150] =	vst v0  }
0x142: {  	v0 =	vld [tilespmem:s23+$0x2A0];
	_ =	sdelay $0x4  }
0x143: {  	[tilespmem:s21+$0x160] =	vst v0  }
0x144: {  	v0 =	vld [tilespmem:s23+$0x2B0];
	_ =	sdelay $0x4  }
0x145: {  	[tilespmem:s21+$0x170] =	vst v0  }
0x146: {  	v0 =	vld [tilespmem:s23+$0x300];
	_ =	sdelay $0x4  }
0x147: {  	[tilespmem:s21+$0x180] =	vst v0  }
0x148: {  	v0 =	vld [tilespmem:s23+$0x310];
	_ =	sdelay $0x4  }
0x149: {  	[tilespmem:s21+$0x190] =	vst v0  }
0x14a: {  	v0 =	vld [tilespmem:s23+$0x320];
	_ =	sdelay $0x4  }
0x14b: {  	[tilespmem:s21+$0x1A0] =	vst v0  }
0x14c: {  	v0 =	vld [tilespmem:s23+$0x330];
	_ =	sdelay $0x4  }
0x14d: {  	[tilespmem:s21+$0x1B0] =	vst v0  }
0x14e: {  	v0 =	vld [tilespmem:s23+$0x380];
	_ =	sdelay $0x4  }
0x14f: {  	[tilespmem:s21+$0x1C0] =	vst v0  }
0x150: {  	v0 =	vld [tilespmem:s23+$0x390];
	_ =	sdelay $0x4  }
0x151: {  	[tilespmem:s21+$0x1D0] =	vst v0  }
0x152: {  	v0 =	vld [tilespmem:s23+$0x3A0];
	_ =	sdelay $0x4  }
0x153: {  	[tilespmem:s21+$0x1E0] =	vst v0  }
0x154: {  	v0 =	vld [tilespmem:s23+$0x3B0];
	_ =	sdelay $0x4  }
0x155: {  	[tilespmem:s21+$0x1F0] =	vst v0  }
0x156: {  	v0 =	vld [tilespmem:s23+$0x400];
	_ =	sdelay $0x4  }
0x157: {  	[tilespmem:s21+$0x200] =	vst v0  }
0x158: {  	v0 =	vld [tilespmem:s23+$0x410];
	_ =	sdelay $0x4  }
0x159: {  	[tilespmem:s21+$0x210] =	vst v0  }
0x15a: {  	v0 =	vld [tilespmem:s23+$0x420];
	_ =	sdelay $0x4  }
0x15b: {  	[tilespmem:s21+$0x220] =	vst v0  }
0x15c: {  	v0 =	vld [tilespmem:s23+$0x430];
	_ =	sdelay $0x4  }
0x15d: {  	[tilespmem:s21+$0x230] =	vst v0  }
0x15e: {  	v0 =	vld [tilespmem:s23+$0x480];
	_ =	sdelay $0x4  }
0x15f: {  	[tilespmem:s21+$0x240] =	vst v0  }
0x160: {  	v0 =	vld [tilespmem:s23+$0x490];
	_ =	sdelay $0x4  }
0x161: {  	[tilespmem:s21+$0x250] =	vst v0  }
0x162: {  	v0 =	vld [tilespmem:s23+$0x4A0];
	_ =	sdelay $0x4  }
0x163: {  	[tilespmem:s21+$0x260] =	vst v0  }
0x164: {  	v0 =	vld [tilespmem:s23+$0x4B0]  }
.Ltmp2:
0x165: {  	(pc) =	sbr.rel @p0 .LBB2_3-.Ltmp2, $2  }
0x166: {  	_ =	sdelay $0x2  }
0x167: {  	s23 =	sadd.s32 $0xA00, s23;
	[tilespmem:s21+$0x270] =	vst v0  }
0x168: {  	s21 =	smul.u32 $0x190, s20;
	_ =	sdelay $0x1  }
0x169: {  	s22 =	sadd.s32 s3, s21  }
0x16a: {  	s22 =	smulhi.u32 $0x51EB851F, s22;
	_ =	sdelay $0x1  }
0x16b: {  	s22 =	sshrl.u32 s22, $0x6  }
0x16c: {  	s22 =	smul.u32 $0x680, s22  }
0x16d: {  	p0 =	seq.s32 s20, $0x3F  }
0x16e: {  	s23 =	smul.u32 @!p0 $0x640, s20;
	s22 =	sadd.s32 s5, s22  }
0x16f: {  	[hbm4b:s22+s2] =	stream.linear.scatter [tilespmem:s14], [sflag:$0x3], $0x3200, $0x38;
	[tilespmem:$0x19400] =	vst v63  }
0x170: {  	p1 =	seq.s32 @!p0 s20, $0x0;
	s24 =	simm.s32 @!p0 $0x6400;
	s22 =	sshra.s32 @!p0 s23, $0x2  }
0x171: {  	p1 =	por p0, !p1;
	s23 =	simm.s32 @!p0 $0xC8;
	s22 =	sadd.s32 @!p0 $0x190, s22  }
0x172: {  	[tilespmem:s24], [sflag:$0x1] =	stream.indirect.gather @!p0 [hbm4b:s4+s23], $0x80, s22, s23, $0xb8;
	[tilespmem:$0x19400] =	vst v63  }
0x173: {  	_ =	swait.ge @p1 [sflag:s18], $0x3200  }
0x174: {  	[sflag:s18] =	ssyncset.done @p1 $0x0  }
0x175: {  	[sflag:s18] =	ssyncadd.s32 @p1 $0xFFFFCE00  }
0x176: {  	_ =	swait.ge [sflag:s15], $0x6400  }
0x177: {  	[sflag:s15] =	ssyncset.done $0x0  }
0x178: {  	s31 =	simm.s32 $0xCD00;
	[sflag:s15] =	ssyncadd.s32 $0xFFFF9C00  }
0x179: {  	v0 =	vld [tilespmem:s31+$0xFFFFFB00];
	_ =	sdelay $0x3  }
0x17a: {  	s22 =	simm.s32 $0x16280  }
0x17b: {  	[tilespmem:s22+$0xFFFFFD80] =	vst v0  }
0x17c: {  	v0 =	vld [tilespmem:s31+$0xFFFFFB10];
	_ =	sdelay $0x4  }
0x17d: {  	[tilespmem:s22+$0xFFFFFD90] =	vst v0  }
0x17e: {  	v0 =	vld [tilespmem:s31+$0xFFFFFB20];
	_ =	sdelay $0x4  }
0x17f: {  	[tilespmem:s22+$0xFFFFFDA0] =	vst v0  }
0x180: {  	v0 =	vld [tilespmem:s31+$0xFFFFFB30];
	_ =	sdelay $0x4  }
0x181: {  	[tilespmem:s22+$0xFFFFFDB0] =	vst v0  }
0x182: {  	v0 =	vld [tilespmem:s31+$0xFFFFFB80];
	_ =	sdelay $0x4  }
0x183: {  	[tilespmem:s22+$0xFFFFFDC0] =	vst v0  }
0x184: {  	v0 =	vld [tilespmem:s31+$0xFFFFFB90];
	_ =	sdelay $0x4  }
0x185: {  	[tilespmem:s22+$0xFFFFFDD0] =	vst v0  }
0x186: {  	v0 =	vld [tilespmem:s31+$0xFFFFFBA0];
	_ =	sdelay $0x4  }
0x187: {  	[tilespmem:s22+$0xFFFFFDE0] =	vst v0  }
0x188: {  	v0 =	vld [tilespmem:s31+$0xFFFFFBB0];
	_ =	sdelay $0x4  }
0x189: {  	[tilespmem:s22+$0xFFFFFDF0] =	vst v0  }
0x18a: {  	v0 =	vld [tilespmem:s31+$0xFFFFFC00];
	_ =	sdelay $0x4  }
0x18b: {  	[tilespmem:s22+$0xFFFFFE00] =	vst v0  }
0x18c: {  	v0 =	vld [tilespmem:s31+$0xFFFFFC10];
	_ =	sdelay $0x4  }
0x18d: {  	[tilespmem:s22+$0xFFFFFE10] =	vst v0  }
0x18e: {  	v0 =	vld [tilespmem:s31+$0xFFFFFC20];
	_ =	sdelay $0x4  }
0x18f: {  	[tilespmem:s22+$0xFFFFFE20] =	vst v0  }
0x190: {  	v0 =	vld [tilespmem:s31+$0xFFFFFC30];
	_ =	sdelay $0x4  }
0x191: {  	[tilespmem:s22+$0xFFFFFE30] =	vst v0  }
0x192: {  	v0 =	vld [tilespmem:s31+$0xFFFFFC80];
	_ =	sdelay $0x4  }
0x193: {  	[tilespmem:s22+$0xFFFFFE40] =	vst v0  }
0x194: {  	v0 =	vld [tilespmem:s31+$0xFFFFFC90];
	_ =	sdelay $0x4  }
0x195: {  	[tilespmem:s22+$0xFFFFFE50] =	vst v0  }
0x196: {  	v0 =	vld [tilespmem:s31+$0xFFFFFCA0];
	_ =	sdelay $0x4  }
0x197: {  	[tilespmem:s22+$0xFFFFFE60] =	vst v0  }
0x198: {  	v0 =	vld [tilespmem:s31+$0xFFFFFCB0];
	_ =	sdelay $0x4  }
0x199: {  	[tilespmem:s22+$0xFFFFFE70] =	vst v0  }
0x19a: {  	v0 =	vld [tilespmem:s31+$0xFFFFFD00];
	_ =	sdelay $0x4  }
0x19b: {  	[tilespmem:s22+$0xFFFFFE80] =	vst v0  }
0x19c: {  	v0 =	vld [tilespmem:s31+$0xFFFFFD10];
	_ =	sdelay $0x4  }
0x19d: {  	[tilespmem:s22+$0xFFFFFE90] =	vst v0  }
0x19e: {  	v0 =	vld [tilespmem:s31+$0xFFFFFD20];
	_ =	sdelay $0x4  }
0x19f: {  	[tilespmem:s22+$0xFFFFFEA0] =	vst v0  }
0x1a0: {  	v0 =	vld [tilespmem:s31+$0xFFFFFD30];
	_ =	sdelay $0x4  }
0x1a1: {  	[tilespmem:s22+$0xFFFFFEB0] =	vst v0  }
0x1a2: {  	v0 =	vld [tilespmem:s31+$0xFFFFFD80];
	_ =	sdelay $0x4  }
0x1a3: {  	[tilespmem:s22+$0xFFFFFEC0] =	vst v0  }
0x1a4: {  	v0 =	vld [tilespmem:s31+$0xFFFFFD90];
	_ =	sdelay $0x4  }
0x1a5: {  	[tilespmem:s22+$0xFFFFFED0] =	vst v0  }
0x1a6: {  	v0 =	vld [tilespmem:s31+$0xFFFFFDA0];
	_ =	sdelay $0x4  }
0x1a7: {  	[tilespmem:s22+$0xFFFFFEE0] =	vst v0  }
0x1a8: {  	v0 =	vld [tilespmem:s31+$0xFFFFFDB0];
	_ =	sdelay $0x4  }
0x1a9: {  	[tilespmem:s22+$0xFFFFFEF0] =	vst v0  }
0x1aa: {  	v0 =	vld [tilespmem:s31+$0xFFFFFE00];
	_ =	sdelay $0x4  }
0x1ab: {  	[tilespmem:s22+$0xFFFFFF00] =	vst v0  }
0x1ac: {  	v0 =	vld [tilespmem:s31+$0xFFFFFE10];
	_ =	sdelay $0x4  }
0x1ad: {  	[tilespmem:s22+$0xFFFFFF10] =	vst v0  }
0x1ae: {  	v0 =	vld [tilespmem:s31+$0xFFFFFE20];
	_ =	sdelay $0x4  }
0x1af: {  	[tilespmem:s22+$0xFFFFFF20] =	vst v0  }
0x1b0: {  	v0 =	vld [tilespmem:s31+$0xFFFFFE30];
	_ =	sdelay $0x4  }
0x1b1: {  	[tilespmem:s22+$0xFFFFFF30] =	vst v0  }
0x1b2: {  	v0 =	vld [tilespmem:s31+$0xFFFFFE80];
	_ =	sdelay $0x4  }
0x1b3: {  	[tilespmem:s22+$0xFFFFFF40] =	vst v0  }
0x1b4: {  	v0 =	vld [tilespmem:s31+$0xFFFFFE90];
	_ =	sdelay $0x4  }
0x1b5: {  	[tilespmem:s22+$0xFFFFFF50] =	vst v0  }
0x1b6: {  	v0 =	vld [tilespmem:s31+$0xFFFFFEA0];
	_ =	sdelay $0x4  }
0x1b7: {  	[tilespmem:s22+$0xFFFFFF60] =	vst v0  }
0x1b8: {  	v0 =	vld [tilespmem:s31+$0xFFFFFEB0];
	_ =	sdelay $0x4  }
0x1b9: {  	[tilespmem:s22+$0xFFFFFF70] =	vst v0  }
0x1ba: {  	v0 =	vld [tilespmem:s31+$0xFFFFFF00];
	_ =	sdelay $0x4  }
0x1bb: {  	[tilespmem:s22+$0xFFFFFF80] =	vst v0  }
0x1bc: {  	v0 =	vld [tilespmem:s31+$0xFFFFFF10];
	_ =	sdelay $0x4  }
0x1bd: {  	[tilespmem:s22+$0xFFFFFF90] =	vst v0  }
0x1be: {  	v0 =	vld [tilespmem:s31+$0xFFFFFF20];
	_ =	sdelay $0x4  }
0x1bf: {  	[tilespmem:s22+$0xFFFFFFA0] =	vst v0  }
0x1c0: {  	v0 =	vld [tilespmem:s31+$0xFFFFFF30];
	_ =	sdelay $0x4  }
0x1c1: {  	[tilespmem:s22+$0xFFFFFFB0] =	vst v0  }
0x1c2: {  	v0 =	vld [tilespmem:s31+$0xFFFFFF80];
	_ =	sdelay $0x4  }
0x1c3: {  	[tilespmem:s22+$0xFFFFFFC0] =	vst v0  }
0x1c4: {  	v0 =	vld [tilespmem:s31+$0xFFFFFF90];
	_ =	sdelay $0x4  }
0x1c5: {  	[tilespmem:s22+$0xFFFFFFD0] =	vst v0  }
0x1c6: {  	v0 =	vld [tilespmem:s31+$0xFFFFFFA0];
	_ =	sdelay $0x4  }
0x1c7: {  	[tilespmem:s22+$0xFFFFFFE0] =	vst v0  }
0x1c8: {  	v0 =	vld [tilespmem:s31+$0xFFFFFFB0];
	_ =	sdelay $0x4  }
0x1c9: {  	[tilespmem:s22+$0xFFFFFFF0] =	vst v0  }
0x1ca: {  	v0 =	vld [tilespmem:s31+$0x0];
	_ =	sdelay $0x4  }
0x1cb: {  	[tilespmem:s22+$0x0] =	vst v0  }
0x1cc: {  	v0 =	vld [tilespmem:s31+$0x10];
	_ =	sdelay $0x4  }
0x1cd: {  	[tilespmem:s22+$0x10] =	vst v0  }
0x1ce: {  	v0 =	vld [tilespmem:s31+$0x20];
	_ =	sdelay $0x4  }
0x1cf: {  	[tilespmem:s22+$0x20] =	vst v0  }
0x1d0: {  	v0 =	vld [tilespmem:s31+$0x30];
	_ =	sdelay $0x4  }
0x1d1: {  	[tilespmem:s22+$0x30] =	vst v0  }
0x1d2: {  	v0 =	vld [tilespmem:s31+$0x80];
	_ =	sdelay $0x4  }
0x1d3: {  	[tilespmem:s22+$0x40] =	vst v0  }
0x1d4: {  	v0 =	vld [tilespmem:s31+$0x90];
	_ =	sdelay $0x4  }
0x1d5: {  	[tilespmem:s22+$0x50] =	vst v0  }
0x1d6: {  	v0 =	vld [tilespmem:s31+$0xA0];
	_ =	sdelay $0x4  }
0x1d7: {  	[tilespmem:s22+$0x60] =	vst v0  }
0x1d8: {  	v0 =	vld [tilespmem:s31+$0xB0];
	_ =	sdelay $0x4  }
0x1d9: {  	[tilespmem:s22+$0x70] =	vst v0  }
0x1da: {  	v0 =	vld [tilespmem:s31+$0x100];
	_ =	sdelay $0x4  }
0x1db: {  	[tilespmem:s22+$0x80] =	vst v0  }
0x1dc: {  	v0 =	vld [tilespmem:s31+$0x110];
	_ =	sdelay $0x4  }
0x1dd: {  	[tilespmem:s22+$0x90] =	vst v0  }
0x1de: {  	v0 =	vld [tilespmem:s31+$0x120];
	_ =	sdelay $0x4  }
0x1df: {  	[tilespmem:s22+$0xA0] =	vst v0  }
0x1e0: {  	v0 =	vld [tilespmem:s31+$0x130];
	_ =	sdelay $0x4  }
0x1e1: {  	[tilespmem:s22+$0xB0] =	vst v0  }
0x1e2: {  	v0 =	vld [tilespmem:s31+$0x180];
	_ =	sdelay $0x4  }
0x1e3: {  	[tilespmem:s22+$0xC0] =	vst v0  }
0x1e4: {  	v0 =	vld [tilespmem:s31+$0x190];
	_ =	sdelay $0x4  }
0x1e5: {  	[tilespmem:s22+$0xD0] =	vst v0  }
0x1e6: {  	v0 =	vld [tilespmem:s31+$0x1A0];
	_ =	sdelay $0x4  }
0x1e7: {  	[tilespmem:s22+$0xE0] =	vst v0  }
0x1e8: {  	v0 =	vld [tilespmem:s31+$0x1B0];
	_ =	sdelay $0x4  }
0x1e9: {  	[tilespmem:s22+$0xF0] =	vst v0  }
0x1ea: {  	v0 =	vld [tilespmem:s31+$0x200];
	_ =	sdelay $0x4  }
0x1eb: {  	[tilespmem:s22+$0x100] =	vst v0  }
0x1ec: {  	v0 =	vld [tilespmem:s31+$0x210];
	_ =	sdelay $0x4  }
0x1ed: {  	[tilespmem:s22+$0x110] =	vst v0  }
0x1ee: {  	v0 =	vld [tilespmem:s31+$0x220];
	_ =	sdelay $0x4  }
0x1ef: {  	[tilespmem:s22+$0x120] =	vst v0  }
0x1f0: {  	v0 =	vld [tilespmem:s31+$0x230];
	_ =	sdelay $0x4  }
0x1f1: {  	[tilespmem:s22+$0x130] =	vst v0  }
0x1f2: {  	v0 =	vld [tilespmem:s31+$0x280];
	_ =	sdelay $0x4  }
0x1f3: {  	[tilespmem:s22+$0x140] =	vst v0  }
0x1f4: {  	v0 =	vld [tilespmem:s31+$0x290];
	_ =	sdelay $0x4  }
0x1f5: {  	[tilespmem:s22+$0x150] =	vst v0  }
0x1f6: {  	v0 =	vld [tilespmem:s31+$0x2A0];
	_ =	sdelay $0x4  }
0x1f7: {  	[tilespmem:s22+$0x160] =	vst v0  }
0x1f8: {  	v0 =	vld [tilespmem:s31+$0x2B0];
	_ =	sdelay $0x4  }
0x1f9: {  	[tilespmem:s22+$0x170] =	vst v0  }
0x1fa: {  	v0 =	vld [tilespmem:s31+$0x300];
	_ =	sdelay $0x4  }
0x1fb: {  	[tilespmem:s22+$0x180] =	vst v0  }
0x1fc: {  	v0 =	vld [tilespmem:s31+$0x310];
	_ =	sdelay $0x4  }
0x1fd: {  	[tilespmem:s22+$0x190] =	vst v0  }
0x1fe: {  	v0 =	vld [tilespmem:s31+$0x320];
	_ =	sdelay $0x4  }
0x1ff: {  	[tilespmem:s22+$0x1A0] =	vst v0  }
0x200: {  	v0 =	vld [tilespmem:s31+$0x330];
	_ =	sdelay $0x4  }
0x201: {  	[tilespmem:s22+$0x1B0] =	vst v0  }
0x202: {  	v0 =	vld [tilespmem:s31+$0x380];
	_ =	sdelay $0x4  }
0x203: {  	[tilespmem:s22+$0x1C0] =	vst v0  }
0x204: {  	v0 =	vld [tilespmem:s31+$0x390];
	_ =	sdelay $0x4  }
0x205: {  	[tilespmem:s22+$0x1D0] =	vst v0  }
0x206: {  	v0 =	vld [tilespmem:s31+$0x3A0];
	_ =	sdelay $0x4  }
0x207: {  	[tilespmem:s22+$0x1E0] =	vst v0  }
0x208: {  	v0 =	vld [tilespmem:s31+$0x3B0];
	_ =	sdelay $0x4  }
0x209: {  	[tilespmem:s22+$0x1F0] =	vst v0  }
0x20a: {  	v0 =	vld [tilespmem:s31+$0x400];
	_ =	sdelay $0x4  }
0x20b: {  	[tilespmem:s22+$0x200] =	vst v0  }
0x20c: {  	v0 =	vld [tilespmem:s31+$0x410];
	_ =	sdelay $0x4  }
0x20d: {  	[tilespmem:s22+$0x210] =	vst v0  }
0x20e: {  	v0 =	vld [tilespmem:s31+$0x420];
	_ =	sdelay $0x4  }
0x20f: {  	[tilespmem:s22+$0x220] =	vst v0  }
0x210: {  	v0 =	vld [tilespmem:s31+$0x430];
	_ =	sdelay $0x4  }
0x211: {  	[tilespmem:s22+$0x230] =	vst v0  }
0x212: {  	v0 =	vld [tilespmem:s31+$0x480];
	_ =	sdelay $0x4  }
0x213: {  	[tilespmem:s22+$0x240] =	vst v0  }
0x214: {  	v0 =	vld [tilespmem:s31+$0x490];
	_ =	sdelay $0x4  }
0x215: {  	[tilespmem:s22+$0x250] =	vst v0  }
0x216: {  	v0 =	vld [tilespmem:s31+$0x4A0];
	_ =	sdelay $0x4  }
0x217: {  	[tilespmem:s22+$0x260] =	vst v0  }
0x218: {  	v0 =	vld [tilespmem:s31+$0x4B0];
	_ =	sdelay $0x4  }
0x219: {  	s23 =	simm.s32 $0x0;
	s24 =	simm.s32 $0xD700;
	[tilespmem:s22+$0x270] =	vst v0  }
.LBB2_5:
0x21a: {  	v0 =	vld [tilespmem:s24+$0xFFFFFB00];
	s23 =	sadd.s32 $0xA, s23  }
0x21b: {  	p1 =	slt.u32 s23, $0x5A;
	_ =	sdelay $0x2  }
0x21c: {  	s22 =	sadd.s32 $0x500, s22  }
0x21d: {  	[tilespmem:s22+$0xFFFFFD80] =	vst v0  }
0x21e: {  	v0 =	vld [tilespmem:s24+$0xFFFFFB10];
	_ =	sdelay $0x4  }
0x21f: {  	[tilespmem:s22+$0xFFFFFD90] =	vst v0  }
0x220: {  	v0 =	vld [tilespmem:s24+$0xFFFFFB20];
	_ =	sdelay $0x4  }
0x221: {  	[tilespmem:s22+$0xFFFFFDA0] =	vst v0  }
0x222: {  	v0 =	vld [tilespmem:s24+$0xFFFFFB30];
	_ =	sdelay $0x4  }
0x223: {  	[tilespmem:s22+$0xFFFFFDB0] =	vst v0  }
0x224: {  	v0 =	vld [tilespmem:s24+$0xFFFFFB80];
	_ =	sdelay $0x4  }
0x225: {  	[tilespmem:s22+$0xFFFFFDC0] =	vst v0  }
0x226: {  	v0 =	vld [tilespmem:s24+$0xFFFFFB90];
	_ =	sdelay $0x4  }
0x227: {  	[tilespmem:s22+$0xFFFFFDD0] =	vst v0  }
0x228: {  	v0 =	vld [tilespmem:s24+$0xFFFFFBA0];
	_ =	sdelay $0x4  }
0x229: {  	[tilespmem:s22+$0xFFFFFDE0] =	vst v0  }
0x22a: {  	v0 =	vld [tilespmem:s24+$0xFFFFFBB0];
	_ =	sdelay $0x4  }
0x22b: {  	[tilespmem:s22+$0xFFFFFDF0] =	vst v0  }
0x22c: {  	v0 =	vld [tilespmem:s24+$0xFFFFFC00];
	_ =	sdelay $0x4  }
0x22d: {  	[tilespmem:s22+$0xFFFFFE00] =	vst v0  }
0x22e: {  	v0 =	vld [tilespmem:s24+$0xFFFFFC10];
	_ =	sdelay $0x4  }
0x22f: {  	[tilespmem:s22+$0xFFFFFE10] =	vst v0  }
0x230: {  	v0 =	vld [tilespmem:s24+$0xFFFFFC20];
	_ =	sdelay $0x4  }
0x231: {  	[tilespmem:s22+$0xFFFFFE20] =	vst v0  }
0x232: {  	v0 =	vld [tilespmem:s24+$0xFFFFFC30];
	_ =	sdelay $0x4  }
0x233: {  	[tilespmem:s22+$0xFFFFFE30] =	vst v0  }
0x234: {  	v0 =	vld [tilespmem:s24+$0xFFFFFC80];
	_ =	sdelay $0x4  }
0x235: {  	[tilespmem:s22+$0xFFFFFE40] =	vst v0  }
0x236: {  	v0 =	vld [tilespmem:s24+$0xFFFFFC90];
	_ =	sdelay $0x4  }
0x237: {  	[tilespmem:s22+$0xFFFFFE50] =	vst v0  }
0x238: {  	v0 =	vld [tilespmem:s24+$0xFFFFFCA0];
	_ =	sdelay $0x4  }
0x239: {  	[tilespmem:s22+$0xFFFFFE60] =	vst v0  }
0x23a: {  	v0 =	vld [tilespmem:s24+$0xFFFFFCB0];
	_ =	sdelay $0x4  }
0x23b: {  	[tilespmem:s22+$0xFFFFFE70] =	vst v0  }
0x23c: {  	v0 =	vld [tilespmem:s24+$0xFFFFFD00];
	_ =	sdelay $0x4  }
0x23d: {  	[tilespmem:s22+$0xFFFFFE80] =	vst v0  }
0x23e: {  	v0 =	vld [tilespmem:s24+$0xFFFFFD10];
	_ =	sdelay $0x4  }
0x23f: {  	[tilespmem:s22+$0xFFFFFE90] =	vst v0  }
0x240: {  	v0 =	vld [tilespmem:s24+$0xFFFFFD20];
	_ =	sdelay $0x4  }
0x241: {  	[tilespmem:s22+$0xFFFFFEA0] =	vst v0  }
0x242: {  	v0 =	vld [tilespmem:s24+$0xFFFFFD30];
	_ =	sdelay $0x4  }
0x243: {  	[tilespmem:s22+$0xFFFFFEB0] =	vst v0  }
0x244: {  	v0 =	vld [tilespmem:s24+$0xFFFFFD80];
	_ =	sdelay $0x4  }
0x245: {  	[tilespmem:s22+$0xFFFFFEC0] =	vst v0  }
0x246: {  	v0 =	vld [tilespmem:s24+$0xFFFFFD90];
	_ =	sdelay $0x4  }
0x247: {  	[tilespmem:s22+$0xFFFFFED0] =	vst v0  }
0x248: {  	v0 =	vld [tilespmem:s24+$0xFFFFFDA0];
	_ =	sdelay $0x4  }
0x249: {  	[tilespmem:s22+$0xFFFFFEE0] =	vst v0  }
0x24a: {  	v0 =	vld [tilespmem:s24+$0xFFFFFDB0];
	_ =	sdelay $0x4  }
0x24b: {  	[tilespmem:s22+$0xFFFFFEF0] =	vst v0  }
0x24c: {  	v0 =	vld [tilespmem:s24+$0xFFFFFE00];
	_ =	sdelay $0x4  }
0x24d: {  	[tilespmem:s22+$0xFFFFFF00] =	vst v0  }
0x24e: {  	v0 =	vld [tilespmem:s24+$0xFFFFFE10];
	_ =	sdelay $0x4  }
0x24f: {  	[tilespmem:s22+$0xFFFFFF10] =	vst v0  }
0x250: {  	v0 =	vld [tilespmem:s24+$0xFFFFFE20];
	_ =	sdelay $0x4  }
0x251: {  	[tilespmem:s22+$0xFFFFFF20] =	vst v0  }
0x252: {  	v0 =	vld [tilespmem:s24+$0xFFFFFE30];
	_ =	sdelay $0x4  }
0x253: {  	[tilespmem:s22+$0xFFFFFF30] =	vst v0  }
0x254: {  	v0 =	vld [tilespmem:s24+$0xFFFFFE80];
	_ =	sdelay $0x4  }
0x255: {  	[tilespmem:s22+$0xFFFFFF40] =	vst v0  }
0x256: {  	v0 =	vld [tilespmem:s24+$0xFFFFFE90];
	_ =	sdelay $0x4  }
0x257: {  	[tilespmem:s22+$0xFFFFFF50] =	vst v0  }
0x258: {  	v0 =	vld [tilespmem:s24+$0xFFFFFEA0];
	_ =	sdelay $0x4  }
0x259: {  	[tilespmem:s22+$0xFFFFFF60] =	vst v0  }
0x25a: {  	v0 =	vld [tilespmem:s24+$0xFFFFFEB0];
	_ =	sdelay $0x4  }
0x25b: {  	[tilespmem:s22+$0xFFFFFF70] =	vst v0  }
0x25c: {  	v0 =	vld [tilespmem:s24+$0xFFFFFF00];
	_ =	sdelay $0x4  }
0x25d: {  	[tilespmem:s22+$0xFFFFFF80] =	vst v0  }
0x25e: {  	v0 =	vld [tilespmem:s24+$0xFFFFFF10];
	_ =	sdelay $0x4  }
0x25f: {  	[tilespmem:s22+$0xFFFFFF90] =	vst v0  }
0x260: {  	v0 =	vld [tilespmem:s24+$0xFFFFFF20];
	_ =	sdelay $0x4  }
0x261: {  	[tilespmem:s22+$0xFFFFFFA0] =	vst v0  }
0x262: {  	v0 =	vld [tilespmem:s24+$0xFFFFFF30];
	_ =	sdelay $0x4  }
0x263: {  	[tilespmem:s22+$0xFFFFFFB0] =	vst v0  }
0x264: {  	v0 =	vld [tilespmem:s24+$0xFFFFFF80];
	_ =	sdelay $0x4  }
0x265: {  	[tilespmem:s22+$0xFFFFFFC0] =	vst v0  }
0x266: {  	v0 =	vld [tilespmem:s24+$0xFFFFFF90];
	_ =	sdelay $0x4  }
0x267: {  	[tilespmem:s22+$0xFFFFFFD0] =	vst v0  }
0x268: {  	v0 =	vld [tilespmem:s24+$0xFFFFFFA0];
	_ =	sdelay $0x4  }
0x269: {  	[tilespmem:s22+$0xFFFFFFE0] =	vst v0  }
0x26a: {  	v0 =	vld [tilespmem:s24+$0xFFFFFFB0];
	_ =	sdelay $0x4  }
0x26b: {  	[tilespmem:s22+$0xFFFFFFF0] =	vst v0  }
0x26c: {  	v0 =	vld [tilespmem:s24+$0x0];
	_ =	sdelay $0x4  }
0x26d: {  	[tilespmem:s22+$0x0] =	vst v0  }
0x26e: {  	v0 =	vld [tilespmem:s24+$0x10];
	_ =	sdelay $0x4  }
0x26f: {  	[tilespmem:s22+$0x10] =	vst v0  }
0x270: {  	v0 =	vld [tilespmem:s24+$0x20];
	_ =	sdelay $0x4  }
0x271: {  	[tilespmem:s22+$0x20] =	vst v0  }
0x272: {  	v0 =	vld [tilespmem:s24+$0x30];
	_ =	sdelay $0x4  }
0x273: {  	[tilespmem:s22+$0x30] =	vst v0  }
0x274: {  	v0 =	vld [tilespmem:s24+$0x80];
	_ =	sdelay $0x4  }
0x275: {  	[tilespmem:s22+$0x40] =	vst v0  }
0x276: {  	v0 =	vld [tilespmem:s24+$0x90];
	_ =	sdelay $0x4  }
0x277: {  	[tilespmem:s22+$0x50] =	vst v0  }
0x278: {  	v0 =	vld [tilespmem:s24+$0xA0];
	_ =	sdelay $0x4  }
0x279: {  	[tilespmem:s22+$0x60] =	vst v0  }
0x27a: {  	v0 =	vld [tilespmem:s24+$0xB0];
	_ =	sdelay $0x4  }
0x27b: {  	[tilespmem:s22+$0x70] =	vst v0  }
0x27c: {  	v0 =	vld [tilespmem:s24+$0x100];
	_ =	sdelay $0x4  }
0x27d: {  	[tilespmem:s22+$0x80] =	vst v0  }
0x27e: {  	v0 =	vld [tilespmem:s24+$0x110];
	_ =	sdelay $0x4  }
0x27f: {  	[tilespmem:s22+$0x90] =	vst v0  }
0x280: {  	v0 =	vld [tilespmem:s24+$0x120];
	_ =	sdelay $0x4  }
0x281: {  	[tilespmem:s22+$0xA0] =	vst v0  }
0x282: {  	v0 =	vld [tilespmem:s24+$0x130];
	_ =	sdelay $0x4  }
0x283: {  	[tilespmem:s22+$0xB0] =	vst v0  }
0x284: {  	v0 =	vld [tilespmem:s24+$0x180];
	_ =	sdelay $0x4  }
0x285: {  	[tilespmem:s22+$0xC0] =	vst v0  }
0x286: {  	v0 =	vld [tilespmem:s24+$0x190];
	_ =	sdelay $0x4  }
0x287: {  	[tilespmem:s22+$0xD0] =	vst v0  }
0x288: {  	v0 =	vld [tilespmem:s24+$0x1A0];
	_ =	sdelay $0x4  }
0x289: {  	[tilespmem:s22+$0xE0] =	vst v0  }
0x28a: {  	v0 =	vld [tilespmem:s24+$0x1B0];
	_ =	sdelay $0x4  }
0x28b: {  	[tilespmem:s22+$0xF0] =	vst v0  }
0x28c: {  	v0 =	vld [tilespmem:s24+$0x200];
	_ =	sdelay $0x4  }
0x28d: {  	[tilespmem:s22+$0x100] =	vst v0  }
0x28e: {  	v0 =	vld [tilespmem:s24+$0x210];
	_ =	sdelay $0x4  }
0x28f: {  	[tilespmem:s22+$0x110] =	vst v0  }
0x290: {  	v0 =	vld [tilespmem:s24+$0x220];
	_ =	sdelay $0x4  }
0x291: {  	[tilespmem:s22+$0x120] =	vst v0  }
0x292: {  	v0 =	vld [tilespmem:s24+$0x230];
	_ =	sdelay $0x4  }
0x293: {  	[tilespmem:s22+$0x130] =	vst v0  }
0x294: {  	v0 =	vld [tilespmem:s24+$0x280];
	_ =	sdelay $0x4  }
0x295: {  	[tilespmem:s22+$0x140] =	vst v0  }
0x296: {  	v0 =	vld [tilespmem:s24+$0x290];
	_ =	sdelay $0x4  }
0x297: {  	[tilespmem:s22+$0x150] =	vst v0  }
0x298: {  	v0 =	vld [tilespmem:s24+$0x2A0];
	_ =	sdelay $0x4  }
0x299: {  	[tilespmem:s22+$0x160] =	vst v0  }
0x29a: {  	v0 =	vld [tilespmem:s24+$0x2B0];
	_ =	sdelay $0x4  }
0x29b: {  	[tilespmem:s22+$0x170] =	vst v0  }
0x29c: {  	v0 =	vld [tilespmem:s24+$0x300];
	_ =	sdelay $0x4  }
0x29d: {  	[tilespmem:s22+$0x180] =	vst v0  }
0x29e: {  	v0 =	vld [tilespmem:s24+$0x310];
	_ =	sdelay $0x4  }
0x29f: {  	[tilespmem:s22+$0x190] =	vst v0  }
0x2a0: {  	v0 =	vld [tilespmem:s24+$0x320];
	_ =	sdelay $0x4  }
0x2a1: {  	[tilespmem:s22+$0x1A0] =	vst v0  }
0x2a2: {  	v0 =	vld [tilespmem:s24+$0x330];
	_ =	sdelay $0x4  }
0x2a3: {  	[tilespmem:s22+$0x1B0] =	vst v0  }
0x2a4: {  	v0 =	vld [tilespmem:s24+$0x380];
	_ =	sdelay $0x4  }
0x2a5: {  	[tilespmem:s22+$0x1C0] =	vst v0  }
0x2a6: {  	v0 =	vld [tilespmem:s24+$0x390];
	_ =	sdelay $0x4  }
0x2a7: {  	[tilespmem:s22+$0x1D0] =	vst v0  }
0x2a8: {  	v0 =	vld [tilespmem:s24+$0x3A0];
	_ =	sdelay $0x4  }
0x2a9: {  	[tilespmem:s22+$0x1E0] =	vst v0  }
0x2aa: {  	v0 =	vld [tilespmem:s24+$0x3B0];
	_ =	sdelay $0x4  }
0x2ab: {  	[tilespmem:s22+$0x1F0] =	vst v0  }
0x2ac: {  	v0 =	vld [tilespmem:s24+$0x400];
	_ =	sdelay $0x4  }
0x2ad: {  	[tilespmem:s22+$0x200] =	vst v0  }
0x2ae: {  	v0 =	vld [tilespmem:s24+$0x410];
	_ =	sdelay $0x4  }
0x2af: {  	[tilespmem:s22+$0x210] =	vst v0  }
0x2b0: {  	v0 =	vld [tilespmem:s24+$0x420];
	_ =	sdelay $0x4  }
0x2b1: {  	[tilespmem:s22+$0x220] =	vst v0  }
0x2b2: {  	v0 =	vld [tilespmem:s24+$0x430];
	_ =	sdelay $0x4  }
0x2b3: {  	[tilespmem:s22+$0x230] =	vst v0  }
0x2b4: {  	v0 =	vld [tilespmem:s24+$0x480];
	_ =	sdelay $0x4  }
0x2b5: {  	[tilespmem:s22+$0x240] =	vst v0  }
0x2b6: {  	v0 =	vld [tilespmem:s24+$0x490];
	_ =	sdelay $0x4  }
0x2b7: {  	[tilespmem:s22+$0x250] =	vst v0  }
0x2b8: {  	v0 =	vld [tilespmem:s24+$0x4A0];
	_ =	sdelay $0x4  }
0x2b9: {  	[tilespmem:s22+$0x260] =	vst v0  }
0x2ba: {  	v0 =	vld [tilespmem:s24+$0x4B0]  }
.Ltmp3:
0x2bb: {  	(pc) =	sbr.rel @p1 .LBB2_5-.Ltmp3, $2  }
0x2bc: {  	_ =	sdelay $0x2  }
0x2bd: {  	s24 =	sadd.s32 $0xA00, s24;
	[tilespmem:s22+$0x270] =	vst v0  }
0x2be: {  	s21 =	sadd.s32 s21, s7  }
0x2bf: {  	s21 =	smulhi.u32 $0x51EB851F, s21;
	_ =	sdelay $0x1  }
.Ltmp4:
0x2c0: {  	s21 =	sshrl.u32 s21, $0x6;
	(pc) =	sbr.rel @p0 .LBB2_8-.Ltmp4, $3  }
0x2c1: {  	s21 =	smul.u32 $0x680, s21;
	_ =	sdelay $0x1  }
0x2c2: {  	s21 =	sadd.s32 s5, s21  }
0x2c3: {  	[hbm4b:s21+s2] =	stream.linear.scatter [tilespmem:s16], [sflag:$0x4], $0x3200, $0x38;
	[tilespmem:$0x19400] =	vst v63  }
0x2c4: {  	s21 =	smul.u32 $0x640, s20  }
.Ltmp5:
0x2c5: {  	_ = 	snop;
	(pc) =	sbr.rel .LBB2_2-.Ltmp5, $4  }
0x2c6: {  	_ = 	snop  }
0x2c7: {  	s21 =	sshra.s32 s21, $0x2  }
0x2c8: {  	s20 =	sadd.s32 $0x1, s20;
	s21 =	sadd.s32 $0x258, s21  }
0x2c9: {  	[tilespmem:s12], [sflag:$0x2] =	stream.indirect.gather [hbm4b:s4+s10], $0x80, s21, s10, $0xb8;
	[tilespmem:$0x19400] =	vst v63  }
.LBB2_9:
0x2ca: {  	_ =	sfence.sel $0x180000  }
0x2cb: {  	[bflag:$0x0] =	sbarrier.arrive $0xFFFF  }
0x2cc: {  	p0 =	sne.s32 s0, $0x0;
	_ =	strace $0x90000047  }
0x2cd: {  	s0 =	sadd.s32 @!p0 $0x100000, s1;
	[bflag:$0x2] =	sbarrier.arrive $0xFFFF  }
0x2ce: {  	[sflag:s0] =	ssyncadd.tile.s32 @!p0 $0x1;
	_ =	shalt  }
.Lfunc_end2:
_tile_overlayer_lowered:
.L_overlay_start_2:
0x2cf: {  	(tag) =	ssettag $0x2  }
0x2d0: {  	s0 =	rddreg [dreg:$0x0];
	s2 =	stileid.u32  }
0x2d1: {  	s1 =	rddreg [dreg:$0x1];
	p0 =	sne.s32 s2, $0x0  }
0x2d2: {  	s3 =	rddreg [dreg:$0x2];
	[bflag:$0x3] =	sbarrier.arrive $0xFFFF;
	s2 =	simm.s32 @!p0 $0x1C05  }
0x2d3: {  	[timem:s3], [sflag:s2] =	dma.local @!p0 [hbm:s0], s1  }
0x2d4: {  	s0 =	simm.s32 @!p0 $0x5  }
0x2d5: {  	_ =	swait.ge @!p0 [sflag:s0], s1  }
0x2d6: {  	s1 =	ssub.s32 @!p0 $0x0, s1;
	[sflag:s0] =	ssyncset.done @!p0 $0x0  }
0x2d7: {  	[sflag:s0] =	ssyncadd.s32 @!p0 s1  }
0x2d8: {  	[bflag:$0x3] =	sbarrier.arrive $0xFFFF  }
0x2d9: {  	_ =	shalt  }

</sc_bundles>
